<compile_context>
chip_gen: v7x
topology: tpu7x:2x2x1
jax: 0.10.2.dev20260603
libtpu: 0.0.44.dev20260713+nightly
codegen_flags: <defaults>
</compile_context>

<pallas_src>
import functools

import jax
import jax.numpy as jnp
from jax import lax
from jax.experimental import pallas as pl
from jax.experimental.pallas import tpu as pltpu
from jax.experimental.pallas import tpu_sc as plsc

B = 256
S = 128
HALF = S // 2
L = 16
NT = 16
BPT = B // NT
NCH = HALF // L


def _hsb(g):
    bits = lax.bitcast_convert_type(g.astype(jnp.float32), jnp.int32)
    return (bits >> 23) - 127


@functools.partial(
    pl.kernel,
    out_type=jax.ShapeDtypeStruct((L,), jnp.float32),
    mesh=plsc.VectorSubcoreMesh(
        core_axis_name="c", subcore_axis_name="s", num_cores=1
    ),
    compiler_params=pltpu.CompilerParams(needs_layout_passes=False),
    scratch_types=[
        pltpu.VMEM((BPT * S * 4,), jnp.float32),
        pltpu.VMEM((BPT * S,), jnp.int32),
        pltpu.VMEM((BPT * S,), jnp.int32),
        pltpu.VMEM((BPT * 4 * HALF,), jnp.int32),
        pltpu.VMEM((BPT * HALF,), jnp.int32),
        pltpu.VMEM((3 * L,), jnp.float32),
        pltpu.VMEM_SHARED((NT * 3 * L,), jnp.float32),
        pltpu.VMEM((NT * 3 * L,), jnp.float32),
        pltpu.VMEM((L,), jnp.float32),
        pltpu.SemaphoreType.DMA,
        pltpu.SemaphoreType.DMA,
        pltpu.SemaphoreType.DMA,
    ],
)
def _overlap_loss_sc(boxes_hbm, id_hbm, pid_hbm, out_hbm,
                     boxes_v, ids_v, pids_v, bm_v, last_v, stage_v,
                     shared_sp, red_v, ores_v, sem_i, sem_p, sem_b):
    sid = lax.axis_index("s")
    base = sid * (BPT * S)
    c_ids = pltpu.async_copy(id_hbm.at[pl.ds(base, BPT * S)], ids_v, sem_i)
    c_pids = pltpu.async_copy(pid_hbm.at[pl.ds(base, BPT * S)], pids_v, sem_p)
    c_boxes = pltpu.async_copy(
        boxes_hbm.at[pl.ds(base * 4, BPT * S * 4)], boxes_v, sem_b
    )
    c_ids.wait()

    iota = lax.iota(jnp.int32, L)
    bit = jnp.left_shift(jnp.ones((L,), jnp.int32), iota)
    zero_i = jnp.zeros((L,), jnp.int32)
    zero_f = jnp.zeros((L,), jnp.float32)
    one_f = jnp.ones((L,), jnp.float32)

    def _xyxy(cx, cy, w, h):
        cx = cx * 1440.0
        cy = cy * 2560.0
        w2 = w * 720.0
        h2 = h * 1280.0
        return cx - w2, cy - h2, cx + w2, cy + h2

    def build_body(b, carry):
        row = jnp.full((L,), b * S, jnp.int32)
        bmb = b * (4 * HALF)
        lastb = b * HALF
        bmb_v = jnp.full((L,), bmb, jnp.int32)

        for i in range(4 * HALF // L):
            bm_v[pl.ds(bmb + i * L, L)] = zero_i
        for k in range(NCH):
            col = iota * 2 + (2 * L * k + 1)
            idv = plsc.load_gather(ids_v, [row + col])
            plsc.addupdate_scatter(bm_v, [bmb_v + idv * 4 + k], bit)

        for m in range(NCH):
            v4 = bmb_v + (iota + L * m) * 4
            last = jnp.full((L,), -1, jnp.int32)
            for k in range(NCH):
                g = plsc.load_gather(bm_v, [v4 + k])
                last = jnp.where(g != 0, L * k + _hsb(g), last)
            last_v[pl.ds(lastb + m * L, L)] = last
        return carry

    def iou_body(b, carry):
        iou_accs, leg_accs, pres_accs = carry
        row = jnp.full((L,), b * S, jnp.int32)
        brow4 = jnp.full((L,), b * (S * 4) + 4, jnp.int32)
        lastb = b * HALF
        lastb_v = jnp.full((L,), lastb, jnp.int32)
        iou_accs, leg_accs, pres_accs = list(iou_accs), list(leg_accs), list(pres_accs)

        for m in range(NCH):
            iou_acc, leg_acc, pres_acc = iou_accs[m], leg_accs[m], pres_accs[m]
            last = last_v[pl.ds(lastb + m * L, L)]
            present = last >= 0
            t = jnp.maximum(last, 0)
            col_t = t * 2 + 1
            pv = plsc.load_gather(pids_v, [row + col_t])
            plast = plsc.load_gather(last_v, [lastb_v + pv])
            pidx = jnp.where(plast >= 0, plast, pv)

            bt = brow4 + (t << 3)
            bp = brow4 + (pidx << 3)
            b1x1, b1y1, b1x2, b1y2 = _xyxy(
                plsc.load_gather(boxes_v, [bt]),
                plsc.load_gather(boxes_v, [bt + 1]),
                plsc.load_gather(boxes_v, [bt + 2]),
                plsc.load_gather(boxes_v, [bt + 3]),
            )
            b2x1, b2y1, b2x2, b2y2 = _xyxy(
                plsc.load_gather(boxes_v, [bp]),
                plsc.load_gather(boxes_v, [bp + 1]),
                plsc.load_gather(boxes_v, [bp + 2]),
                plsc.load_gather(boxes_v, [bp + 3]),
            )

            xl = jnp.maximum(b1x1, b2x1)
            yt = jnp.maximum(b1y1, b2y1)
            xr = jnp.minimum(b1x2, b2x2)
            yb = jnp.minimum(b1y2, b2y2)
            if m == 0:
                sel = present & (iota != 0)
            else:
                sel = present
            legal = (xr >= xl) & (yb >= yt) & sel
            inter = (xr - xl) * (yb - yt)
            a1 = (b1x2 - b1x1) * (b1y2 - b1y1)
            iou = jnp.where(legal, inter / jnp.where(legal, a1, one_f), zero_f)

            iou_accs[m] = iou_acc + iou
            leg_accs[m] = leg_acc + jnp.where(legal, one_f, zero_f)
            pres_accs[m] = pres_acc + jnp.where(present, one_f, zero_f)
        return tuple(iou_accs), tuple(leg_accs), tuple(pres_accs)

    plsc.parallel_loop(0, BPT, 1, unroll=2)(lambda b: build_body(b, None))
    c_pids.wait()
    c_boxes.wait()
    zeros4 = (zero_f, zero_f, zero_f, zero_f)
    iou_accs, leg_accs, pres_accs = plsc.parallel_loop(
        0, BPT, 1, unroll=2, carry=(zeros4, zeros4, zeros4)
    )(iou_body)
    iou_acc = (iou_accs[0] + iou_accs[1]) + (iou_accs[2] + iou_accs[3])
    leg_acc = (leg_accs[0] + leg_accs[1]) + (leg_accs[2] + leg_accs[3])
    pres_acc = (pres_accs[0] + pres_accs[1]) + (pres_accs[2] + pres_accs[3])

    stage_v[pl.ds(0, L)] = iou_acc
    stage_v[pl.ds(L, L)] = leg_acc
    stage_v[pl.ds(2 * L, L)] = pres_acc
    pltpu.sync_copy(stage_v, shared_sp.at[pl.ds(sid * (3 * L), 3 * L)])
    plsc.subcore_barrier()

    @pl.when(sid == 0)
    def _finish():
        pltpu.sync_copy(shared_sp, red_v)
        iou_t = zero_f
        leg_t = zero_f
        pres_t = zero_f
        for w in range(NT):
            iou_t = iou_t + red_v[pl.ds(w * 3 * L, L)]
            leg_t = leg_t + red_v[pl.ds(w * 3 * L + L, L)]
            pres_t = pres_t + red_v[pl.ds(w * 3 * L + 2 * L, L)]
        s_iou = jnp.full((L,), jnp.sum(iou_t), jnp.float32)
        s_leg = jnp.full((L,), jnp.sum(leg_t), jnp.float32)
        s_pres = jnp.full((L,), jnp.sum(pres_t), jnp.float32)
        avg = s_iou / jnp.maximum(s_leg, one_f)
        ok = (s_leg > zero_f) & (avg >= zero_f) & (avg <= one_f)
        ores_v[...] = s_pres - jnp.where(ok, s_iou, zero_f)
        pltpu.sync_copy(ores_v, out_hbm)


def kernel(pred_boxes, id, parent_id, type_id):
    del type_id
    out = _overlap_loss_sc(
        pred_boxes.reshape(-1),
        id.astype(jnp.int32).reshape(-1),
        parent_id.astype(jnp.int32).reshape(-1),
    )
    return out[0]

# --- scband reference (transcript-rebuilt; emitter-appended) ---
"""Pipeline reference for scband-overlap-loss-63110249447560 (READ-ONLY COPY).

The authoritative reference and input builder live on the scoring server;
editing this copy changes nothing except your own understanding.
"""

import jax, jax.numpy as jnp
import numpy as np

B = 256
S = 128


def setup_inputs(seed: int = 0) -> dict:
    key = jax.random.key(seed)
    k1, k2, k3, k4 = jax.random.split(key, 4)
    pred_boxes = jax.random.uniform(k1, (B, S, 4), dtype=jnp.float32)
    id_ = jax.random.randint(k2, (B, S), 0, S // 2).astype(jnp.int32)
    parent_id = jax.random.randint(k3, (B, S), 0, S // 2).astype(jnp.int32)
    type_id = jax.random.randint(k4, (B, S), 0, 8).astype(jnp.int32)
    return {"pred_boxes": pred_boxes, "id": id_, "parent_id": parent_id, "type_id": type_id}


def _xcycwh2xyxy(boxes):
    cx = boxes[:, 0] * 1440.0
    cy = boxes[:, 1] * 2560.0
    w = boxes[:, 2] * 1440.0
    h = boxes[:, 3] * 2560.0
    return jnp.stack([cx - w / 2.0, cy - h / 2.0, cx + w / 2.0, cy + h / 2.0], axis=1)


def _masked_iou_sum(bb1, bb2, sel_mask):
    # Faithful (masked, fixed-shape) version of OverlapLoss.get_iou applied to the
    # rows selected by sel_mask (torch code boolean-indexes before calling get_iou;
    # masking + sum is the same math).
    x_left = jnp.maximum(bb1[:, 0], bb2[:, 0])
    y_top = jnp.maximum(bb1[:, 1], bb2[:, 1])
    x_right = jnp.minimum(bb1[:, 2], bb2[:, 2])
    y_bottom = jnp.minimum(bb1[:, 3], bb2[:, 3])
    legal = (x_right >= x_left) & (y_bottom >= y_top) & sel_mask
    inter = (x_right - x_left) * (y_bottom - y_top)
    bb1_area = (bb1[:, 2] - bb1[:, 0]) * (bb1[:, 3] - bb1[:, 1])
    iou = jnp.where(legal, inter / jnp.where(legal, bb1_area, 1.0), 0.0)
    legal_num = jnp.sum(legal)
    iou_sum = jnp.sum(iou)
    avg = iou_sum / jnp.maximum(legal_num, 1).astype(iou_sum.dtype)
    ok = (legal_num > 0) & (avg >= 0.0) & (avg <= 1.0)
    return jnp.where(ok, iou_sum, jnp.zeros_like(iou_sum))


def reference(pred_boxes, id, parent_id, type_id):
    Bq, Sq = id.shape
    half = Sq // 2
    pred = pred_boxes.reshape(-1, 4)[1::2]
    type_id = type_id[1::2]  # unused downstream, kept for fidelity
    offsets = jnp.repeat(jnp.arange(Bq, dtype=jnp.int32) * half, Sq).reshape(Bq, Sq)
    ids = (id.astype(jnp.int32) + offsets).reshape(-1)[1::2]
    pids = (parent_id.astype(jnp.int32) + offsets).reshape(-1)[1::2]
    boxes_xyxy = _xcycwh2xyxy(pred)
    n = ids.shape[0]
    # last occurrence position of each value in ids (values live in [0, n))
    last_idx = jnp.full((n,), -1, dtype=jnp.int32).at[ids].max(jnp.arange(n, dtype=jnp.int32))
    all_vals = jnp.arange(n, dtype=jnp.int32)
    present = last_idx >= 0
    test = jnp.where(present, last_idx, 0)             # last position of each candidate id
    unique_types_parent = pids[test]
    pred_sel = boxes_xyxy[test]                        # == pred_boxes_xyxy[unique_id] in torch
    parent_pos = last_idx[unique_types_parent]
    # torch loop only overwrites rows whose parent value appears in ids;
    # otherwise unique_id keeps the cloned parent value itself
    parent_idx = jnp.where(parent_pos >= 0, parent_pos, unique_types_parent)
    target_sel = boxes_xyxy[parent_idx]
    sel_mask = ((all_vals % half) != 0) & present
    total_iou = _masked_iou_sum(pred_sel, target_sel, sel_mask)
    # reduction == 'sum': len(target_boxes_xyxy) - total_iou
    return jnp.sum(present).astype(total_iou.dtype) - total_iou

if __name__ == "__main__":
    import jax
    _d = setup_inputs()
    print(jax.jit(kernel)(*tuple(_d.values())))

</pallas_src>

<mosaic_0001>
#map = affine_map<(d0, d1) -> (0)>
module attributes {stable_mosaic.version = 14 : i64} {
  func.func @_overlap_loss_sc(%arg0: i32, %arg1: i32, %arg2: memref<131072xf32, #tpu.memory_space<hbm>>, %arg3: memref<32768xi32, #tpu.memory_space<hbm>>, %arg4: memref<32768xi32, #tpu.memory_space<hbm>>, %arg5: memref<16xf32, #tpu.memory_space<hbm>>, %arg6: memref<8192xf32, #tpu.memory_space<vmem>>, %arg7: memref<2048xi32, #tpu.memory_space<vmem>>, %arg8: memref<2048xi32, #tpu.memory_space<vmem>>, %arg9: memref<4096xi32, #tpu.memory_space<vmem>>, %arg10: memref<1024xi32, #tpu.memory_space<vmem>>, %arg11: memref<48xf32, #tpu.memory_space<vmem>>, %arg12: memref<768xf32, #tpu.memory_space<vmem_shared>>, %arg13: memref<768xf32, #tpu.memory_space<vmem>>, %arg14: memref<16xf32, #tpu.memory_space<vmem>>, %arg15: memref<!tpu.dma_semaphore, #tpu.memory_space<semaphore_mem>>, %arg16: memref<!tpu.dma_semaphore, #tpu.memory_space<semaphore_mem>>, %arg17: memref<!tpu.dma_semaphore, #tpu.memory_space<semaphore_mem>>) attributes {dimension_semantics = [#tpu.dimension_semantics<core_parallel>, #tpu.dimension_semantics<subcore_parallel>], iteration_bounds = array<i64: 1, 16>, scalar_prefetch = 0 : i64, scratch_operands = 12 : i64, tpu.core_type = #tpu.core_type<sc_vector_subcore>, window_params = [{transform_indices = #map}, {transform_indices = #map}, {transform_indices = #map}, {transform_indices = #map}]} {
    %mul3A = arith.constant 2048 : i32
    %mul3A_0 = arith.muli %arg1, %mul3A : i32
    %dma_start3A = tpu.memref_slice %arg3[%mul3A_0] : memref<32768xi32, #tpu.memory_space<hbm>> -> memref<2048xi32, #tpu.memory_space<hbm>>
    %dma_start3A_1 = tpu.memref_slice %arg3[%mul3A_0] : memref<32768xi32, #tpu.memory_space<hbm>> -> memref<2048xi32, #tpu.memory_space<hbm>>
    tpu.enqueue_dma source(%dma_start3A_1 : memref<2048xi32, #tpu.memory_space<hbm>>) target(%arg7 : memref<2048xi32, #tpu.memory_space<vmem>>) target_semaphore(%arg15 : memref<!tpu.dma_semaphore, #tpu.memory_space<semaphore_mem>>)
    %dma_start3A_2 = tpu.memref_slice %arg4[%mul3A_0] : memref<32768xi32, #tpu.memory_space<hbm>> -> memref<2048xi32, #tpu.memory_space<hbm>>
    %dma_start3A_3 = tpu.memref_slice %arg4[%mul3A_0] : memref<32768xi32, #tpu.memory_space<hbm>> -> memref<2048xi32, #tpu.memory_space<hbm>>
    tpu.enqueue_dma source(%dma_start3A_3 : memref<2048xi32, #tpu.memory_space<hbm>>) target(%arg8 : memref<2048xi32, #tpu.memory_space<vmem>>) target_semaphore(%arg16 : memref<!tpu.dma_semaphore, #tpu.memory_space<semaphore_mem>>)
    %mul3A_4 = arith.constant 4 : i32
    %mul3A_5 = arith.muli %mul3A_0, %mul3A_4 : i32
    %dma_start3A_6 = tpu.memref_slice %arg2[%mul3A_5] : memref<131072xf32, #tpu.memory_space<hbm>> -> memref<8192xf32, #tpu.memory_space<hbm>>
    %dma_start3A_7 = tpu.memref_slice %arg2[%mul3A_5] : memref<131072xf32, #tpu.memory_space<hbm>> -> memref<8192xf32, #tpu.memory_space<hbm>>
    tpu.enqueue_dma source(%dma_start3A_7 : memref<8192xf32, #tpu.memory_space<hbm>>) target(%arg6 : memref<8192xf32, #tpu.memory_space<vmem>>) target_semaphore(%arg17 : memref<!tpu.dma_semaphore, #tpu.memory_space<semaphore_mem>>)
    %dma_wait3A = tpu.memref_slice %arg3[%mul3A_0] : memref<32768xi32, #tpu.memory_space<hbm>> -> memref<2048xi32, #tpu.memory_space<hbm>>
    %dma_wait3A_8 = tpu.memref_slice %arg3[%mul3A_0] : memref<32768xi32, #tpu.memory_space<hbm>> -> memref<2048xi32, #tpu.memory_space<hbm>>
    tpu.wait_dma2 semaphore(%arg15 : memref<!tpu.dma_semaphore, #tpu.memory_space<semaphore_mem>>) src(%dma_wait3A_8 : memref<2048xi32, #tpu.memory_space<hbm>>) dst(%arg7 : memref<2048xi32, #tpu.memory_space<vmem>>)
    %iota3A = tpu.iota {dimensions = array<i32: 0>} : vector<16xi32>
    %broadcast_in_dim3A = arith.constant 1 : i32
    %broadcast_in_dim3A_9 = vector.broadcast %broadcast_in_dim3A : i32 to vector<16xi32>
    %shift_left3A = arith.shli %broadcast_in_dim3A_9, %iota3A : vector<16xi32>
    %broadcast_in_dim3A_10 = arith.constant 0 : i32
    %broadcast_in_dim3A_11 = vector.broadcast %broadcast_in_dim3A_10 : i32 to vector<16xi32>
    %broadcast_in_dim3A_12 = arith.constant 0.000000e+00 : f32
    %broadcast_in_dim3A_13 = vector.broadcast %broadcast_in_dim3A_12 : f32 to vector<16xf32>
    %broadcast_in_dim3A_14 = arith.constant 1.000000e+00 : f32
    %broadcast_in_dim3A_15 = vector.broadcast %broadcast_in_dim3A_14 : f32 to vector<16xf32>
    %parallel_loop3A = arith.constant 0 : i32
    %parallel_loop3A_16 = arith.constant 16 : i32
    %parallel_loop3A_17 = arith.constant 1 : i32
    scf.for %parallel_loop3A_43 = %parallel_loop3A to %parallel_loop3A_16 step %parallel_loop3A_17  : i32 {
      %parallel_loop3A_44 = arith.constant 128 : i32
      %parallel_loop3A_45 = arith.muli %parallel_loop3A_43, %parallel_loop3A_44 : i32
      %parallel_loop3A_46 = vector.broadcast %parallel_loop3A_45 : i32 to vector<16xi32>
      %parallel_loop3A_47 = arith.constant 256 : i32
      %parallel_loop3A_48 = arith.muli %parallel_loop3A_43, %parallel_loop3A_47 : i32
      %parallel_loop3A_49 = arith.constant 64 : i32
      %parallel_loop3A_50 = arith.muli %parallel_loop3A_43, %parallel_loop3A_49 : i32
      %parallel_loop3A_51 = vector.broadcast %parallel_loop3A_48 : i32 to vector<16xi32>
      %parallel_loop3A_52 = arith.constant 0 : i32
      %parallel_loop3A_53 = arith.addi %parallel_loop3A_48, %parallel_loop3A_52 : i32
      %parallel_loop3A_54 = arith.index_cast %parallel_loop3A_53 : i32 to index
      %parallel_loop3A_55 = tpu.vector_load %arg9[%parallel_loop3A_54] {strides = array<i32>} : memref<4096xi32, #tpu.memory_space<vmem>>, vector<16xi32>,
      tpu.vector_store %arg9[%parallel_loop3A_54], %broadcast_in_dim3A_11 {strides = array<i32>} : memref<4096xi32, #tpu.memory_space<vmem>>, vector<16xi32>,
      %parallel_loop3A_56 = arith.constant 16 : i32
      %parallel_loop3A_57 = arith.addi %parallel_loop3A_48, %parallel_loop3A_56 : i32
      %parallel_loop3A_58 = arith.index_cast %parallel_loop3A_57 : i32 to index
      %parallel_loop3A_59 = tpu.vector_load %arg9[%parallel_loop3A_58] {strides = array<i32>} : memref<4096xi32, #tpu.memory_space<vmem>>, vector<16xi32>,
      tpu.vector_store %arg9[%parallel_loop3A_58], %broadcast_in_dim3A_11 {strides = array<i32>} : memref<4096xi32, #tpu.memory_space<vmem>>, vector<16xi32>,
      %parallel_loop3A_60 = arith.constant 32 : i32
      %parallel_loop3A_61 = arith.addi %parallel_loop3A_48, %parallel_loop3A_60 : i32
      %parallel_loop3A_62 = arith.index_cast %parallel_loop3A_61 : i32 to index
      %parallel_loop3A_63 = tpu.vector_load %arg9[%parallel_loop3A_62] {strides = array<i32>} : memref<4096xi32, #tpu.memory_space<vmem>>, vector<16xi32>,
      tpu.vector_store %arg9[%parallel_loop3A_62], %broadcast_in_dim3A_11 {strides = array<i32>} : memref<4096xi32, #tpu.memory_space<vmem>>, vector<16xi32>,
      %parallel_loop3A_64 = arith.constant 48 : i32
      %parallel_loop3A_65 = arith.addi %parallel_loop3A_48, %parallel_loop3A_64 : i32
      %parallel_loop3A_66 = arith.index_cast %parallel_loop3A_65 : i32 to index
      %parallel_loop3A_67 = tpu.vector_load %arg9[%parallel_loop3A_66] {strides = array<i32>} : memref<4096xi32, #tpu.memory_space<vmem>>, vector<16xi32>,
      tpu.vector_store %arg9[%parallel_loop3A_66], %broadcast_in_dim3A_11 {strides = array<i32>} : memref<4096xi32, #tpu.memory_space<vmem>>, vector<16xi32>,
      %parallel_loop3A_68 = arith.constant 64 : i32
      %parallel_loop3A_69 = arith.addi %parallel_loop3A_48, %parallel_loop3A_68 : i32
      %parallel_loop3A_70 = arith.index_cast %parallel_loop3A_69 : i32 to index
      %parallel_loop3A_71 = tpu.vector_load %arg9[%parallel_loop3A_70] {strides = array<i32>} : memref<4096xi32, #tpu.memory_space<vmem>>, vector<16xi32>,
      tpu.vector_store %arg9[%parallel_loop3A_70], %broadcast_in_dim3A_11 {strides = array<i32>} : memref<4096xi32, #tpu.memory_space<vmem>>, vector<16xi32>,
      %parallel_loop3A_72 = arith.constant 80 : i32
      %parallel_loop3A_73 = arith.addi %parallel_loop3A_48, %parallel_loop3A_72 : i32
      %parallel_loop3A_74 = arith.index_cast %parallel_loop3A_73 : i32 to index
      %parallel_loop3A_75 = tpu.vector_load %arg9[%parallel_loop3A_74] {strides = array<i32>} : memref<4096xi32, #tpu.memory_space<vmem>>, vector<16xi32>,
      tpu.vector_store %arg9[%parallel_loop3A_74], %broadcast_in_dim3A_11 {strides = array<i32>} : memref<4096xi32, #tpu.memory_space<vmem>>, vector<16xi32>,
      %parallel_loop3A_76 = arith.constant 96 : i32
      %parallel_loop3A_77 = arith.addi %parallel_loop3A_48, %parallel_loop3A_76 : i32
      %parallel_loop3A_78 = arith.index_cast %parallel_loop3A_77 : i32 to index
      %parallel_loop3A_79 = tpu.vector_load %arg9[%parallel_loop3A_78] {strides = array<i32>} : memref<4096xi32, #tpu.memory_space<vmem>>, vector<16xi32>,
      tpu.vector_store %arg9[%parallel_loop3A_78], %broadcast_in_dim3A_11 {strides = array<i32>} : memref<4096xi32, #tpu.memory_space<vmem>>, vector<16xi32>,
      %parallel_loop3A_80 = arith.constant 112 : i32
      %parallel_loop3A_81 = arith.addi %parallel_loop3A_48, %parallel_loop3A_80 : i32
      %parallel_loop3A_82 = arith.index_cast %parallel_loop3A_81 : i32 to index
      %parallel_loop3A_83 = tpu.vector_load %arg9[%parallel_loop3A_82] {strides = array<i32>} : memref<4096xi32, #tpu.memory_space<vmem>>, vector<16xi32>,
      tpu.vector_store %arg9[%parallel_loop3A_82], %broadcast_in_dim3A_11 {strides = array<i32>} : memref<4096xi32, #tpu.memory_space<vmem>>, vector<16xi32>,
      %parallel_loop3A_84 = arith.constant 128 : i32
      %parallel_loop3A_85 = arith.addi %parallel_loop3A_48, %parallel_loop3A_84 : i32
      %parallel_loop3A_86 = arith.index_cast %parallel_loop3A_85 : i32 to index
      %parallel_loop3A_87 = tpu.vector_load %arg9[%parallel_loop3A_86] {strides = array<i32>} : memref<4096xi32, #tpu.memory_space<vmem>>, vector<16xi32>,
      tpu.vector_store %arg9[%parallel_loop3A_86], %broadcast_in_dim3A_11 {strides = array<i32>} : memref<4096xi32, #tpu.memory_space<vmem>>, vector<16xi32>,
      %parallel_loop3A_88 = arith.constant 144 : i32
      %parallel_loop3A_89 = arith.addi %parallel_loop3A_48, %parallel_loop3A_88 : i32
      %parallel_loop3A_90 = arith.index_cast %parallel_loop3A_89 : i32 to index
      %parallel_loop3A_91 = tpu.vector_load %arg9[%parallel_loop3A_90] {strides = array<i32>} : memref<4096xi32, #tpu.memory_space<vmem>>, vector<16xi32>,
      tpu.vector_store %arg9[%parallel_loop3A_90], %broadcast_in_dim3A_11 {strides = array<i32>} : memref<4096xi32, #tpu.memory_space<vmem>>, vector<16xi32>,
      %parallel_loop3A_92 = arith.constant 160 : i32
      %parallel_loop3A_93 = arith.addi %parallel_loop3A_48, %parallel_loop3A_92 : i32
      %parallel_loop3A_94 = arith.index_cast %parallel_loop3A_93 : i32 to index
      %parallel_loop3A_95 = tpu.vector_load %arg9[%parallel_loop3A_94] {strides = array<i32>} : memref<4096xi32, #tpu.memory_space<vmem>>, vector<16xi32>,
      tpu.vector_store %arg9[%parallel_loop3A_94], %broadcast_in_dim3A_11 {strides = array<i32>} : memref<4096xi32, #tpu.memory_space<vmem>>, vector<16xi32>,
      %parallel_loop3A_96 = arith.constant 176 : i32
      %parallel_loop3A_97 = arith.addi %parallel_loop3A_48, %parallel_loop3A_96 : i32
      %parallel_loop3A_98 = arith.index_cast %parallel_loop3A_97 : i32 to index
      %parallel_loop3A_99 = tpu.vector_load %arg9[%parallel_loop3A_98] {strides = array<i32>} : memref<4096xi32, #tpu.memory_space<vmem>>, vector<16xi32>,
      tpu.vector_store %arg9[%parallel_loop3A_98], %broadcast_in_dim3A_11 {strides = array<i32>} : memref<4096xi32, #tpu.memory_space<vmem>>, vector<16xi32>,
      %parallel_loop3A_100 = arith.constant 192 : i32
      %parallel_loop3A_101 = arith.addi %parallel_loop3A_48, %parallel_loop3A_100 : i32
      %parallel_loop3A_102 = arith.index_cast %parallel_loop3A_101 : i32 to index
      %parallel_loop3A_103 = tpu.vector_load %arg9[%parallel_loop3A_102] {strides = array<i32>} : memref<4096xi32, #tpu.memory_space<vmem>>, vector<16xi32>,
      tpu.vector_store %arg9[%parallel_loop3A_102], %broadcast_in_dim3A_11 {strides = array<i32>} : memref<4096xi32, #tpu.memory_space<vmem>>, vector<16xi32>,
      %parallel_loop3A_104 = arith.constant 208 : i32
      %parallel_loop3A_105 = arith.addi %parallel_loop3A_48, %parallel_loop3A_104 : i32
      %parallel_loop3A_106 = arith.index_cast %parallel_loop3A_105 : i32 to index
      %parallel_loop3A_107 = tpu.vector_load %arg9[%parallel_loop3A_106] {strides = array<i32>} : memref<4096xi32, #tpu.memory_space<vmem>>, vector<16xi32>,
      tpu.vector_store %arg9[%parallel_loop3A_106], %broadcast_in_dim3A_11 {strides = array<i32>} : memref<4096xi32, #tpu.memory_space<vmem>>, vector<16xi32>,
      %parallel_loop3A_108 = arith.constant 224 : i32
      %parallel_loop3A_109 = arith.addi %parallel_loop3A_48, %parallel_loop3A_108 : i32
      %parallel_loop3A_110 = arith.index_cast %parallel_loop3A_109 : i32 to index
      %parallel_loop3A_111 = tpu.vector_load %arg9[%parallel_loop3A_110] {strides = array<i32>} : memref<4096xi32, #tpu.memory_space<vmem>>, vector<16xi32>,
      tpu.vector_store %arg9[%parallel_loop3A_110], %broadcast_in_dim3A_11 {strides = array<i32>} : memref<4096xi32, #tpu.memory_space<vmem>>, vector<16xi32>,
      %parallel_loop3A_112 = arith.constant 240 : i32
      %parallel_loop3A_113 = arith.addi %parallel_loop3A_48, %parallel_loop3A_112 : i32
      %parallel_loop3A_114 = arith.index_cast %parallel_loop3A_113 : i32 to index
      %parallel_loop3A_115 = tpu.vector_load %arg9[%parallel_loop3A_114] {strides = array<i32>} : memref<4096xi32, #tpu.memory_space<vmem>>, vector<16xi32>,
      tpu.vector_store %arg9[%parallel_loop3A_114], %broadcast_in_dim3A_11 {strides = array<i32>} : memref<4096xi32, #tpu.memory_space<vmem>>, vector<16xi32>,
      %parallel_loop3A_116 = arith.constant 2 : i32
      %parallel_loop3A_117 = vector.broadcast %parallel_loop3A_116 : i32 to vector<16xi32>
      %parallel_loop3A_118 = arith.muli %iota3A, %parallel_loop3A_117 : vector<16xi32>
      %parallel_loop3A_119 = arith.constant 1 : i32
      %parallel_loop3A_120 = vector.broadcast %parallel_loop3A_119 : i32 to vector<16xi32>
      %parallel_loop3A_121 = arith.addi %parallel_loop3A_118, %parallel_loop3A_120 : vector<16xi32>
      %parallel_loop3A_122 = arith.addi %parallel_loop3A_46, %parallel_loop3A_121 : vector<16xi32>
      %parallel_loop3A_123 = tpu.vector_load_idx %arg7[%parallel_loop3A_122] : memref<2048xi32, #tpu.memory_space<vmem>>[vector<16xi32>], vector<16xi32>,
      %parallel_loop3A_124 = arith.constant 4 : i32
      %parallel_loop3A_125 = vector.broadcast %parallel_loop3A_124 : i32 to vector<16xi32>
      %parallel_loop3A_126 = arith.muli %parallel_loop3A_123, %parallel_loop3A_125 : vector<16xi32>
      %parallel_loop3A_127 = arith.addi %parallel_loop3A_51, %parallel_loop3A_126 : vector<16xi32>
      %parallel_loop3A_128 = arith.constant 0 : i32
      %parallel_loop3A_129 = vector.broadcast %parallel_loop3A_128 : i32 to vector<16xi32>
      %parallel_loop3A_130 = arith.addi %parallel_loop3A_127, %parallel_loop3A_129 : vector<16xi32>
      tpu.vector_store_idx %arg9[%parallel_loop3A_130], %shift_left3A {add = true} : memref<4096xi32, #tpu.memory_space<vmem>>[vector<16xi32>], vector<16xi32>,
      %parallel_loop3A_131 = arith.constant 2 : i32
      %parallel_loop3A_132 = vector.broadcast %parallel_loop3A_131 : i32 to vector<16xi32>
      %parallel_loop3A_133 = arith.muli %iota3A, %parallel_loop3A_132 : vector<16xi32>
      %parallel_loop3A_134 = arith.constant 33 : i32
      %parallel_loop3A_135 = vector.broadcast %parallel_loop3A_134 : i32 to vector<16xi32>
      %parallel_loop3A_136 = arith.addi %parallel_loop3A_133, %parallel_loop3A_135 : vector<16xi32>
      %parallel_loop3A_137 = arith.addi %parallel_loop3A_46, %parallel_loop3A_136 : vector<16xi32>
      %parallel_loop3A_138 = tpu.vector_load_idx %arg7[%parallel_loop3A_137] : memref<2048xi32, #tpu.memory_space<vmem>>[vector<16xi32>], vector<16xi32>,
      %parallel_loop3A_139 = arith.constant 4 : i32
      %parallel_loop3A_140 = vector.broadcast %parallel_loop3A_139 : i32 to vector<16xi32>
      %parallel_loop3A_141 = arith.muli %parallel_loop3A_138, %parallel_loop3A_140 : vector<16xi32>
      %parallel_loop3A_142 = arith.addi %parallel_loop3A_51, %parallel_loop3A_141 : vector<16xi32>
      %parallel_loop3A_143 = arith.constant 1 : i32
      %parallel_loop3A_144 = vector.broadcast %parallel_loop3A_143 : i32 to vector<16xi32>
      %parallel_loop3A_145 = arith.addi %parallel_loop3A_142, %parallel_loop3A_144 : vector<16xi32>
      tpu.vector_store_idx %arg9[%parallel_loop3A_145], %shift_left3A {add = true} : memref<4096xi32, #tpu.memory_space<vmem>>[vector<16xi32>], vector<16xi32>,
      %parallel_loop3A_146 = arith.constant 2 : i32
      %parallel_loop3A_147 = vector.broadcast %parallel_loop3A_146 : i32 to vector<16xi32>
      %parallel_loop3A_148 = arith.muli %iota3A, %parallel_loop3A_147 : vector<16xi32>
      %parallel_loop3A_149 = arith.constant 65 : i32
      %parallel_loop3A_150 = vector.broadcast %parallel_loop3A_149 : i32 to vector<16xi32>
      %parallel_loop3A_151 = arith.addi %parallel_loop3A_148, %parallel_loop3A_150 : vector<16xi32>
      %parallel_loop3A_152 = arith.addi %parallel_loop3A_46, %parallel_loop3A_151 : vector<16xi32>
      %parallel_loop3A_153 = tpu.vector_load_idx %arg7[%parallel_loop3A_152] : memref<2048xi32, #tpu.memory_space<vmem>>[vector<16xi32>], vector<16xi32>,
      %parallel_loop3A_154 = arith.constant 4 : i32
      %parallel_loop3A_155 = vector.broadcast %parallel_loop3A_154 : i32 to vector<16xi32>
      %parallel_loop3A_156 = arith.muli %parallel_loop3A_153, %parallel_loop3A_155 : vector<16xi32>
      %parallel_loop3A_157 = arith.addi %parallel_loop3A_51, %parallel_loop3A_156 : vector<16xi32>
      %parallel_loop3A_158 = arith.constant 2 : i32
      %parallel_loop3A_159 = vector.broadcast %parallel_loop3A_158 : i32 to vector<16xi32>
      %parallel_loop3A_160 = arith.addi %parallel_loop3A_157, %parallel_loop3A_159 : vector<16xi32>
      tpu.vector_store_idx %arg9[%parallel_loop3A_160], %shift_left3A {add = true} : memref<4096xi32, #tpu.memory_space<vmem>>[vector<16xi32>], vector<16xi32>,
      %parallel_loop3A_161 = arith.constant 2 : i32
      %parallel_loop3A_162 = vector.broadcast %parallel_loop3A_161 : i32 to vector<16xi32>
      %parallel_loop3A_163 = arith.muli %iota3A, %parallel_loop3A_162 : vector<16xi32>
      %parallel_loop3A_164 = arith.constant 97 : i32
      %parallel_loop3A_165 = vector.broadcast %parallel_loop3A_164 : i32 to vector<16xi32>
      %parallel_loop3A_166 = arith.addi %parallel_loop3A_163, %parallel_loop3A_165 : vector<16xi32>
      %parallel_loop3A_167 = arith.addi %parallel_loop3A_46, %parallel_loop3A_166 : vector<16xi32>
      %parallel_loop3A_168 = tpu.vector_load_idx %arg7[%parallel_loop3A_167] : memref<2048xi32, #tpu.memory_space<vmem>>[vector<16xi32>], vector<16xi32>,
      %parallel_loop3A_169 = arith.constant 4 : i32
      %parallel_loop3A_170 = vector.broadcast %parallel_loop3A_169 : i32 to vector<16xi32>
      %parallel_loop3A_171 = arith.muli %parallel_loop3A_168, %parallel_loop3A_170 : vector<16xi32>
      %parallel_loop3A_172 = arith.addi %parallel_loop3A_51, %parallel_loop3A_171 : vector<16xi32>
      %parallel_loop3A_173 = arith.constant 3 : i32
      %parallel_loop3A_174 = vector.broadcast %parallel_loop3A_173 : i32 to vector<16xi32>
      %parallel_loop3A_175 = arith.addi %parallel_loop3A_172, %parallel_loop3A_174 : vector<16xi32>
      tpu.vector_store_idx %arg9[%parallel_loop3A_175], %shift_left3A {add = true} : memref<4096xi32, #tpu.memory_space<vmem>>[vector<16xi32>], vector<16xi32>,
      %parallel_loop3A_176 = arith.constant 0 : i32
      %parallel_loop3A_177 = vector.broadcast %parallel_loop3A_176 : i32 to vector<16xi32>
      %parallel_loop3A_178 = arith.addi %iota3A, %parallel_loop3A_177 : vector<16xi32>
      %parallel_loop3A_179 = arith.constant 4 : i32
      %parallel_loop3A_180 = vector.broadcast %parallel_loop3A_179 : i32 to vector<16xi32>
      %parallel_loop3A_181 = arith.muli %parallel_loop3A_178, %parallel_loop3A_180 : vector<16xi32>
      %parallel_loop3A_182 = arith.addi %parallel_loop3A_51, %parallel_loop3A_181 : vector<16xi32>
      %parallel_loop3A_183 = arith.constant -1 : i32
      %parallel_loop3A_184 = vector.broadcast %parallel_loop3A_183 : i32 to vector<16xi32>
      %parallel_loop3A_185 = arith.constant 0 : i32
      %parallel_loop3A_186 = vector.broadcast %parallel_loop3A_185 : i32 to vector<16xi32>
      %parallel_loop3A_187 = arith.addi %parallel_loop3A_182, %parallel_loop3A_186 : vector<16xi32>
      %parallel_loop3A_188 = tpu.vector_load_idx %arg9[%parallel_loop3A_187] : memref<4096xi32, #tpu.memory_space<vmem>>[vector<16xi32>], vector<16xi32>,
      %parallel_loop3A_189 = arith.constant 0 : i32
      %parallel_loop3A_190 = vector.broadcast %parallel_loop3A_189 : i32 to vector<16xi32>
      %parallel_loop3A_191 = arith.cmpi ne, %parallel_loop3A_188, %parallel_loop3A_190 : vector<16xi32>
      %parallel_loop3A_192 = arith.sitofp %parallel_loop3A_188 : vector<16xi32> to vector<16xf32>
      %parallel_loop3A_193 = tpu.bitcast %parallel_loop3A_192 : vector<16xf32> -> vector<16xi32>
      %parallel_loop3A_194 = arith.constant 23 : i32
      %parallel_loop3A_195 = vector.broadcast %parallel_loop3A_194 : i32 to vector<16xi32>
      %parallel_loop3A_196 = arith.shrsi %parallel_loop3A_193, %parallel_loop3A_195 : vector<16xi32>
      %parallel_loop3A_197 = arith.constant 127 : i32
      %parallel_loop3A_198 = vector.broadcast %parallel_loop3A_197 : i32 to vector<16xi32>
      %parallel_loop3A_199 = arith.subi %parallel_loop3A_196, %parallel_loop3A_198 : vector<16xi32>
      %parallel_loop3A_200 = arith.constant 0 : i32
      %parallel_loop3A_201 = vector.broadcast %parallel_loop3A_200 : i32 to vector<16xi32>
      %parallel_loop3A_202 = arith.addi %parallel_loop3A_201, %parallel_loop3A_199 : vector<16xi32>
      %parallel_loop3A_203 = arith.select %parallel_loop3A_191, %parallel_loop3A_202, %parallel_loop3A_184 : vector<16xi1>, vector<16xi32>
      %parallel_loop3A_204 = arith.constant 1 : i32
      %parallel_loop3A_205 = vector.broadcast %parallel_loop3A_204 : i32 to vector<16xi32>
      %parallel_loop3A_206 = arith.addi %parallel_loop3A_182, %parallel_loop3A_205 : vector<16xi32>
      %parallel_loop3A_207 = tpu.vector_load_idx %arg9[%parallel_loop3A_206] : memref<4096xi32, #tpu.memory_space<vmem>>[vector<16xi32>], vector<16xi32>,
      %parallel_loop3A_208 = arith.constant 0 : i32
      %parallel_loop3A_209 = vector.broadcast %parallel_loop3A_208 : i32 to vector<16xi32>
      %parallel_loop3A_210 = arith.cmpi ne, %parallel_loop3A_207, %parallel_loop3A_209 : vector<16xi32>
      %parallel_loop3A_211 = arith.sitofp %parallel_loop3A_207 : vector<16xi32> to vector<16xf32>
      %parallel_loop3A_212 = tpu.bitcast %parallel_loop3A_211 : vector<16xf32> -> vector<16xi32>
      %parallel_loop3A_213 = arith.constant 23 : i32
      %parallel_loop3A_214 = vector.broadcast %parallel_loop3A_213 : i32 to vector<16xi32>
      %parallel_loop3A_215 = arith.shrsi %parallel_loop3A_212, %parallel_loop3A_214 : vector<16xi32>
      %parallel_loop3A_216 = arith.constant 127 : i32
      %parallel_loop3A_217 = vector.broadcast %parallel_loop3A_216 : i32 to vector<16xi32>
      %parallel_loop3A_218 = arith.subi %parallel_loop3A_215, %parallel_loop3A_217 : vector<16xi32>
      %parallel_loop3A_219 = arith.constant 16 : i32
      %parallel_loop3A_220 = vector.broadcast %parallel_loop3A_219 : i32 to vector<16xi32>
      %parallel_loop3A_221 = arith.addi %parallel_loop3A_220, %parallel_loop3A_218 : vector<16xi32>
      %parallel_loop3A_222 = arith.select %parallel_loop3A_210, %parallel_loop3A_221, %parallel_loop3A_203 : vector<16xi1>, vector<16xi32>
      %parallel_loop3A_223 = arith.constant 2 : i32
      %parallel_loop3A_224 = vector.broadcast %parallel_loop3A_223 : i32 to vector<16xi32>
      %parallel_loop3A_225 = arith.addi %parallel_loop3A_182, %parallel_loop3A_224 : vector<16xi32>
      %parallel_loop3A_226 = tpu.vector_load_idx %arg9[%parallel_loop3A_225] : memref<4096xi32, #tpu.memory_space<vmem>>[vector<16xi32>], vector<16xi32>,
      %parallel_loop3A_227 = arith.constant 0 : i32
      %parallel_loop3A_228 = vector.broadcast %parallel_loop3A_227 : i32 to vector<16xi32>
      %parallel_loop3A_229 = arith.cmpi ne, %parallel_loop3A_226, %parallel_loop3A_228 : vector<16xi32>
      %parallel_loop3A_230 = arith.sitofp %parallel_loop3A_226 : vector<16xi32> to vector<16xf32>
      %parallel_loop3A_231 = tpu.bitcast %parallel_loop3A_230 : vector<16xf32> -> vector<16xi32>
      %parallel_loop3A_232 = arith.constant 23 : i32
      %parallel_loop3A_233 = vector.broadcast %parallel_loop3A_232 : i32 to vector<16xi32>
      %parallel_loop3A_234 = arith.shrsi %parallel_loop3A_231, %parallel_loop3A_233 : vector<16xi32>
      %parallel_loop3A_235 = arith.constant 127 : i32
      %parallel_loop3A_236 = vector.broadcast %parallel_loop3A_235 : i32 to vector<16xi32>
      %parallel_loop3A_237 = arith.subi %parallel_loop3A_234, %parallel_loop3A_236 : vector<16xi32>
      %parallel_loop3A_238 = arith.constant 32 : i32
      %parallel_loop3A_239 = vector.broadcast %parallel_loop3A_238 : i32 to vector<16xi32>
      %parallel_loop3A_240 = arith.addi %parallel_loop3A_239, %parallel_loop3A_237 : vector<16xi32>
      %parallel_loop3A_241 = arith.select %parallel_loop3A_229, %parallel_loop3A_240, %parallel_loop3A_222 : vector<16xi1>, vector<16xi32>
      %parallel_loop3A_242 = arith.constant 3 : i32
      %parallel_loop3A_243 = vector.broadcast %parallel_loop3A_242 : i32 to vector<16xi32>
      %parallel_loop3A_244 = arith.addi %parallel_loop3A_182, %parallel_loop3A_243 : vector<16xi32>
      %parallel_loop3A_245 = tpu.vector_load_idx %arg9[%parallel_loop3A_244] : memref<4096xi32, #tpu.memory_space<vmem>>[vector<16xi32>], vector<16xi32>,
      %parallel_loop3A_246 = arith.constant 0 : i32
      %parallel_loop3A_247 = vector.broadcast %parallel_loop3A_246 : i32 to vector<16xi32>
      %parallel_loop3A_248 = arith.cmpi ne, %parallel_loop3A_245, %parallel_loop3A_247 : vector<16xi32>
      %parallel_loop3A_249 = arith.sitofp %parallel_loop3A_245 : vector<16xi32> to vector<16xf32>
      %parallel_loop3A_250 = tpu.bitcast %parallel_loop3A_249 : vector<16xf32> -> vector<16xi32>
      %parallel_loop3A_251 = arith.constant 23 : i32
      %parallel_loop3A_252 = vector.broadcast %parallel_loop3A_251 : i32 to vector<16xi32>
      %parallel_loop3A_253 = arith.shrsi %parallel_loop3A_250, %parallel_loop3A_252 : vector<16xi32>
      %parallel_loop3A_254 = arith.constant 127 : i32
      %parallel_loop3A_255 = vector.broadcast %parallel_loop3A_254 : i32 to vector<16xi32>
      %parallel_loop3A_256 = arith.subi %parallel_loop3A_253, %parallel_loop3A_255 : vector<16xi32>
      %parallel_loop3A_257 = arith.constant 48 : i32
      %parallel_loop3A_258 = vector.broadcast %parallel_loop3A_257 : i32 to vector<16xi32>
      %parallel_loop3A_259 = arith.addi %parallel_loop3A_258, %parallel_loop3A_256 : vector<16xi32>
      %parallel_loop3A_260 = arith.select %parallel_loop3A_248, %parallel_loop3A_259, %parallel_loop3A_241 : vector<16xi1>, vector<16xi32>
      %parallel_loop3A_261 = arith.constant 0 : i32
      %parallel_loop3A_262 = arith.addi %parallel_loop3A_50, %parallel_loop3A_261 : i32
      %parallel_loop3A_263 = arith.index_cast %parallel_loop3A_262 : i32 to index
      %parallel_loop3A_264 = tpu.vector_load %arg10[%parallel_loop3A_263] {strides = array<i32>} : memref<1024xi32, #tpu.memory_space<vmem>>, vector<16xi32>,
      tpu.vector_store %arg10[%parallel_loop3A_263], %parallel_loop3A_260 {strides = array<i32>} : memref<1024xi32, #tpu.memory_space<vmem>>, vector<16xi32>,
      %parallel_loop3A_265 = arith.constant 16 : i32
      %parallel_loop3A_266 = vector.broadcast %parallel_loop3A_265 : i32 to vector<16xi32>
      %parallel_loop3A_267 = arith.addi %iota3A, %parallel_loop3A_266 : vector<16xi32>
      %parallel_loop3A_268 = arith.constant 4 : i32
      %parallel_loop3A_269 = vector.broadcast %parallel_loop3A_268 : i32 to vector<16xi32>
      %parallel_loop3A_270 = arith.muli %parallel_loop3A_267, %parallel_loop3A_269 : vector<16xi32>
      %parallel_loop3A_271 = arith.addi %parallel_loop3A_51, %parallel_loop3A_270 : vector<16xi32>
      %parallel_loop3A_272 = arith.constant -1 : i32
      %parallel_loop3A_273 = vector.broadcast %parallel_loop3A_272 : i32 to vector<16xi32>
      %parallel_loop3A_274 = arith.constant 0 : i32
      %parallel_loop3A_275 = vector.broadcast %parallel_loop3A_274 : i32 to vector<16xi32>
      %parallel_loop3A_276 = arith.addi %parallel_loop3A_271, %parallel_loop3A_275 : vector<16xi32>
      %parallel_loop3A_277 = tpu.vector_load_idx %arg9[%parallel_loop3A_276] : memref<4096xi32, #tpu.memory_space<vmem>>[vector<16xi32>], vector<16xi32>,
      %parallel_loop3A_278 = arith.constant 0 : i32
      %parallel_loop3A_279 = vector.broadcast %parallel_loop3A_278 : i32 to vector<16xi32>
      %parallel_loop3A_280 = arith.cmpi ne, %parallel_loop3A_277, %parallel_loop3A_279 : vector<16xi32>
      %parallel_loop3A_281 = arith.sitofp %parallel_loop3A_277 : vector<16xi32> to vector<16xf32>
      %parallel_loop3A_282 = tpu.bitcast %parallel_loop3A_281 : vector<16xf32> -> vector<16xi32>
      %parallel_loop3A_283 = arith.constant 23 : i32
      %parallel_loop3A_284 = vector.broadcast %parallel_loop3A_283 : i32 to vector<16xi32>
      %parallel_loop3A_285 = arith.shrsi %parallel_loop3A_282, %parallel_loop3A_284 : vector<16xi32>
      %parallel_loop3A_286 = arith.constant 127 : i32
      %parallel_loop3A_287 = vector.broadcast %parallel_loop3A_286 : i32 to vector<16xi32>
      %parallel_loop3A_288 = arith.subi %parallel_loop3A_285, %parallel_loop3A_287 : vector<16xi32>
      %parallel_loop3A_289 = arith.constant 0 : i32
      %parallel_loop3A_290 = vector.broadcast %parallel_loop3A_289 : i32 to vector<16xi32>
      %parallel_loop3A_291 = arith.addi %parallel_loop3A_290, %parallel_loop3A_288 : vector<16xi32>
      %parallel_loop3A_292 = arith.select %parallel_loop3A_280, %parallel_loop3A_291, %parallel_loop3A_273 : vector<16xi1>, vector<16xi32>
      %parallel_loop3A_293 = arith.constant 1 : i32
      %parallel_loop3A_294 = vector.broadcast %parallel_loop3A_293 : i32 to vector<16xi32>
      %parallel_loop3A_295 = arith.addi %parallel_loop3A_271, %parallel_loop3A_294 : vector<16xi32>
      %parallel_loop3A_296 = tpu.vector_load_idx %arg9[%parallel_loop3A_295] : memref<4096xi32, #tpu.memory_space<vmem>>[vector<16xi32>], vector<16xi32>,
      %parallel_loop3A_297 = arith.constant 0 : i32
      %parallel_loop3A_298 = vector.broadcast %parallel_loop3A_297 : i32 to vector<16xi32>
      %parallel_loop3A_299 = arith.cmpi ne, %parallel_loop3A_296, %parallel_loop3A_298 : vector<16xi32>
      %parallel_loop3A_300 = arith.sitofp %parallel_loop3A_296 : vector<16xi32> to vector<16xf32>
      %parallel_loop3A_301 = tpu.bitcast %parallel_loop3A_300 : vector<16xf32> -> vector<16xi32>
      %parallel_loop3A_302 = arith.constant 23 : i32
      %parallel_loop3A_303 = vector.broadcast %parallel_loop3A_302 : i32 to vector<16xi32>
      %parallel_loop3A_304 = arith.shrsi %parallel_loop3A_301, %parallel_loop3A_303 : vector<16xi32>
      %parallel_loop3A_305 = arith.constant 127 : i32
      %parallel_loop3A_306 = vector.broadcast %parallel_loop3A_305 : i32 to vector<16xi32>
      %parallel_loop3A_307 = arith.subi %parallel_loop3A_304, %parallel_loop3A_306 : vector<16xi32>
      %parallel_loop3A_308 = arith.constant 16 : i32
      %parallel_loop3A_309 = vector.broadcast %parallel_loop3A_308 : i32 to vector<16xi32>
      %parallel_loop3A_310 = arith.addi %parallel_loop3A_309, %parallel_loop3A_307 : vector<16xi32>
      %parallel_loop3A_311 = arith.select %parallel_loop3A_299, %parallel_loop3A_310, %parallel_loop3A_292 : vector<16xi1>, vector<16xi32>
      %parallel_loop3A_312 = arith.constant 2 : i32
      %parallel_loop3A_313 = vector.broadcast %parallel_loop3A_312 : i32 to vector<16xi32>
      %parallel_loop3A_314 = arith.addi %parallel_loop3A_271, %parallel_loop3A_313 : vector<16xi32>
      %parallel_loop3A_315 = tpu.vector_load_idx %arg9[%parallel_loop3A_314] : memref<4096xi32, #tpu.memory_space<vmem>>[vector<16xi32>], vector<16xi32>,
      %parallel_loop3A_316 = arith.constant 0 : i32
      %parallel_loop3A_317 = vector.broadcast %parallel_loop3A_316 : i32 to vector<16xi32>
      %parallel_loop3A_318 = arith.cmpi ne, %parallel_loop3A_315, %parallel_loop3A_317 : vector<16xi32>
      %parallel_loop3A_319 = arith.sitofp %parallel_loop3A_315 : vector<16xi32> to vector<16xf32>
      %parallel_loop3A_320 = tpu.bitcast %parallel_loop3A_319 : vector<16xf32> -> vector<16xi32>
      %parallel_loop3A_321 = arith.constant 23 : i32
      %parallel_loop3A_322 = vector.broadcast %parallel_loop3A_321 : i32 to vector<16xi32>
      %parallel_loop3A_323 = arith.shrsi %parallel_loop3A_320, %parallel_loop3A_322 : vector<16xi32>
      %parallel_loop3A_324 = arith.constant 127 : i32
      %parallel_loop3A_325 = vector.broadcast %parallel_loop3A_324 : i32 to vector<16xi32>
      %parallel_loop3A_326 = arith.subi %parallel_loop3A_323, %parallel_loop3A_325 : vector<16xi32>
      %parallel_loop3A_327 = arith.constant 32 : i32
      %parallel_loop3A_328 = vector.broadcast %parallel_loop3A_327 : i32 to vector<16xi32>
      %parallel_loop3A_329 = arith.addi %parallel_loop3A_328, %parallel_loop3A_326 : vector<16xi32>
      %parallel_loop3A_330 = arith.select %parallel_loop3A_318, %parallel_loop3A_329, %parallel_loop3A_311 : vector<16xi1>, vector<16xi32>
      %parallel_loop3A_331 = arith.constant 3 : i32
      %parallel_loop3A_332 = vector.broadcast %parallel_loop3A_331 : i32 to vector<16xi32>
      %parallel_loop3A_333 = arith.addi %parallel_loop3A_271, %parallel_loop3A_332 : vector<16xi32>
      %parallel_loop3A_334 = tpu.vector_load_idx %arg9[%parallel_loop3A_333] : memref<4096xi32, #tpu.memory_space<vmem>>[vector<16xi32>], vector<16xi32>,
      %parallel_loop3A_335 = arith.constant 0 : i32
      %parallel_loop3A_336 = vector.broadcast %parallel_loop3A_335 : i32 to vector<16xi32>
      %parallel_loop3A_337 = arith.cmpi ne, %parallel_loop3A_334, %parallel_loop3A_336 : vector<16xi32>
      %parallel_loop3A_338 = arith.sitofp %parallel_loop3A_334 : vector<16xi32> to vector<16xf32>
      %parallel_loop3A_339 = tpu.bitcast %parallel_loop3A_338 : vector<16xf32> -> vector<16xi32>
      %parallel_loop3A_340 = arith.constant 23 : i32
      %parallel_loop3A_341 = vector.broadcast %parallel_loop3A_340 : i32 to vector<16xi32>
      %parallel_loop3A_342 = arith.shrsi %parallel_loop3A_339, %parallel_loop3A_341 : vector<16xi32>
      %parallel_loop3A_343 = arith.constant 127 : i32
      %parallel_loop3A_344 = vector.broadcast %parallel_loop3A_343 : i32 to vector<16xi32>
      %parallel_loop3A_345 = arith.subi %parallel_loop3A_342, %parallel_loop3A_344 : vector<16xi32>
      %parallel_loop3A_346 = arith.constant 48 : i32
      %parallel_loop3A_347 = vector.broadcast %parallel_loop3A_346 : i32 to vector<16xi32>
      %parallel_loop3A_348 = arith.addi %parallel_loop3A_347, %parallel_loop3A_345 : vector<16xi32>
      %parallel_loop3A_349 = arith.select %parallel_loop3A_337, %parallel_loop3A_348, %parallel_loop3A_330 : vector<16xi1>, vector<16xi32>
      %parallel_loop3A_350 = arith.constant 16 : i32
      %parallel_loop3A_351 = arith.addi %parallel_loop3A_50, %parallel_loop3A_350 : i32
      %parallel_loop3A_352 = arith.index_cast %parallel_loop3A_351 : i32 to index
      %parallel_loop3A_353 = tpu.vector_load %arg10[%parallel_loop3A_352] {strides = array<i32>} : memref<1024xi32, #tpu.memory_space<vmem>>, vector<16xi32>,
      tpu.vector_store %arg10[%parallel_loop3A_352], %parallel_loop3A_349 {strides = array<i32>} : memref<1024xi32, #tpu.memory_space<vmem>>, vector<16xi32>,
      %parallel_loop3A_354 = arith.constant 32 : i32
      %parallel_loop3A_355 = vector.broadcast %parallel_loop3A_354 : i32 to vector<16xi32>
      %parallel_loop3A_356 = arith.addi %iota3A, %parallel_loop3A_355 : vector<16xi32>
      %parallel_loop3A_357 = arith.constant 4 : i32
      %parallel_loop3A_358 = vector.broadcast %parallel_loop3A_357 : i32 to vector<16xi32>
      %parallel_loop3A_359 = arith.muli %parallel_loop3A_356, %parallel_loop3A_358 : vector<16xi32>
      %parallel_loop3A_360 = arith.addi %parallel_loop3A_51, %parallel_loop3A_359 : vector<16xi32>
      %parallel_loop3A_361 = arith.constant -1 : i32
      %parallel_loop3A_362 = vector.broadcast %parallel_loop3A_361 : i32 to vector<16xi32>
      %parallel_loop3A_363 = arith.constant 0 : i32
      %parallel_loop3A_364 = vector.broadcast %parallel_loop3A_363 : i32 to vector<16xi32>
      %parallel_loop3A_365 = arith.addi %parallel_loop3A_360, %parallel_loop3A_364 : vector<16xi32>
      %parallel_loop3A_366 = tpu.vector_load_idx %arg9[%parallel_loop3A_365] : memref<4096xi32, #tpu.memory_space<vmem>>[vector<16xi32>], vector<16xi32>,
      %parallel_loop3A_367 = arith.constant 0 : i32
      %parallel_loop3A_368 = vector.broadcast %parallel_loop3A_367 : i32 to vector<16xi32>
      %parallel_loop3A_369 = arith.cmpi ne, %parallel_loop3A_366, %parallel_loop3A_368 : vector<16xi32>
      %parallel_loop3A_370 = arith.sitofp %parallel_loop3A_366 : vector<16xi32> to vector<16xf32>
      %parallel_loop3A_371 = tpu.bitcast %parallel_loop3A_370 : vector<16xf32> -> vector<16xi32>
      %parallel_loop3A_372 = arith.constant 23 : i32
      %parallel_loop3A_373 = vector.broadcast %parallel_loop3A_372 : i32 to vector<16xi32>
      %parallel_loop3A_374 = arith.shrsi %parallel_loop3A_371, %parallel_loop3A_373 : vector<16xi32>
      %parallel_loop3A_375 = arith.constant 127 : i32
      %parallel_loop3A_376 = vector.broadcast %parallel_loop3A_375 : i32 to vector<16xi32>
      %parallel_loop3A_377 = arith.subi %parallel_loop3A_374, %parallel_loop3A_376 : vector<16xi32>
      %parallel_loop3A_378 = arith.constant 0 : i32
      %parallel_loop3A_379 = vector.broadcast %parallel_loop3A_378 : i32 to vector<16xi32>
      %parallel_loop3A_380 = arith.addi %parallel_loop3A_379, %parallel_loop3A_377 : vector<16xi32>
      %parallel_loop3A_381 = arith.select %parallel_loop3A_369, %parallel_loop3A_380, %parallel_loop3A_362 : vector<16xi1>, vector<16xi32>
      %parallel_loop3A_382 = arith.constant 1 : i32
      %parallel_loop3A_383 = vector.broadcast %parallel_loop3A_382 : i32 to vector<16xi32>
      %parallel_loop3A_384 = arith.addi %parallel_loop3A_360, %parallel_loop3A_383 : vector<16xi32>
      %parallel_loop3A_385 = tpu.vector_load_idx %arg9[%parallel_loop3A_384] : memref<4096xi32, #tpu.memory_space<vmem>>[vector<16xi32>], vector<16xi32>,
      %parallel_loop3A_386 = arith.constant 0 : i32
      %parallel_loop3A_387 = vector.broadcast %parallel_loop3A_386 : i32 to vector<16xi32>
      %parallel_loop3A_388 = arith.cmpi ne, %parallel_loop3A_385, %parallel_loop3A_387 : vector<16xi32>
      %parallel_loop3A_389 = arith.sitofp %parallel_loop3A_385 : vector<16xi32> to vector<16xf32>
      %parallel_loop3A_390 = tpu.bitcast %parallel_loop3A_389 : vector<16xf32> -> vector<16xi32>
      %parallel_loop3A_391 = arith.constant 23 : i32
      %parallel_loop3A_392 = vector.broadcast %parallel_loop3A_391 : i32 to vector<16xi32>
      %parallel_loop3A_393 = arith.shrsi %parallel_loop3A_390, %parallel_loop3A_392 : vector<16xi32>
      %parallel_loop3A_394 = arith.constant 127 : i32
      %parallel_loop3A_395 = vector.broadcast %parallel_loop3A_394 : i32 to vector<16xi32>
      %parallel_loop3A_396 = arith.subi %parallel_loop3A_393, %parallel_loop3A_395 : vector<16xi32>
      %parallel_loop3A_397 = arith.constant 16 : i32
      %parallel_loop3A_398 = vector.broadcast %parallel_loop3A_397 : i32 to vector<16xi32>
      %parallel_loop3A_399 = arith.addi %parallel_loop3A_398, %parallel_loop3A_396 : vector<16xi32>
      %parallel_loop3A_400 = arith.select %parallel_loop3A_388, %parallel_loop3A_399, %parallel_loop3A_381 : vector<16xi1>, vector<16xi32>
      %parallel_loop3A_401 = arith.constant 2 : i32
      %parallel_loop3A_402 = vector.broadcast %parallel_loop3A_401 : i32 to vector<16xi32>
      %parallel_loop3A_403 = arith.addi %parallel_loop3A_360, %parallel_loop3A_402 : vector<16xi32>
      %parallel_loop3A_404 = tpu.vector_load_idx %arg9[%parallel_loop3A_403] : memref<4096xi32, #tpu.memory_space<vmem>>[vector<16xi32>], vector<16xi32>,
      %parallel_loop3A_405 = arith.constant 0 : i32
      %parallel_loop3A_406 = vector.broadcast %parallel_loop3A_405 : i32 to vector<16xi32>
      %parallel_loop3A_407 = arith.cmpi ne, %parallel_loop3A_404, %parallel_loop3A_406 : vector<16xi32>
      %parallel_loop3A_408 = arith.sitofp %parallel_loop3A_404 : vector<16xi32> to vector<16xf32>
      %parallel_loop3A_409 = tpu.bitcast %parallel_loop3A_408 : vector<16xf32> -> vector<16xi32>
      %parallel_loop3A_410 = arith.constant 23 : i32
      %parallel_loop3A_411 = vector.broadcast %parallel_loop3A_410 : i32 to vector<16xi32>
      %parallel_loop3A_412 = arith.shrsi %parallel_loop3A_409, %parallel_loop3A_411 : vector<16xi32>
      %parallel_loop3A_413 = arith.constant 127 : i32
      %parallel_loop3A_414 = vector.broadcast %parallel_loop3A_413 : i32 to vector<16xi32>
      %parallel_loop3A_415 = arith.subi %parallel_loop3A_412, %parallel_loop3A_414 : vector<16xi32>
      %parallel_loop3A_416 = arith.constant 32 : i32
      %parallel_loop3A_417 = vector.broadcast %parallel_loop3A_416 : i32 to vector<16xi32>
      %parallel_loop3A_418 = arith.addi %parallel_loop3A_417, %parallel_loop3A_415 : vector<16xi32>
      %parallel_loop3A_419 = arith.select %parallel_loop3A_407, %parallel_loop3A_418, %parallel_loop3A_400 : vector<16xi1>, vector<16xi32>
      %parallel_loop3A_420 = arith.constant 3 : i32
      %parallel_loop3A_421 = vector.broadcast %parallel_loop3A_420 : i32 to vector<16xi32>
      %parallel_loop3A_422 = arith.addi %parallel_loop3A_360, %parallel_loop3A_421 : vector<16xi32>
      %parallel_loop3A_423 = tpu.vector_load_idx %arg9[%parallel_loop3A_422] : memref<4096xi32, #tpu.memory_space<vmem>>[vector<16xi32>], vector<16xi32>,
      %parallel_loop3A_424 = arith.constant 0 : i32
      %parallel_loop3A_425 = vector.broadcast %parallel_loop3A_424 : i32 to vector<16xi32>
      %parallel_loop3A_426 = arith.cmpi ne, %parallel_loop3A_423, %parallel_loop3A_425 : vector<16xi32>
      %parallel_loop3A_427 = arith.sitofp %parallel_loop3A_423 : vector<16xi32> to vector<16xf32>
      %parallel_loop3A_428 = tpu.bitcast %parallel_loop3A_427 : vector<16xf32> -> vector<16xi32>
      %parallel_loop3A_429 = arith.constant 23 : i32
      %parallel_loop3A_430 = vector.broadcast %parallel_loop3A_429 : i32 to vector<16xi32>
      %parallel_loop3A_431 = arith.shrsi %parallel_loop3A_428, %parallel_loop3A_430 : vector<16xi32>
      %parallel_loop3A_432 = arith.constant 127 : i32
      %parallel_loop3A_433 = vector.broadcast %parallel_loop3A_432 : i32 to vector<16xi32>
      %parallel_loop3A_434 = arith.subi %parallel_loop3A_431, %parallel_loop3A_433 : vector<16xi32>
      %parallel_loop3A_435 = arith.constant 48 : i32
      %parallel_loop3A_436 = vector.broadcast %parallel_loop3A_435 : i32 to vector<16xi32>
      %parallel_loop3A_437 = arith.addi %parallel_loop3A_436, %parallel_loop3A_434 : vector<16xi32>
      %parallel_loop3A_438 = arith.select %parallel_loop3A_426, %parallel_loop3A_437, %parallel_loop3A_419 : vector<16xi1>, vector<16xi32>
      %parallel_loop3A_439 = arith.constant 32 : i32
      %parallel_loop3A_440 = arith.addi %parallel_loop3A_50, %parallel_loop3A_439 : i32
      %parallel_loop3A_441 = arith.index_cast %parallel_loop3A_440 : i32 to index
      %parallel_loop3A_442 = tpu.vector_load %arg10[%parallel_loop3A_441] {strides = array<i32>} : memref<1024xi32, #tpu.memory_space<vmem>>, vector<16xi32>,
      tpu.vector_store %arg10[%parallel_loop3A_441], %parallel_loop3A_438 {strides = array<i32>} : memref<1024xi32, #tpu.memory_space<vmem>>, vector<16xi32>,
      %parallel_loop3A_443 = arith.constant 48 : i32
      %parallel_loop3A_444 = vector.broadcast %parallel_loop3A_443 : i32 to vector<16xi32>
      %parallel_loop3A_445 = arith.addi %iota3A, %parallel_loop3A_444 : vector<16xi32>
      %parallel_loop3A_446 = arith.constant 4 : i32
      %parallel_loop3A_447 = vector.broadcast %parallel_loop3A_446 : i32 to vector<16xi32>
      %parallel_loop3A_448 = arith.muli %parallel_loop3A_445, %parallel_loop3A_447 : vector<16xi32>
      %parallel_loop3A_449 = arith.addi %parallel_loop3A_51, %parallel_loop3A_448 : vector<16xi32>
      %parallel_loop3A_450 = arith.constant -1 : i32
      %parallel_loop3A_451 = vector.broadcast %parallel_loop3A_450 : i32 to vector<16xi32>
      %parallel_loop3A_452 = arith.constant 0 : i32
      %parallel_loop3A_453 = vector.broadcast %parallel_loop3A_452 : i32 to vector<16xi32>
      %parallel_loop3A_454 = arith.addi %parallel_loop3A_449, %parallel_loop3A_453 : vector<16xi32>
      %parallel_loop3A_455 = tpu.vector_load_idx %arg9[%parallel_loop3A_454] : memref<4096xi32, #tpu.memory_space<vmem>>[vector<16xi32>], vector<16xi32>,
      %parallel_loop3A_456 = arith.constant 0 : i32
      %parallel_loop3A_457 = vector.broadcast %parallel_loop3A_456 : i32 to vector<16xi32>
      %parallel_loop3A_458 = arith.cmpi ne, %parallel_loop3A_455, %parallel_loop3A_457 : vector<16xi32>
      %parallel_loop3A_459 = arith.sitofp %parallel_loop3A_455 : vector<16xi32> to vector<16xf32>
      %parallel_loop3A_460 = tpu.bitcast %parallel_loop3A_459 : vector<16xf32> -> vector<16xi32>
      %parallel_loop3A_461 = arith.constant 23 : i32
      %parallel_loop3A_462 = vector.broadcast %parallel_loop3A_461 : i32 to vector<16xi32>
      %parallel_loop3A_463 = arith.shrsi %parallel_loop3A_460, %parallel_loop3A_462 : vector<16xi32>
      %parallel_loop3A_464 = arith.constant 127 : i32
      %parallel_loop3A_465 = vector.broadcast %parallel_loop3A_464 : i32 to vector<16xi32>
      %parallel_loop3A_466 = arith.subi %parallel_loop3A_463, %parallel_loop3A_465 : vector<16xi32>
      %parallel_loop3A_467 = arith.constant 0 : i32
      %parallel_loop3A_468 = vector.broadcast %parallel_loop3A_467 : i32 to vector<16xi32>
      %parallel_loop3A_469 = arith.addi %parallel_loop3A_468, %parallel_loop3A_466 : vector<16xi32>
      %parallel_loop3A_470 = arith.select %parallel_loop3A_458, %parallel_loop3A_469, %parallel_loop3A_451 : vector<16xi1>, vector<16xi32>
      %parallel_loop3A_471 = arith.constant 1 : i32
      %parallel_loop3A_472 = vector.broadcast %parallel_loop3A_471 : i32 to vector<16xi32>
      %parallel_loop3A_473 = arith.addi %parallel_loop3A_449, %parallel_loop3A_472 : vector<16xi32>
      %parallel_loop3A_474 = tpu.vector_load_idx %arg9[%parallel_loop3A_473] : memref<4096xi32, #tpu.memory_space<vmem>>[vector<16xi32>], vector<16xi32>,
      %parallel_loop3A_475 = arith.constant 0 : i32
      %parallel_loop3A_476 = vector.broadcast %parallel_loop3A_475 : i32 to vector<16xi32>
      %parallel_loop3A_477 = arith.cmpi ne, %parallel_loop3A_474, %parallel_loop3A_476 : vector<16xi32>
      %parallel_loop3A_478 = arith.sitofp %parallel_loop3A_474 : vector<16xi32> to vector<16xf32>
      %parallel_loop3A_479 = tpu.bitcast %parallel_loop3A_478 : vector<16xf32> -> vector<16xi32>
      %parallel_loop3A_480 = arith.constant 23 : i32
      %parallel_loop3A_481 = vector.broadcast %parallel_loop3A_480 : i32 to vector<16xi32>
      %parallel_loop3A_482 = arith.shrsi %parallel_loop3A_479, %parallel_loop3A_481 : vector<16xi32>
      %parallel_loop3A_483 = arith.constant 127 : i32
      %parallel_loop3A_484 = vector.broadcast %parallel_loop3A_483 : i32 to vector<16xi32>
      %parallel_loop3A_485 = arith.subi %parallel_loop3A_482, %parallel_loop3A_484 : vector<16xi32>
      %parallel_loop3A_486 = arith.constant 16 : i32
      %parallel_loop3A_487 = vector.broadcast %parallel_loop3A_486 : i32 to vector<16xi32>
      %parallel_loop3A_488 = arith.addi %parallel_loop3A_487, %parallel_loop3A_485 : vector<16xi32>
      %parallel_loop3A_489 = arith.select %parallel_loop3A_477, %parallel_loop3A_488, %parallel_loop3A_470 : vector<16xi1>, vector<16xi32>
      %parallel_loop3A_490 = arith.constant 2 : i32
      %parallel_loop3A_491 = vector.broadcast %parallel_loop3A_490 : i32 to vector<16xi32>
      %parallel_loop3A_492 = arith.addi %parallel_loop3A_449, %parallel_loop3A_491 : vector<16xi32>
      %parallel_loop3A_493 = tpu.vector_load_idx %arg9[%parallel_loop3A_492] : memref<4096xi32, #tpu.memory_space<vmem>>[vector<16xi32>], vector<16xi32>,
      %parallel_loop3A_494 = arith.constant 0 : i32
      %parallel_loop3A_495 = vector.broadcast %parallel_loop3A_494 : i32 to vector<16xi32>
      %parallel_loop3A_496 = arith.cmpi ne, %parallel_loop3A_493, %parallel_loop3A_495 : vector<16xi32>
      %parallel_loop3A_497 = arith.sitofp %parallel_loop3A_493 : vector<16xi32> to vector<16xf32>
      %parallel_loop3A_498 = tpu.bitcast %parallel_loop3A_497 : vector<16xf32> -> vector<16xi32>
      %parallel_loop3A_499 = arith.constant 23 : i32
      %parallel_loop3A_500 = vector.broadcast %parallel_loop3A_499 : i32 to vector<16xi32>
      %parallel_loop3A_501 = arith.shrsi %parallel_loop3A_498, %parallel_loop3A_500 : vector<16xi32>
      %parallel_loop3A_502 = arith.constant 127 : i32
      %parallel_loop3A_503 = vector.broadcast %parallel_loop3A_502 : i32 to vector<16xi32>
      %parallel_loop3A_504 = arith.subi %parallel_loop3A_501, %parallel_loop3A_503 : vector<16xi32>
      %parallel_loop3A_505 = arith.constant 32 : i32
      %parallel_loop3A_506 = vector.broadcast %parallel_loop3A_505 : i32 to vector<16xi32>
      %parallel_loop3A_507 = arith.addi %parallel_loop3A_506, %parallel_loop3A_504 : vector<16xi32>
      %parallel_loop3A_508 = arith.select %parallel_loop3A_496, %parallel_loop3A_507, %parallel_loop3A_489 : vector<16xi1>, vector<16xi32>
      %parallel_loop3A_509 = arith.constant 3 : i32
      %parallel_loop3A_510 = vector.broadcast %parallel_loop3A_509 : i32 to vector<16xi32>
      %parallel_loop3A_511 = arith.addi %parallel_loop3A_449, %parallel_loop3A_510 : vector<16xi32>
      %parallel_loop3A_512 = tpu.vector_load_idx %arg9[%parallel_loop3A_511] : memref<4096xi32, #tpu.memory_space<vmem>>[vector<16xi32>], vector<16xi32>,
      %parallel_loop3A_513 = arith.constant 0 : i32
      %parallel_loop3A_514 = vector.broadcast %parallel_loop3A_513 : i32 to vector<16xi32>
      %parallel_loop3A_515 = arith.cmpi ne, %parallel_loop3A_512, %parallel_loop3A_514 : vector<16xi32>
      %parallel_loop3A_516 = arith.sitofp %parallel_loop3A_512 : vector<16xi32> to vector<16xf32>
      %parallel_loop3A_517 = tpu.bitcast %parallel_loop3A_516 : vector<16xf32> -> vector<16xi32>
      %parallel_loop3A_518 = arith.constant 23 : i32
      %parallel_loop3A_519 = vector.broadcast %parallel_loop3A_518 : i32 to vector<16xi32>
      %parallel_loop3A_520 = arith.shrsi %parallel_loop3A_517, %parallel_loop3A_519 : vector<16xi32>
      %parallel_loop3A_521 = arith.constant 127 : i32
      %parallel_loop3A_522 = vector.broadcast %parallel_loop3A_521 : i32 to vector<16xi32>
      %parallel_loop3A_523 = arith.subi %parallel_loop3A_520, %parallel_loop3A_522 : vector<16xi32>
      %parallel_loop3A_524 = arith.constant 48 : i32
      %parallel_loop3A_525 = vector.broadcast %parallel_loop3A_524 : i32 to vector<16xi32>
      %parallel_loop3A_526 = arith.addi %parallel_loop3A_525, %parallel_loop3A_523 : vector<16xi32>
      %parallel_loop3A_527 = arith.select %parallel_loop3A_515, %parallel_loop3A_526, %parallel_loop3A_508 : vector<16xi1>, vector<16xi32>
      %parallel_loop3A_528 = arith.constant 48 : i32
      %parallel_loop3A_529 = arith.addi %parallel_loop3A_50, %parallel_loop3A_528 : i32
      %parallel_loop3A_530 = arith.index_cast %parallel_loop3A_529 : i32 to index
      %parallel_loop3A_531 = tpu.vector_load %arg10[%parallel_loop3A_530] {strides = array<i32>} : memref<1024xi32, #tpu.memory_space<vmem>>, vector<16xi32>,
      tpu.vector_store %arg10[%parallel_loop3A_530], %parallel_loop3A_527 {strides = array<i32>} : memref<1024xi32, #tpu.memory_space<vmem>>, vector<16xi32>,
    } {sc.loop_unroll_factor = 2 : i64, sc.parallel_access}
    %dma_wait3A_18 = tpu.memref_slice %arg4[%mul3A_0] : memref<32768xi32, #tpu.memory_space<hbm>> -> memref<2048xi32, #tpu.memory_space<hbm>>
    %dma_wait3A_19 = tpu.memref_slice %arg4[%mul3A_0] : memref<32768xi32, #tpu.memory_space<hbm>> -> memref<2048xi32, #tpu.memory_space<hbm>>
    tpu.wait_dma2 semaphore(%arg16 : memref<!tpu.dma_semaphore, #tpu.memory_space<semaphore_mem>>) src(%dma_wait3A_19 : memref<2048xi32, #tpu.memory_space<hbm>>) dst(%arg8 : memref<2048xi32, #tpu.memory_space<vmem>>)
    %dma_wait3A_20 = tpu.memref_slice %arg2[%mul3A_5] : memref<131072xf32, #tpu.memory_space<hbm>> -> memref<8192xf32, #tpu.memory_space<hbm>>
    %dma_wait3A_21 = tpu.memref_slice %arg2[%mul3A_5] : memref<131072xf32, #tpu.memory_space<hbm>> -> memref<8192xf32, #tpu.memory_space<hbm>>
    tpu.wait_dma2 semaphore(%arg17 : memref<!tpu.dma_semaphore, #tpu.memory_space<semaphore_mem>>) src(%dma_wait3A_21 : memref<8192xf32, #tpu.memory_space<hbm>>) dst(%arg6 : memref<8192xf32, #tpu.memory_space<vmem>>)
    %parallel_loop3A_22 = arith.constant 0 : i32
    %parallel_loop3A_23 = arith.constant 16 : i32
    %parallel_loop3A_24 = arith.constant 1 : i32
    %parallel_loop3A_25:12 = scf.for %parallel_loop3A_43 = %parallel_loop3A_22 to %parallel_loop3A_23 step %parallel_loop3A_24 iter_args(%parallel_loop3A_44 = %broadcast_in_dim3A_13, %parallel_loop3A_45 = %broadcast_in_dim3A_13, %parallel_loop3A_46 = %broadcast_in_dim3A_13, %parallel_loop3A_47 = %broadcast_in_dim3A_13, %parallel_loop3A_48 = %broadcast_in_dim3A_13, %parallel_loop3A_49 = %broadcast_in_dim3A_13, %parallel_loop3A_50 = %broadcast_in_dim3A_13, %parallel_loop3A_51 = %broadcast_in_dim3A_13, %parallel_loop3A_52 = %broadcast_in_dim3A_13, %parallel_loop3A_53 = %broadcast_in_dim3A_13, %parallel_loop3A_54 = %broadcast_in_dim3A_13, %parallel_loop3A_55 = %broadcast_in_dim3A_13) -> (vector<16xf32>, vector<16xf32>, vector<16xf32>, vector<16xf32>, vector<16xf32>, vector<16xf32>, vector<16xf32>, vector<16xf32>, vector<16xf32>, vector<16xf32>, vector<16xf32>, vector<16xf32>)  : i32 {
      %parallel_loop3A_56 = arith.constant 128 : i32
      %parallel_loop3A_57 = arith.muli %parallel_loop3A_43, %parallel_loop3A_56 : i32
      %parallel_loop3A_58 = vector.broadcast %parallel_loop3A_57 : i32 to vector<16xi32>
      %parallel_loop3A_59 = arith.constant 512 : i32
      %parallel_loop3A_60 = arith.muli %parallel_loop3A_43, %parallel_loop3A_59 : i32
      %parallel_loop3A_61 = arith.constant 4 : i32
      %parallel_loop3A_62 = arith.addi %parallel_loop3A_60, %parallel_loop3A_61 : i32
      %parallel_loop3A_63 = vector.broadcast %parallel_loop3A_62 : i32 to vector<16xi32>
      %parallel_loop3A_64 = arith.constant 64 : i32
      %parallel_loop3A_65 = arith.muli %parallel_loop3A_43, %parallel_loop3A_64 : i32
      %parallel_loop3A_66 = vector.broadcast %parallel_loop3A_65 : i32 to vector<16xi32>
      %parallel_loop3A_67 = arith.constant 0 : i32
      %parallel_loop3A_68 = arith.addi %parallel_loop3A_65, %parallel_loop3A_67 : i32
      %parallel_loop3A_69 = arith.index_cast %parallel_loop3A_68 : i32 to index
      %parallel_loop3A_70 = tpu.vector_load %arg10[%parallel_loop3A_69] {strides = array<i32>} : memref<1024xi32, #tpu.memory_space<vmem>>, vector<16xi32>,
      %parallel_loop3A_71 = arith.constant 0 : i32
      %parallel_loop3A_72 = vector.broadcast %parallel_loop3A_71 : i32 to vector<16xi32>
      %parallel_loop3A_73 = arith.cmpi sge, %parallel_loop3A_70, %parallel_loop3A_72 : vector<16xi32>
      %parallel_loop3A_74 = arith.constant 0 : i32
      %parallel_loop3A_75 = vector.broadcast %parallel_loop3A_74 : i32 to vector<16xi32>
      %parallel_loop3A_76 = arith.maxsi %parallel_loop3A_70, %parallel_loop3A_75 : vector<16xi32>
      %parallel_loop3A_77 = arith.constant 2 : i32
      %parallel_loop3A_78 = vector.broadcast %parallel_loop3A_77 : i32 to vector<16xi32>
      %parallel_loop3A_79 = arith.muli %parallel_loop3A_76, %parallel_loop3A_78 : vector<16xi32>
      %parallel_loop3A_80 = arith.constant 1 : i32
      %parallel_loop3A_81 = vector.broadcast %parallel_loop3A_80 : i32 to vector<16xi32>
      %parallel_loop3A_82 = arith.addi %parallel_loop3A_79, %parallel_loop3A_81 : vector<16xi32>
      %parallel_loop3A_83 = arith.addi %parallel_loop3A_58, %parallel_loop3A_82 : vector<16xi32>
      %parallel_loop3A_84 = tpu.vector_load_idx %arg8[%parallel_loop3A_83] : memref<2048xi32, #tpu.memory_space<vmem>>[vector<16xi32>], vector<16xi32>,
      %parallel_loop3A_85 = arith.addi %parallel_loop3A_66, %parallel_loop3A_84 : vector<16xi32>
      %parallel_loop3A_86 = tpu.vector_load_idx %arg10[%parallel_loop3A_85] : memref<1024xi32, #tpu.memory_space<vmem>>[vector<16xi32>], vector<16xi32>,
      %parallel_loop3A_87 = arith.constant 0 : i32
      %parallel_loop3A_88 = vector.broadcast %parallel_loop3A_87 : i32 to vector<16xi32>
      %parallel_loop3A_89 = arith.cmpi sge, %parallel_loop3A_86, %parallel_loop3A_88 : vector<16xi32>
      %parallel_loop3A_90 = arith.select %parallel_loop3A_89, %parallel_loop3A_86, %parallel_loop3A_84 : vector<16xi1>, vector<16xi32>
      %parallel_loop3A_91 = arith.constant 3 : i32
      %parallel_loop3A_92 = vector.broadcast %parallel_loop3A_91 : i32 to vector<16xi32>
      %parallel_loop3A_93 = arith.shli %parallel_loop3A_76, %parallel_loop3A_92 : vector<16xi32>
      %parallel_loop3A_94 = arith.addi %parallel_loop3A_63, %parallel_loop3A_93 : vector<16xi32>
      %parallel_loop3A_95 = arith.constant 3 : i32
      %parallel_loop3A_96 = vector.broadcast %parallel_loop3A_95 : i32 to vector<16xi32>
      %parallel_loop3A_97 = arith.shli %parallel_loop3A_90, %parallel_loop3A_96 : vector<16xi32>
      %parallel_loop3A_98 = arith.addi %parallel_loop3A_63, %parallel_loop3A_97 : vector<16xi32>
      %parallel_loop3A_99 = tpu.vector_load_idx %arg6[%parallel_loop3A_94] : memref<8192xf32, #tpu.memory_space<vmem>>[vector<16xi32>], vector<16xf32>,
      %parallel_loop3A_100 = arith.constant 1 : i32
      %parallel_loop3A_101 = vector.broadcast %parallel_loop3A_100 : i32 to vector<16xi32>
      %parallel_loop3A_102 = arith.addi %parallel_loop3A_94, %parallel_loop3A_101 : vector<16xi32>
      %parallel_loop3A_103 = tpu.vector_load_idx %arg6[%parallel_loop3A_102] : memref<8192xf32, #tpu.memory_space<vmem>>[vector<16xi32>], vector<16xf32>,
      %parallel_loop3A_104 = arith.constant 2 : i32
      %parallel_loop3A_105 = vector.broadcast %parallel_loop3A_104 : i32 to vector<16xi32>
      %parallel_loop3A_106 = arith.addi %parallel_loop3A_94, %parallel_loop3A_105 : vector<16xi32>
      %parallel_loop3A_107 = tpu.vector_load_idx %arg6[%parallel_loop3A_106] : memref<8192xf32, #tpu.memory_space<vmem>>[vector<16xi32>], vector<16xf32>,
      %parallel_loop3A_108 = arith.constant 3 : i32
      %parallel_loop3A_109 = vector.broadcast %parallel_loop3A_108 : i32 to vector<16xi32>
      %parallel_loop3A_110 = arith.addi %parallel_loop3A_94, %parallel_loop3A_109 : vector<16xi32>
      %parallel_loop3A_111 = tpu.vector_load_idx %arg6[%parallel_loop3A_110] : memref<8192xf32, #tpu.memory_space<vmem>>[vector<16xi32>], vector<16xf32>,
      %parallel_loop3A_112 = arith.constant 1.440000e+03 : f32
      %parallel_loop3A_113 = vector.broadcast %parallel_loop3A_112 : f32 to vector<16xf32>
      %parallel_loop3A_114 = arith.mulf %parallel_loop3A_99, %parallel_loop3A_113 : vector<16xf32>
      %parallel_loop3A_115 = arith.constant 2.560000e+03 : f32
      %parallel_loop3A_116 = vector.broadcast %parallel_loop3A_115 : f32 to vector<16xf32>
      %parallel_loop3A_117 = arith.mulf %parallel_loop3A_103, %parallel_loop3A_116 : vector<16xf32>
      %parallel_loop3A_118 = arith.constant 7.200000e+02 : f32
      %parallel_loop3A_119 = vector.broadcast %parallel_loop3A_118 : f32 to vector<16xf32>
      %parallel_loop3A_120 = arith.mulf %parallel_loop3A_107, %parallel_loop3A_119 : vector<16xf32>
      %parallel_loop3A_121 = arith.constant 1.280000e+03 : f32
      %parallel_loop3A_122 = vector.broadcast %parallel_loop3A_121 : f32 to vector<16xf32>
      %parallel_loop3A_123 = arith.mulf %parallel_loop3A_111, %parallel_loop3A_122 : vector<16xf32>
      %parallel_loop3A_124 = arith.subf %parallel_loop3A_114, %parallel_loop3A_120 : vector<16xf32>
      %parallel_loop3A_125 = arith.subf %parallel_loop3A_117, %parallel_loop3A_123 : vector<16xf32>
      %parallel_loop3A_126 = arith.addf %parallel_loop3A_114, %parallel_loop3A_120 : vector<16xf32>
      %parallel_loop3A_127 = arith.addf %parallel_loop3A_117, %parallel_loop3A_123 : vector<16xf32>
      %parallel_loop3A_128 = tpu.vector_load_idx %arg6[%parallel_loop3A_98] : memref<8192xf32, #tpu.memory_space<vmem>>[vector<16xi32>], vector<16xf32>,
      %parallel_loop3A_129 = arith.constant 1 : i32
      %parallel_loop3A_130 = vector.broadcast %parallel_loop3A_129 : i32 to vector<16xi32>
      %parallel_loop3A_131 = arith.addi %parallel_loop3A_98, %parallel_loop3A_130 : vector<16xi32>
      %parallel_loop3A_132 = tpu.vector_load_idx %arg6[%parallel_loop3A_131] : memref<8192xf32, #tpu.memory_space<vmem>>[vector<16xi32>], vector<16xf32>,
      %parallel_loop3A_133 = arith.constant 2 : i32
      %parallel_loop3A_134 = vector.broadcast %parallel_loop3A_133 : i32 to vector<16xi32>
      %parallel_loop3A_135 = arith.addi %parallel_loop3A_98, %parallel_loop3A_134 : vector<16xi32>
      %parallel_loop3A_136 = tpu.vector_load_idx %arg6[%parallel_loop3A_135] : memref<8192xf32, #tpu.memory_space<vmem>>[vector<16xi32>], vector<16xf32>,
      %parallel_loop3A_137 = arith.constant 3 : i32
      %parallel_loop3A_138 = vector.broadcast %parallel_loop3A_137 : i32 to vector<16xi32>
      %parallel_loop3A_139 = arith.addi %parallel_loop3A_98, %parallel_loop3A_138 : vector<16xi32>
      %parallel_loop3A_140 = tpu.vector_load_idx %arg6[%parallel_loop3A_139] : memref<8192xf32, #tpu.memory_space<vmem>>[vector<16xi32>], vector<16xf32>,
      %parallel_loop3A_141 = arith.constant 1.440000e+03 : f32
      %parallel_loop3A_142 = vector.broadcast %parallel_loop3A_141 : f32 to vector<16xf32>
      %parallel_loop3A_143 = arith.mulf %parallel_loop3A_128, %parallel_loop3A_142 : vector<16xf32>
      %parallel_loop3A_144 = arith.constant 2.560000e+03 : f32
      %parallel_loop3A_145 = vector.broadcast %parallel_loop3A_144 : f32 to vector<16xf32>
      %parallel_loop3A_146 = arith.mulf %parallel_loop3A_132, %parallel_loop3A_145 : vector<16xf32>
      %parallel_loop3A_147 = arith.constant 7.200000e+02 : f32
      %parallel_loop3A_148 = vector.broadcast %parallel_loop3A_147 : f32 to vector<16xf32>
      %parallel_loop3A_149 = arith.mulf %parallel_loop3A_136, %parallel_loop3A_148 : vector<16xf32>
      %parallel_loop3A_150 = arith.constant 1.280000e+03 : f32
      %parallel_loop3A_151 = vector.broadcast %parallel_loop3A_150 : f32 to vector<16xf32>
      %parallel_loop3A_152 = arith.mulf %parallel_loop3A_140, %parallel_loop3A_151 : vector<16xf32>
      %parallel_loop3A_153 = arith.subf %parallel_loop3A_143, %parallel_loop3A_149 : vector<16xf32>
      %parallel_loop3A_154 = arith.subf %parallel_loop3A_146, %parallel_loop3A_152 : vector<16xf32>
      %parallel_loop3A_155 = arith.addf %parallel_loop3A_143, %parallel_loop3A_149 : vector<16xf32>
      %parallel_loop3A_156 = arith.addf %parallel_loop3A_146, %parallel_loop3A_152 : vector<16xf32>
      %parallel_loop3A_157 = arith.maximumf %parallel_loop3A_124, %parallel_loop3A_153 : vector<16xf32>
      %parallel_loop3A_158 = arith.maximumf %parallel_loop3A_125, %parallel_loop3A_154 : vector<16xf32>
      %parallel_loop3A_159 = arith.minimumf %parallel_loop3A_126, %parallel_loop3A_155 : vector<16xf32>
      %parallel_loop3A_160 = arith.minimumf %parallel_loop3A_127, %parallel_loop3A_156 : vector<16xf32>
      %parallel_loop3A_161 = arith.constant 0 : i32
      %parallel_loop3A_162 = vector.broadcast %parallel_loop3A_161 : i32 to vector<16xi32>
      %parallel_loop3A_163 = arith.cmpi ne, %iota3A, %parallel_loop3A_162 : vector<16xi32>
      %parallel_loop3A_164 = arith.andi %parallel_loop3A_73, %parallel_loop3A_163 : vector<16xi1>
      %parallel_loop3A_165 = arith.cmpf oge, %parallel_loop3A_159, %parallel_loop3A_157 : vector<16xf32>
      %parallel_loop3A_166 = arith.cmpf oge, %parallel_loop3A_160, %parallel_loop3A_158 : vector<16xf32>
      %parallel_loop3A_167 = arith.andi %parallel_loop3A_165, %parallel_loop3A_166 : vector<16xi1>
      %parallel_loop3A_168 = arith.andi %parallel_loop3A_167, %parallel_loop3A_164 : vector<16xi1>
      %parallel_loop3A_169 = arith.subf %parallel_loop3A_159, %parallel_loop3A_157 : vector<16xf32>
      %parallel_loop3A_170 = arith.subf %parallel_loop3A_160, %parallel_loop3A_158 : vector<16xf32>
      %parallel_loop3A_171 = arith.mulf %parallel_loop3A_169, %parallel_loop3A_170 : vector<16xf32>
      %parallel_loop3A_172 = arith.subf %parallel_loop3A_126, %parallel_loop3A_124 : vector<16xf32>
      %parallel_loop3A_173 = arith.subf %parallel_loop3A_127, %parallel_loop3A_125 : vector<16xf32>
      %parallel_loop3A_174 = arith.mulf %parallel_loop3A_172, %parallel_loop3A_173 : vector<16xf32>
      %parallel_loop3A_175 = arith.select %parallel_loop3A_168, %parallel_loop3A_174, %broadcast_in_dim3A_15 : vector<16xi1>, vector<16xf32>
      %parallel_loop3A_176 = arith.divf %parallel_loop3A_171, %parallel_loop3A_175 : vector<16xf32>
      %parallel_loop3A_177 = arith.select %parallel_loop3A_168, %parallel_loop3A_176, %broadcast_in_dim3A_13 : vector<16xi1>, vector<16xf32>
      %parallel_loop3A_178 = arith.addf %parallel_loop3A_44, %parallel_loop3A_177 : vector<16xf32>
      %parallel_loop3A_179 = arith.select %parallel_loop3A_168, %broadcast_in_dim3A_15, %broadcast_in_dim3A_13 : vector<16xi1>, vector<16xf32>
      %parallel_loop3A_180 = arith.addf %parallel_loop3A_48, %parallel_loop3A_179 : vector<16xf32>
      %parallel_loop3A_181 = arith.select %parallel_loop3A_73, %broadcast_in_dim3A_15, %broadcast_in_dim3A_13 : vector<16xi1>, vector<16xf32>
      %parallel_loop3A_182 = arith.addf %parallel_loop3A_52, %parallel_loop3A_181 : vector<16xf32>
      %parallel_loop3A_183 = arith.constant 16 : i32
      %parallel_loop3A_184 = arith.addi %parallel_loop3A_65, %parallel_loop3A_183 : i32
      %parallel_loop3A_185 = arith.index_cast %parallel_loop3A_184 : i32 to index
      %parallel_loop3A_186 = tpu.vector_load %arg10[%parallel_loop3A_185] {strides = array<i32>} : memref<1024xi32, #tpu.memory_space<vmem>>, vector<16xi32>,
      %parallel_loop3A_187 = arith.constant 0 : i32
      %parallel_loop3A_188 = vector.broadcast %parallel_loop3A_187 : i32 to vector<16xi32>
      %parallel_loop3A_189 = arith.cmpi sge, %parallel_loop3A_186, %parallel_loop3A_188 : vector<16xi32>
      %parallel_loop3A_190 = arith.constant 0 : i32
      %parallel_loop3A_191 = vector.broadcast %parallel_loop3A_190 : i32 to vector<16xi32>
      %parallel_loop3A_192 = arith.maxsi %parallel_loop3A_186, %parallel_loop3A_191 : vector<16xi32>
      %parallel_loop3A_193 = arith.constant 2 : i32
      %parallel_loop3A_194 = vector.broadcast %parallel_loop3A_193 : i32 to vector<16xi32>
      %parallel_loop3A_195 = arith.muli %parallel_loop3A_192, %parallel_loop3A_194 : vector<16xi32>
      %parallel_loop3A_196 = arith.constant 1 : i32
      %parallel_loop3A_197 = vector.broadcast %parallel_loop3A_196 : i32 to vector<16xi32>
      %parallel_loop3A_198 = arith.addi %parallel_loop3A_195, %parallel_loop3A_197 : vector<16xi32>
      %parallel_loop3A_199 = arith.addi %parallel_loop3A_58, %parallel_loop3A_198 : vector<16xi32>
      %parallel_loop3A_200 = tpu.vector_load_idx %arg8[%parallel_loop3A_199] : memref<2048xi32, #tpu.memory_space<vmem>>[vector<16xi32>], vector<16xi32>,
      %parallel_loop3A_201 = arith.addi %parallel_loop3A_66, %parallel_loop3A_200 : vector<16xi32>
      %parallel_loop3A_202 = tpu.vector_load_idx %arg10[%parallel_loop3A_201] : memref<1024xi32, #tpu.memory_space<vmem>>[vector<16xi32>], vector<16xi32>,
      %parallel_loop3A_203 = arith.constant 0 : i32
      %parallel_loop3A_204 = vector.broadcast %parallel_loop3A_203 : i32 to vector<16xi32>
      %parallel_loop3A_205 = arith.cmpi sge, %parallel_loop3A_202, %parallel_loop3A_204 : vector<16xi32>
      %parallel_loop3A_206 = arith.select %parallel_loop3A_205, %parallel_loop3A_202, %parallel_loop3A_200 : vector<16xi1>, vector<16xi32>
      %parallel_loop3A_207 = arith.constant 3 : i32
      %parallel_loop3A_208 = vector.broadcast %parallel_loop3A_207 : i32 to vector<16xi32>
      %parallel_loop3A_209 = arith.shli %parallel_loop3A_192, %parallel_loop3A_208 : vector<16xi32>
      %parallel_loop3A_210 = arith.addi %parallel_loop3A_63, %parallel_loop3A_209 : vector<16xi32>
      %parallel_loop3A_211 = arith.constant 3 : i32
      %parallel_loop3A_212 = vector.broadcast %parallel_loop3A_211 : i32 to vector<16xi32>
      %parallel_loop3A_213 = arith.shli %parallel_loop3A_206, %parallel_loop3A_212 : vector<16xi32>
      %parallel_loop3A_214 = arith.addi %parallel_loop3A_63, %parallel_loop3A_213 : vector<16xi32>
      %parallel_loop3A_215 = tpu.vector_load_idx %arg6[%parallel_loop3A_210] : memref<8192xf32, #tpu.memory_space<vmem>>[vector<16xi32>], vector<16xf32>,
      %parallel_loop3A_216 = arith.constant 1 : i32
      %parallel_loop3A_217 = vector.broadcast %parallel_loop3A_216 : i32 to vector<16xi32>
      %parallel_loop3A_218 = arith.addi %parallel_loop3A_210, %parallel_loop3A_217 : vector<16xi32>
      %parallel_loop3A_219 = tpu.vector_load_idx %arg6[%parallel_loop3A_218] : memref<8192xf32, #tpu.memory_space<vmem>>[vector<16xi32>], vector<16xf32>,
      %parallel_loop3A_220 = arith.constant 2 : i32
      %parallel_loop3A_221 = vector.broadcast %parallel_loop3A_220 : i32 to vector<16xi32>
      %parallel_loop3A_222 = arith.addi %parallel_loop3A_210, %parallel_loop3A_221 : vector<16xi32>
      %parallel_loop3A_223 = tpu.vector_load_idx %arg6[%parallel_loop3A_222] : memref<8192xf32, #tpu.memory_space<vmem>>[vector<16xi32>], vector<16xf32>,
      %parallel_loop3A_224 = arith.constant 3 : i32
      %parallel_loop3A_225 = vector.broadcast %parallel_loop3A_224 : i32 to vector<16xi32>
      %parallel_loop3A_226 = arith.addi %parallel_loop3A_210, %parallel_loop3A_225 : vector<16xi32>
      %parallel_loop3A_227 = tpu.vector_load_idx %arg6[%parallel_loop3A_226] : memref<8192xf32, #tpu.memory_space<vmem>>[vector<16xi32>], vector<16xf32>,
      %parallel_loop3A_228 = arith.constant 1.440000e+03 : f32
      %parallel_loop3A_229 = vector.broadcast %parallel_loop3A_228 : f32 to vector<16xf32>
      %parallel_loop3A_230 = arith.mulf %parallel_loop3A_215, %parallel_loop3A_229 : vector<16xf32>
      %parallel_loop3A_231 = arith.constant 2.560000e+03 : f32
      %parallel_loop3A_232 = vector.broadcast %parallel_loop3A_231 : f32 to vector<16xf32>
      %parallel_loop3A_233 = arith.mulf %parallel_loop3A_219, %parallel_loop3A_232 : vector<16xf32>
      %parallel_loop3A_234 = arith.constant 7.200000e+02 : f32
      %parallel_loop3A_235 = vector.broadcast %parallel_loop3A_234 : f32 to vector<16xf32>
      %parallel_loop3A_236 = arith.mulf %parallel_loop3A_223, %parallel_loop3A_235 : vector<16xf32>
      %parallel_loop3A_237 = arith.constant 1.280000e+03 : f32
      %parallel_loop3A_238 = vector.broadcast %parallel_loop3A_237 : f32 to vector<16xf32>
      %parallel_loop3A_239 = arith.mulf %parallel_loop3A_227, %parallel_loop3A_238 : vector<16xf32>
      %parallel_loop3A_240 = arith.subf %parallel_loop3A_230, %parallel_loop3A_236 : vector<16xf32>
      %parallel_loop3A_241 = arith.subf %parallel_loop3A_233, %parallel_loop3A_239 : vector<16xf32>
      %parallel_loop3A_242 = arith.addf %parallel_loop3A_230, %parallel_loop3A_236 : vector<16xf32>
      %parallel_loop3A_243 = arith.addf %parallel_loop3A_233, %parallel_loop3A_239 : vector<16xf32>
      %parallel_loop3A_244 = tpu.vector_load_idx %arg6[%parallel_loop3A_214] : memref<8192xf32, #tpu.memory_space<vmem>>[vector<16xi32>], vector<16xf32>,
      %parallel_loop3A_245 = arith.constant 1 : i32
      %parallel_loop3A_246 = vector.broadcast %parallel_loop3A_245 : i32 to vector<16xi32>
      %parallel_loop3A_247 = arith.addi %parallel_loop3A_214, %parallel_loop3A_246 : vector<16xi32>
      %parallel_loop3A_248 = tpu.vector_load_idx %arg6[%parallel_loop3A_247] : memref<8192xf32, #tpu.memory_space<vmem>>[vector<16xi32>], vector<16xf32>,
      %parallel_loop3A_249 = arith.constant 2 : i32
      %parallel_loop3A_250 = vector.broadcast %parallel_loop3A_249 : i32 to vector<16xi32>
      %parallel_loop3A_251 = arith.addi %parallel_loop3A_214, %parallel_loop3A_250 : vector<16xi32>
      %parallel_loop3A_252 = tpu.vector_load_idx %arg6[%parallel_loop3A_251] : memref<8192xf32, #tpu.memory_space<vmem>>[vector<16xi32>], vector<16xf32>,
      %parallel_loop3A_253 = arith.constant 3 : i32
      %parallel_loop3A_254 = vector.broadcast %parallel_loop3A_253 : i32 to vector<16xi32>
      %parallel_loop3A_255 = arith.addi %parallel_loop3A_214, %parallel_loop3A_254 : vector<16xi32>
      %parallel_loop3A_256 = tpu.vector_load_idx %arg6[%parallel_loop3A_255] : memref<8192xf32, #tpu.memory_space<vmem>>[vector<16xi32>], vector<16xf32>,
      %parallel_loop3A_257 = arith.constant 1.440000e+03 : f32
      %parallel_loop3A_258 = vector.broadcast %parallel_loop3A_257 : f32 to vector<16xf32>
      %parallel_loop3A_259 = arith.mulf %parallel_loop3A_244, %parallel_loop3A_258 : vector<16xf32>
      %parallel_loop3A_260 = arith.constant 2.560000e+03 : f32
      %parallel_loop3A_261 = vector.broadcast %parallel_loop3A_260 : f32 to vector<16xf32>
      %parallel_loop3A_262 = arith.mulf %parallel_loop3A_248, %parallel_loop3A_261 : vector<16xf32>
      %parallel_loop3A_263 = arith.constant 7.200000e+02 : f32
      %parallel_loop3A_264 = vector.broadcast %parallel_loop3A_263 : f32 to vector<16xf32>
      %parallel_loop3A_265 = arith.mulf %parallel_loop3A_252, %parallel_loop3A_264 : vector<16xf32>
      %parallel_loop3A_266 = arith.constant 1.280000e+03 : f32
      %parallel_loop3A_267 = vector.broadcast %parallel_loop3A_266 : f32 to vector<16xf32>
      %parallel_loop3A_268 = arith.mulf %parallel_loop3A_256, %parallel_loop3A_267 : vector<16xf32>
      %parallel_loop3A_269 = arith.subf %parallel_loop3A_259, %parallel_loop3A_265 : vector<16xf32>
      %parallel_loop3A_270 = arith.subf %parallel_loop3A_262, %parallel_loop3A_268 : vector<16xf32>
      %parallel_loop3A_271 = arith.addf %parallel_loop3A_259, %parallel_loop3A_265 : vector<16xf32>
      %parallel_loop3A_272 = arith.addf %parallel_loop3A_262, %parallel_loop3A_268 : vector<16xf32>
      %parallel_loop3A_273 = arith.maximumf %parallel_loop3A_240, %parallel_loop3A_269 : vector<16xf32>
      %parallel_loop3A_274 = arith.maximumf %parallel_loop3A_241, %parallel_loop3A_270 : vector<16xf32>
      %parallel_loop3A_275 = arith.minimumf %parallel_loop3A_242, %parallel_loop3A_271 : vector<16xf32>
      %parallel_loop3A_276 = arith.minimumf %parallel_loop3A_243, %parallel_loop3A_272 : vector<16xf32>
      %parallel_loop3A_277 = arith.cmpf oge, %parallel_loop3A_275, %parallel_loop3A_273 : vector<16xf32>
      %parallel_loop3A_278 = arith.cmpf oge, %parallel_loop3A_276, %parallel_loop3A_274 : vector<16xf32>
      %parallel_loop3A_279 = arith.andi %parallel_loop3A_277, %parallel_loop3A_278 : vector<16xi1>
      %parallel_loop3A_280 = arith.andi %parallel_loop3A_279, %parallel_loop3A_189 : vector<16xi1>
      %parallel_loop3A_281 = arith.subf %parallel_loop3A_275, %parallel_loop3A_273 : vector<16xf32>
      %parallel_loop3A_282 = arith.subf %parallel_loop3A_276, %parallel_loop3A_274 : vector<16xf32>
      %parallel_loop3A_283 = arith.mulf %parallel_loop3A_281, %parallel_loop3A_282 : vector<16xf32>
      %parallel_loop3A_284 = arith.subf %parallel_loop3A_242, %parallel_loop3A_240 : vector<16xf32>
      %parallel_loop3A_285 = arith.subf %parallel_loop3A_243, %parallel_loop3A_241 : vector<16xf32>
      %parallel_loop3A_286 = arith.mulf %parallel_loop3A_284, %parallel_loop3A_285 : vector<16xf32>
      %parallel_loop3A_287 = arith.select %parallel_loop3A_280, %parallel_loop3A_286, %broadcast_in_dim3A_15 : vector<16xi1>, vector<16xf32>
      %parallel_loop3A_288 = arith.divf %parallel_loop3A_283, %parallel_loop3A_287 : vector<16xf32>
      %parallel_loop3A_289 = arith.select %parallel_loop3A_280, %parallel_loop3A_288, %broadcast_in_dim3A_13 : vector<16xi1>, vector<16xf32>
      %parallel_loop3A_290 = arith.addf %parallel_loop3A_45, %parallel_loop3A_289 : vector<16xf32>
      %parallel_loop3A_291 = arith.select %parallel_loop3A_280, %broadcast_in_dim3A_15, %broadcast_in_dim3A_13 : vector<16xi1>, vector<16xf32>
      %parallel_loop3A_292 = arith.addf %parallel_loop3A_49, %parallel_loop3A_291 : vector<16xf32>
      %parallel_loop3A_293 = arith.select %parallel_loop3A_189, %broadcast_in_dim3A_15, %broadcast_in_dim3A_13 : vector<16xi1>, vector<16xf32>
      %parallel_loop3A_294 = arith.addf %parallel_loop3A_53, %parallel_loop3A_293 : vector<16xf32>
      %parallel_loop3A_295 = arith.constant 32 : i32
      %parallel_loop3A_296 = arith.addi %parallel_loop3A_65, %parallel_loop3A_295 : i32
      %parallel_loop3A_297 = arith.index_cast %parallel_loop3A_296 : i32 to index
      %parallel_loop3A_298 = tpu.vector_load %arg10[%parallel_loop3A_297] {strides = array<i32>} : memref<1024xi32, #tpu.memory_space<vmem>>, vector<16xi32>,
      %parallel_loop3A_299 = arith.constant 0 : i32
      %parallel_loop3A_300 = vector.broadcast %parallel_loop3A_299 : i32 to vector<16xi32>
      %parallel_loop3A_301 = arith.cmpi sge, %parallel_loop3A_298, %parallel_loop3A_300 : vector<16xi32>
      %parallel_loop3A_302 = arith.constant 0 : i32
      %parallel_loop3A_303 = vector.broadcast %parallel_loop3A_302 : i32 to vector<16xi32>
      %parallel_loop3A_304 = arith.maxsi %parallel_loop3A_298, %parallel_loop3A_303 : vector<16xi32>
      %parallel_loop3A_305 = arith.constant 2 : i32
      %parallel_loop3A_306 = vector.broadcast %parallel_loop3A_305 : i32 to vector<16xi32>
      %parallel_loop3A_307 = arith.muli %parallel_loop3A_304, %parallel_loop3A_306 : vector<16xi32>
      %parallel_loop3A_308 = arith.constant 1 : i32
      %parallel_loop3A_309 = vector.broadcast %parallel_loop3A_308 : i32 to vector<16xi32>
      %parallel_loop3A_310 = arith.addi %parallel_loop3A_307, %parallel_loop3A_309 : vector<16xi32>
      %parallel_loop3A_311 = arith.addi %parallel_loop3A_58, %parallel_loop3A_310 : vector<16xi32>
      %parallel_loop3A_312 = tpu.vector_load_idx %arg8[%parallel_loop3A_311] : memref<2048xi32, #tpu.memory_space<vmem>>[vector<16xi32>], vector<16xi32>,
      %parallel_loop3A_313 = arith.addi %parallel_loop3A_66, %parallel_loop3A_312 : vector<16xi32>
      %parallel_loop3A_314 = tpu.vector_load_idx %arg10[%parallel_loop3A_313] : memref<1024xi32, #tpu.memory_space<vmem>>[vector<16xi32>], vector<16xi32>,
      %parallel_loop3A_315 = arith.constant 0 : i32
      %parallel_loop3A_316 = vector.broadcast %parallel_loop3A_315 : i32 to vector<16xi32>
      %parallel_loop3A_317 = arith.cmpi sge, %parallel_loop3A_314, %parallel_loop3A_316 : vector<16xi32>
      %parallel_loop3A_318 = arith.select %parallel_loop3A_317, %parallel_loop3A_314, %parallel_loop3A_312 : vector<16xi1>, vector<16xi32>
      %parallel_loop3A_319 = arith.constant 3 : i32
      %parallel_loop3A_320 = vector.broadcast %parallel_loop3A_319 : i32 to vector<16xi32>
      %parallel_loop3A_321 = arith.shli %parallel_loop3A_304, %parallel_loop3A_320 : vector<16xi32>
      %parallel_loop3A_322 = arith.addi %parallel_loop3A_63, %parallel_loop3A_321 : vector<16xi32>
      %parallel_loop3A_323 = arith.constant 3 : i32
      %parallel_loop3A_324 = vector.broadcast %parallel_loop3A_323 : i32 to vector<16xi32>
      %parallel_loop3A_325 = arith.shli %parallel_loop3A_318, %parallel_loop3A_324 : vector<16xi32>
      %parallel_loop3A_326 = arith.addi %parallel_loop3A_63, %parallel_loop3A_325 : vector<16xi32>
      %parallel_loop3A_327 = tpu.vector_load_idx %arg6[%parallel_loop3A_322] : memref<8192xf32, #tpu.memory_space<vmem>>[vector<16xi32>], vector<16xf32>,
      %parallel_loop3A_328 = arith.constant 1 : i32
      %parallel_loop3A_329 = vector.broadcast %parallel_loop3A_328 : i32 to vector<16xi32>
      %parallel_loop3A_330 = arith.addi %parallel_loop3A_322, %parallel_loop3A_329 : vector<16xi32>
      %parallel_loop3A_331 = tpu.vector_load_idx %arg6[%parallel_loop3A_330] : memref<8192xf32, #tpu.memory_space<vmem>>[vector<16xi32>], vector<16xf32>,
      %parallel_loop3A_332 = arith.constant 2 : i32
      %parallel_loop3A_333 = vector.broadcast %parallel_loop3A_332 : i32 to vector<16xi32>
      %parallel_loop3A_334 = arith.addi %parallel_loop3A_322, %parallel_loop3A_333 : vector<16xi32>
      %parallel_loop3A_335 = tpu.vector_load_idx %arg6[%parallel_loop3A_334] : memref<8192xf32, #tpu.memory_space<vmem>>[vector<16xi32>], vector<16xf32>,
      %parallel_loop3A_336 = arith.constant 3 : i32
      %parallel_loop3A_337 = vector.broadcast %parallel_loop3A_336 : i32 to vector<16xi32>
      %parallel_loop3A_338 = arith.addi %parallel_loop3A_322, %parallel_loop3A_337 : vector<16xi32>
      %parallel_loop3A_339 = tpu.vector_load_idx %arg6[%parallel_loop3A_338] : memref<8192xf32, #tpu.memory_space<vmem>>[vector<16xi32>], vector<16xf32>,
      %parallel_loop3A_340 = arith.constant 1.440000e+03 : f32
      %parallel_loop3A_341 = vector.broadcast %parallel_loop3A_340 : f32 to vector<16xf32>
      %parallel_loop3A_342 = arith.mulf %parallel_loop3A_327, %parallel_loop3A_341 : vector<16xf32>
      %parallel_loop3A_343 = arith.constant 2.560000e+03 : f32
      %parallel_loop3A_344 = vector.broadcast %parallel_loop3A_343 : f32 to vector<16xf32>
      %parallel_loop3A_345 = arith.mulf %parallel_loop3A_331, %parallel_loop3A_344 : vector<16xf32>
      %parallel_loop3A_346 = arith.constant 7.200000e+02 : f32
      %parallel_loop3A_347 = vector.broadcast %parallel_loop3A_346 : f32 to vector<16xf32>
      %parallel_loop3A_348 = arith.mulf %parallel_loop3A_335, %parallel_loop3A_347 : vector<16xf32>
      %parallel_loop3A_349 = arith.constant 1.280000e+03 : f32
      %parallel_loop3A_350 = vector.broadcast %parallel_loop3A_349 : f32 to vector<16xf32>
      %parallel_loop3A_351 = arith.mulf %parallel_loop3A_339, %parallel_loop3A_350 : vector<16xf32>
      %parallel_loop3A_352 = arith.subf %parallel_loop3A_342, %parallel_loop3A_348 : vector<16xf32>
      %parallel_loop3A_353 = arith.subf %parallel_loop3A_345, %parallel_loop3A_351 : vector<16xf32>
      %parallel_loop3A_354 = arith.addf %parallel_loop3A_342, %parallel_loop3A_348 : vector<16xf32>
      %parallel_loop3A_355 = arith.addf %parallel_loop3A_345, %parallel_loop3A_351 : vector<16xf32>
      %parallel_loop3A_356 = tpu.vector_load_idx %arg6[%parallel_loop3A_326] : memref<8192xf32, #tpu.memory_space<vmem>>[vector<16xi32>], vector<16xf32>,
      %parallel_loop3A_357 = arith.constant 1 : i32
      %parallel_loop3A_358 = vector.broadcast %parallel_loop3A_357 : i32 to vector<16xi32>
      %parallel_loop3A_359 = arith.addi %parallel_loop3A_326, %parallel_loop3A_358 : vector<16xi32>
      %parallel_loop3A_360 = tpu.vector_load_idx %arg6[%parallel_loop3A_359] : memref<8192xf32, #tpu.memory_space<vmem>>[vector<16xi32>], vector<16xf32>,
      %parallel_loop3A_361 = arith.constant 2 : i32
      %parallel_loop3A_362 = vector.broadcast %parallel_loop3A_361 : i32 to vector<16xi32>
      %parallel_loop3A_363 = arith.addi %parallel_loop3A_326, %parallel_loop3A_362 : vector<16xi32>
      %parallel_loop3A_364 = tpu.vector_load_idx %arg6[%parallel_loop3A_363] : memref<8192xf32, #tpu.memory_space<vmem>>[vector<16xi32>], vector<16xf32>,
      %parallel_loop3A_365 = arith.constant 3 : i32
      %parallel_loop3A_366 = vector.broadcast %parallel_loop3A_365 : i32 to vector<16xi32>
      %parallel_loop3A_367 = arith.addi %parallel_loop3A_326, %parallel_loop3A_366 : vector<16xi32>
      %parallel_loop3A_368 = tpu.vector_load_idx %arg6[%parallel_loop3A_367] : memref<8192xf32, #tpu.memory_space<vmem>>[vector<16xi32>], vector<16xf32>,
      %parallel_loop3A_369 = arith.constant 1.440000e+03 : f32
      %parallel_loop3A_370 = vector.broadcast %parallel_loop3A_369 : f32 to vector<16xf32>
      %parallel_loop3A_371 = arith.mulf %parallel_loop3A_356, %parallel_loop3A_370 : vector<16xf32>
      %parallel_loop3A_372 = arith.constant 2.560000e+03 : f32
      %parallel_loop3A_373 = vector.broadcast %parallel_loop3A_372 : f32 to vector<16xf32>
      %parallel_loop3A_374 = arith.mulf %parallel_loop3A_360, %parallel_loop3A_373 : vector<16xf32>
      %parallel_loop3A_375 = arith.constant 7.200000e+02 : f32
      %parallel_loop3A_376 = vector.broadcast %parallel_loop3A_375 : f32 to vector<16xf32>
      %parallel_loop3A_377 = arith.mulf %parallel_loop3A_364, %parallel_loop3A_376 : vector<16xf32>
      %parallel_loop3A_378 = arith.constant 1.280000e+03 : f32
      %parallel_loop3A_379 = vector.broadcast %parallel_loop3A_378 : f32 to vector<16xf32>
      %parallel_loop3A_380 = arith.mulf %parallel_loop3A_368, %parallel_loop3A_379 : vector<16xf32>
      %parallel_loop3A_381 = arith.subf %parallel_loop3A_371, %parallel_loop3A_377 : vector<16xf32>
      %parallel_loop3A_382 = arith.subf %parallel_loop3A_374, %parallel_loop3A_380 : vector<16xf32>
      %parallel_loop3A_383 = arith.addf %parallel_loop3A_371, %parallel_loop3A_377 : vector<16xf32>
      %parallel_loop3A_384 = arith.addf %parallel_loop3A_374, %parallel_loop3A_380 : vector<16xf32>
      %parallel_loop3A_385 = arith.maximumf %parallel_loop3A_352, %parallel_loop3A_381 : vector<16xf32>
      %parallel_loop3A_386 = arith.maximumf %parallel_loop3A_353, %parallel_loop3A_382 : vector<16xf32>
      %parallel_loop3A_387 = arith.minimumf %parallel_loop3A_354, %parallel_loop3A_383 : vector<16xf32>
      %parallel_loop3A_388 = arith.minimumf %parallel_loop3A_355, %parallel_loop3A_384 : vector<16xf32>
      %parallel_loop3A_389 = arith.cmpf oge, %parallel_loop3A_387, %parallel_loop3A_385 : vector<16xf32>
      %parallel_loop3A_390 = arith.cmpf oge, %parallel_loop3A_388, %parallel_loop3A_386 : vector<16xf32>
      %parallel_loop3A_391 = arith.andi %parallel_loop3A_389, %parallel_loop3A_390 : vector<16xi1>
      %parallel_loop3A_392 = arith.andi %parallel_loop3A_391, %parallel_loop3A_301 : vector<16xi1>
      %parallel_loop3A_393 = arith.subf %parallel_loop3A_387, %parallel_loop3A_385 : vector<16xf32>
      %parallel_loop3A_394 = arith.subf %parallel_loop3A_388, %parallel_loop3A_386 : vector<16xf32>
      %parallel_loop3A_395 = arith.mulf %parallel_loop3A_393, %parallel_loop3A_394 : vector<16xf32>
      %parallel_loop3A_396 = arith.subf %parallel_loop3A_354, %parallel_loop3A_352 : vector<16xf32>
      %parallel_loop3A_397 = arith.subf %parallel_loop3A_355, %parallel_loop3A_353 : vector<16xf32>
      %parallel_loop3A_398 = arith.mulf %parallel_loop3A_396, %parallel_loop3A_397 : vector<16xf32>
      %parallel_loop3A_399 = arith.select %parallel_loop3A_392, %parallel_loop3A_398, %broadcast_in_dim3A_15 : vector<16xi1>, vector<16xf32>
      %parallel_loop3A_400 = arith.divf %parallel_loop3A_395, %parallel_loop3A_399 : vector<16xf32>
      %parallel_loop3A_401 = arith.select %parallel_loop3A_392, %parallel_loop3A_400, %broadcast_in_dim3A_13 : vector<16xi1>, vector<16xf32>
      %parallel_loop3A_402 = arith.addf %parallel_loop3A_46, %parallel_loop3A_401 : vector<16xf32>
      %parallel_loop3A_403 = arith.select %parallel_loop3A_392, %broadcast_in_dim3A_15, %broadcast_in_dim3A_13 : vector<16xi1>, vector<16xf32>
      %parallel_loop3A_404 = arith.addf %parallel_loop3A_50, %parallel_loop3A_403 : vector<16xf32>
      %parallel_loop3A_405 = arith.select %parallel_loop3A_301, %broadcast_in_dim3A_15, %broadcast_in_dim3A_13 : vector<16xi1>, vector<16xf32>
      %parallel_loop3A_406 = arith.addf %parallel_loop3A_54, %parallel_loop3A_405 : vector<16xf32>
      %parallel_loop3A_407 = arith.constant 48 : i32
      %parallel_loop3A_408 = arith.addi %parallel_loop3A_65, %parallel_loop3A_407 : i32
      %parallel_loop3A_409 = arith.index_cast %parallel_loop3A_408 : i32 to index
      %parallel_loop3A_410 = tpu.vector_load %arg10[%parallel_loop3A_409] {strides = array<i32>} : memref<1024xi32, #tpu.memory_space<vmem>>, vector<16xi32>,
      %parallel_loop3A_411 = arith.constant 0 : i32
      %parallel_loop3A_412 = vector.broadcast %parallel_loop3A_411 : i32 to vector<16xi32>
      %parallel_loop3A_413 = arith.cmpi sge, %parallel_loop3A_410, %parallel_loop3A_412 : vector<16xi32>
      %parallel_loop3A_414 = arith.constant 0 : i32
      %parallel_loop3A_415 = vector.broadcast %parallel_loop3A_414 : i32 to vector<16xi32>
      %parallel_loop3A_416 = arith.maxsi %parallel_loop3A_410, %parallel_loop3A_415 : vector<16xi32>
      %parallel_loop3A_417 = arith.constant 2 : i32
      %parallel_loop3A_418 = vector.broadcast %parallel_loop3A_417 : i32 to vector<16xi32>
      %parallel_loop3A_419 = arith.muli %parallel_loop3A_416, %parallel_loop3A_418 : vector<16xi32>
      %parallel_loop3A_420 = arith.constant 1 : i32
      %parallel_loop3A_421 = vector.broadcast %parallel_loop3A_420 : i32 to vector<16xi32>
      %parallel_loop3A_422 = arith.addi %parallel_loop3A_419, %parallel_loop3A_421 : vector<16xi32>
      %parallel_loop3A_423 = arith.addi %parallel_loop3A_58, %parallel_loop3A_422 : vector<16xi32>
      %parallel_loop3A_424 = tpu.vector_load_idx %arg8[%parallel_loop3A_423] : memref<2048xi32, #tpu.memory_space<vmem>>[vector<16xi32>], vector<16xi32>,
      %parallel_loop3A_425 = arith.addi %parallel_loop3A_66, %parallel_loop3A_424 : vector<16xi32>
      %parallel_loop3A_426 = tpu.vector_load_idx %arg10[%parallel_loop3A_425] : memref<1024xi32, #tpu.memory_space<vmem>>[vector<16xi32>], vector<16xi32>,
      %parallel_loop3A_427 = arith.constant 0 : i32
      %parallel_loop3A_428 = vector.broadcast %parallel_loop3A_427 : i32 to vector<16xi32>
      %parallel_loop3A_429 = arith.cmpi sge, %parallel_loop3A_426, %parallel_loop3A_428 : vector<16xi32>
      %parallel_loop3A_430 = arith.select %parallel_loop3A_429, %parallel_loop3A_426, %parallel_loop3A_424 : vector<16xi1>, vector<16xi32>
      %parallel_loop3A_431 = arith.constant 3 : i32
      %parallel_loop3A_432 = vector.broadcast %parallel_loop3A_431 : i32 to vector<16xi32>
      %parallel_loop3A_433 = arith.shli %parallel_loop3A_416, %parallel_loop3A_432 : vector<16xi32>
      %parallel_loop3A_434 = arith.addi %parallel_loop3A_63, %parallel_loop3A_433 : vector<16xi32>
      %parallel_loop3A_435 = arith.constant 3 : i32
      %parallel_loop3A_436 = vector.broadcast %parallel_loop3A_435 : i32 to vector<16xi32>
      %parallel_loop3A_437 = arith.shli %parallel_loop3A_430, %parallel_loop3A_436 : vector<16xi32>
      %parallel_loop3A_438 = arith.addi %parallel_loop3A_63, %parallel_loop3A_437 : vector<16xi32>
      %parallel_loop3A_439 = tpu.vector_load_idx %arg6[%parallel_loop3A_434] : memref<8192xf32, #tpu.memory_space<vmem>>[vector<16xi32>], vector<16xf32>,
      %parallel_loop3A_440 = arith.constant 1 : i32
      %parallel_loop3A_441 = vector.broadcast %parallel_loop3A_440 : i32 to vector<16xi32>
      %parallel_loop3A_442 = arith.addi %parallel_loop3A_434, %parallel_loop3A_441 : vector<16xi32>
      %parallel_loop3A_443 = tpu.vector_load_idx %arg6[%parallel_loop3A_442] : memref<8192xf32, #tpu.memory_space<vmem>>[vector<16xi32>], vector<16xf32>,
      %parallel_loop3A_444 = arith.constant 2 : i32
      %parallel_loop3A_445 = vector.broadcast %parallel_loop3A_444 : i32 to vector<16xi32>
      %parallel_loop3A_446 = arith.addi %parallel_loop3A_434, %parallel_loop3A_445 : vector<16xi32>
      %parallel_loop3A_447 = tpu.vector_load_idx %arg6[%parallel_loop3A_446] : memref<8192xf32, #tpu.memory_space<vmem>>[vector<16xi32>], vector<16xf32>,
      %parallel_loop3A_448 = arith.constant 3 : i32
      %parallel_loop3A_449 = vector.broadcast %parallel_loop3A_448 : i32 to vector<16xi32>
      %parallel_loop3A_450 = arith.addi %parallel_loop3A_434, %parallel_loop3A_449 : vector<16xi32>
      %parallel_loop3A_451 = tpu.vector_load_idx %arg6[%parallel_loop3A_450] : memref<8192xf32, #tpu.memory_space<vmem>>[vector<16xi32>], vector<16xf32>,
      %parallel_loop3A_452 = arith.constant 1.440000e+03 : f32
      %parallel_loop3A_453 = vector.broadcast %parallel_loop3A_452 : f32 to vector<16xf32>
      %parallel_loop3A_454 = arith.mulf %parallel_loop3A_439, %parallel_loop3A_453 : vector<16xf32>
      %parallel_loop3A_455 = arith.constant 2.560000e+03 : f32
      %parallel_loop3A_456 = vector.broadcast %parallel_loop3A_455 : f32 to vector<16xf32>
      %parallel_loop3A_457 = arith.mulf %parallel_loop3A_443, %parallel_loop3A_456 : vector<16xf32>
      %parallel_loop3A_458 = arith.constant 7.200000e+02 : f32
      %parallel_loop3A_459 = vector.broadcast %parallel_loop3A_458 : f32 to vector<16xf32>
      %parallel_loop3A_460 = arith.mulf %parallel_loop3A_447, %parallel_loop3A_459 : vector<16xf32>
      %parallel_loop3A_461 = arith.constant 1.280000e+03 : f32
      %parallel_loop3A_462 = vector.broadcast %parallel_loop3A_461 : f32 to vector<16xf32>
      %parallel_loop3A_463 = arith.mulf %parallel_loop3A_451, %parallel_loop3A_462 : vector<16xf32>
      %parallel_loop3A_464 = arith.subf %parallel_loop3A_454, %parallel_loop3A_460 : vector<16xf32>
      %parallel_loop3A_465 = arith.subf %parallel_loop3A_457, %parallel_loop3A_463 : vector<16xf32>
      %parallel_loop3A_466 = arith.addf %parallel_loop3A_454, %parallel_loop3A_460 : vector<16xf32>
      %parallel_loop3A_467 = arith.addf %parallel_loop3A_457, %parallel_loop3A_463 : vector<16xf32>
      %parallel_loop3A_468 = tpu.vector_load_idx %arg6[%parallel_loop3A_438] : memref<8192xf32, #tpu.memory_space<vmem>>[vector<16xi32>], vector<16xf32>,
      %parallel_loop3A_469 = arith.constant 1 : i32
      %parallel_loop3A_470 = vector.broadcast %parallel_loop3A_469 : i32 to vector<16xi32>
      %parallel_loop3A_471 = arith.addi %parallel_loop3A_438, %parallel_loop3A_470 : vector<16xi32>
      %parallel_loop3A_472 = tpu.vector_load_idx %arg6[%parallel_loop3A_471] : memref<8192xf32, #tpu.memory_space<vmem>>[vector<16xi32>], vector<16xf32>,
      %parallel_loop3A_473 = arith.constant 2 : i32
      %parallel_loop3A_474 = vector.broadcast %parallel_loop3A_473 : i32 to vector<16xi32>
      %parallel_loop3A_475 = arith.addi %parallel_loop3A_438, %parallel_loop3A_474 : vector<16xi32>
      %parallel_loop3A_476 = tpu.vector_load_idx %arg6[%parallel_loop3A_475] : memref<8192xf32, #tpu.memory_space<vmem>>[vector<16xi32>], vector<16xf32>,
      %parallel_loop3A_477 = arith.constant 3 : i32
      %parallel_loop3A_478 = vector.broadcast %parallel_loop3A_477 : i32 to vector<16xi32>
      %parallel_loop3A_479 = arith.addi %parallel_loop3A_438, %parallel_loop3A_478 : vector<16xi32>
      %parallel_loop3A_480 = tpu.vector_load_idx %arg6[%parallel_loop3A_479] : memref<8192xf32, #tpu.memory_space<vmem>>[vector<16xi32>], vector<16xf32>,
      %parallel_loop3A_481 = arith.constant 1.440000e+03 : f32
      %parallel_loop3A_482 = vector.broadcast %parallel_loop3A_481 : f32 to vector<16xf32>
      %parallel_loop3A_483 = arith.mulf %parallel_loop3A_468, %parallel_loop3A_482 : vector<16xf32>
      %parallel_loop3A_484 = arith.constant 2.560000e+03 : f32
      %parallel_loop3A_485 = vector.broadcast %parallel_loop3A_484 : f32 to vector<16xf32>
      %parallel_loop3A_486 = arith.mulf %parallel_loop3A_472, %parallel_loop3A_485 : vector<16xf32>
      %parallel_loop3A_487 = arith.constant 7.200000e+02 : f32
      %parallel_loop3A_488 = vector.broadcast %parallel_loop3A_487 : f32 to vector<16xf32>
      %parallel_loop3A_489 = arith.mulf %parallel_loop3A_476, %parallel_loop3A_488 : vector<16xf32>
      %parallel_loop3A_490 = arith.constant 1.280000e+03 : f32
      %parallel_loop3A_491 = vector.broadcast %parallel_loop3A_490 : f32 to vector<16xf32>
      %parallel_loop3A_492 = arith.mulf %parallel_loop3A_480, %parallel_loop3A_491 : vector<16xf32>
      %parallel_loop3A_493 = arith.subf %parallel_loop3A_483, %parallel_loop3A_489 : vector<16xf32>
      %parallel_loop3A_494 = arith.subf %parallel_loop3A_486, %parallel_loop3A_492 : vector<16xf32>
      %parallel_loop3A_495 = arith.addf %parallel_loop3A_483, %parallel_loop3A_489 : vector<16xf32>
      %parallel_loop3A_496 = arith.addf %parallel_loop3A_486, %parallel_loop3A_492 : vector<16xf32>
      %parallel_loop3A_497 = arith.maximumf %parallel_loop3A_464, %parallel_loop3A_493 : vector<16xf32>
      %parallel_loop3A_498 = arith.maximumf %parallel_loop3A_465, %parallel_loop3A_494 : vector<16xf32>
      %parallel_loop3A_499 = arith.minimumf %parallel_loop3A_466, %parallel_loop3A_495 : vector<16xf32>
      %parallel_loop3A_500 = arith.minimumf %parallel_loop3A_467, %parallel_loop3A_496 : vector<16xf32>
      %parallel_loop3A_501 = arith.cmpf oge, %parallel_loop3A_499, %parallel_loop3A_497 : vector<16xf32>
      %parallel_loop3A_502 = arith.cmpf oge, %parallel_loop3A_500, %parallel_loop3A_498 : vector<16xf32>
      %parallel_loop3A_503 = arith.andi %parallel_loop3A_501, %parallel_loop3A_502 : vector<16xi1>
      %parallel_loop3A_504 = arith.andi %parallel_loop3A_503, %parallel_loop3A_413 : vector<16xi1>
      %parallel_loop3A_505 = arith.subf %parallel_loop3A_499, %parallel_loop3A_497 : vector<16xf32>
      %parallel_loop3A_506 = arith.subf %parallel_loop3A_500, %parallel_loop3A_498 : vector<16xf32>
      %parallel_loop3A_507 = arith.mulf %parallel_loop3A_505, %parallel_loop3A_506 : vector<16xf32>
      %parallel_loop3A_508 = arith.subf %parallel_loop3A_466, %parallel_loop3A_464 : vector<16xf32>
      %parallel_loop3A_509 = arith.subf %parallel_loop3A_467, %parallel_loop3A_465 : vector<16xf32>
      %parallel_loop3A_510 = arith.mulf %parallel_loop3A_508, %parallel_loop3A_509 : vector<16xf32>
      %parallel_loop3A_511 = arith.select %parallel_loop3A_504, %parallel_loop3A_510, %broadcast_in_dim3A_15 : vector<16xi1>, vector<16xf32>
      %parallel_loop3A_512 = arith.divf %parallel_loop3A_507, %parallel_loop3A_511 : vector<16xf32>
      %parallel_loop3A_513 = arith.select %parallel_loop3A_504, %parallel_loop3A_512, %broadcast_in_dim3A_13 : vector<16xi1>, vector<16xf32>
      %parallel_loop3A_514 = arith.addf %parallel_loop3A_47, %parallel_loop3A_513 : vector<16xf32>
      %parallel_loop3A_515 = arith.select %parallel_loop3A_504, %broadcast_in_dim3A_15, %broadcast_in_dim3A_13 : vector<16xi1>, vector<16xf32>
      %parallel_loop3A_516 = arith.addf %parallel_loop3A_51, %parallel_loop3A_515 : vector<16xf32>
      %parallel_loop3A_517 = arith.select %parallel_loop3A_413, %broadcast_in_dim3A_15, %broadcast_in_dim3A_13 : vector<16xi1>, vector<16xf32>
      %parallel_loop3A_518 = arith.addf %parallel_loop3A_55, %parallel_loop3A_517 : vector<16xf32>
      scf.yield %parallel_loop3A_178, %parallel_loop3A_290, %parallel_loop3A_402, %parallel_loop3A_514, %parallel_loop3A_180, %parallel_loop3A_292, %parallel_loop3A_404, %parallel_loop3A_516, %parallel_loop3A_182, %parallel_loop3A_294, %parallel_loop3A_406, %parallel_loop3A_518 : vector<16xf32>, vector<16xf32>, vector<16xf32>, vector<16xf32>, vector<16xf32>, vector<16xf32>, vector<16xf32>, vector<16xf32>, vector<16xf32>, vector<16xf32>, vector<16xf32>, vector<16xf32>
    } {sc.loop_unroll_factor = 2 : i64, sc.parallel_access}
    %add3A = arith.addf %parallel_loop3A_25#0, %parallel_loop3A_25#1 : vector<16xf32>
    %add3A_26 = arith.addf %parallel_loop3A_25#2, %parallel_loop3A_25#3 : vector<16xf32>
    %add3A_27 = arith.addf %add3A, %add3A_26 : vector<16xf32>
    %add3A_28 = arith.addf %parallel_loop3A_25#4, %parallel_loop3A_25#5 : vector<16xf32>
    %add3A_29 = arith.addf %parallel_loop3A_25#6, %parallel_loop3A_25#7 : vector<16xf32>
    %add3A_30 = arith.addf %add3A_28, %add3A_29 : vector<16xf32>
    %add3A_31 = arith.addf %parallel_loop3A_25#8, %parallel_loop3A_25#9 : vector<16xf32>
    %add3A_32 = arith.addf %parallel_loop3A_25#10, %parallel_loop3A_25#11 : vector<16xf32>
    %add3A_33 = arith.addf %add3A_31, %add3A_32 : vector<16xf32>
    %swap3A = arith.constant 0 : index
    %swap3A_34 = tpu.vector_load %arg11[%swap3A] {strides = array<i32>} : memref<48xf32, #tpu.memory_space<vmem>>, vector<16xf32>,
    tpu.vector_store %arg11[%swap3A], %add3A_27 {strides = array<i32>} : memref<48xf32, #tpu.memory_space<vmem>>, vector<16xf32>,
    %swap3A_35 = arith.constant 16 : index
    %swap3A_36 = tpu.vector_load %arg11[%swap3A_35] {strides = array<i32>} : memref<48xf32, #tpu.memory_space<vmem>>, vector<16xf32>,
    tpu.vector_store %arg11[%swap3A_35], %add3A_30 {strides = array<i32>} : memref<48xf32, #tpu.memory_space<vmem>>, vector<16xf32>,
    %swap3A_37 = arith.constant 32 : index
    %swap3A_38 = tpu.vector_load %arg11[%swap3A_37] {strides = array<i32>} : memref<48xf32, #tpu.memory_space<vmem>>, vector<16xf32>,
    tpu.vector_store %arg11[%swap3A_37], %add3A_33 {strides = array<i32>} : memref<48xf32, #tpu.memory_space<vmem>>, vector<16xf32>,
    %mul3A_39 = arith.constant 48 : i32
    %mul3A_40 = arith.muli %arg1, %mul3A_39 : i32
    "tpu.region"() ({
      %run_scoped3A = tpu.sem_alloc : memref<!tpu.dma_semaphore, #tpu.memory_space<semaphore_mem>>
      %dma_start3A_43 = tpu.memref_slice %arg12[%mul3A_40] : memref<768xf32, #tpu.memory_space<vmem_shared>> -> memref<48xf32, #tpu.memory_space<vmem_shared>>
      %dma_start3A_44 = tpu.memref_slice %arg12[%mul3A_40] : memref<768xf32, #tpu.memory_space<vmem_shared>> -> memref<48xf32, #tpu.memory_space<vmem_shared>>
      tpu.enqueue_dma source(%arg11 : memref<48xf32, #tpu.memory_space<vmem>>) target(%dma_start3A_44 : memref<48xf32, #tpu.memory_space<vmem_shared>>) target_semaphore(%run_scoped3A : memref<!tpu.dma_semaphore, #tpu.memory_space<semaphore_mem>>)
      %dma_wait3A_45 = tpu.memref_slice %arg12[%mul3A_40] : memref<768xf32, #tpu.memory_space<vmem_shared>> -> memref<48xf32, #tpu.memory_space<vmem_shared>>
      %dma_wait3A_46 = tpu.memref_slice %arg12[%mul3A_40] : memref<768xf32, #tpu.memory_space<vmem_shared>> -> memref<48xf32, #tpu.memory_space<vmem_shared>>
      tpu.wait_dma2 semaphore(%run_scoped3A : memref<!tpu.dma_semaphore, #tpu.memory_space<semaphore_mem>>) src(%arg11 : memref<48xf32, #tpu.memory_space<vmem>>) dst(%dma_wait3A_46 : memref<48xf32, #tpu.memory_space<vmem_shared>>)
      tpu.yield
    }) : () -> ()
    %barrier3A = arith.constant 0 : index
    tpu.barrier barrier_id(%barrier3A)
    %eq3A = arith.constant 0 : i32
    %eq3A_41 = arith.cmpi eq, %arg1, %eq3A : i32
    %convert_element_type3A = arith.extui %eq3A_41 : i1 to i32
    %cond3A = arith.constant 0 : i32
    %cond3A_42 = arith.cmpi ne, %convert_element_type3A, %cond3A : i32
    scf.if %cond3A_42 {
      "tpu.region"() ({
        %run_scoped3A = tpu.sem_alloc : memref<!tpu.dma_semaphore, #tpu.memory_space<semaphore_mem>>
        tpu.enqueue_dma source(%arg12 : memref<768xf32, #tpu.memory_space<vmem_shared>>) target(%arg13 : memref<768xf32, #tpu.memory_space<vmem>>) target_semaphore(%run_scoped3A : memref<!tpu.dma_semaphore, #tpu.memory_space<semaphore_mem>>)
        tpu.wait_dma2 semaphore(%run_scoped3A : memref<!tpu.dma_semaphore, #tpu.memory_space<semaphore_mem>>) src(%arg12 : memref<768xf32, #tpu.memory_space<vmem_shared>>) dst(%arg13 : memref<768xf32, #tpu.memory_space<vmem>>)
        tpu.yield
      }) : () -> ()
      %get3A = arith.constant 0 : index
      %get3A_43 = tpu.vector_load %arg13[%get3A] {strides = array<i32>} : memref<768xf32, #tpu.memory_space<vmem>>, vector<16xf32>,
      %add3A_44 = arith.addf %broadcast_in_dim3A_13, %get3A_43 : vector<16xf32>
      %get3A_45 = arith.constant 16 : index
      %get3A_46 = tpu.vector_load %arg13[%get3A_45] {strides = array<i32>} : memref<768xf32, #tpu.memory_space<vmem>>, vector<16xf32>,
      %add3A_47 = arith.addf %broadcast_in_dim3A_13, %get3A_46 : vector<16xf32>
      %get3A_48 = arith.constant 32 : index
      %get3A_49 = tpu.vector_load %arg13[%get3A_48] {strides = array<i32>} : memref<768xf32, #tpu.memory_space<vmem>>, vector<16xf32>,
      %add3A_50 = arith.addf %broadcast_in_dim3A_13, %get3A_49 : vector<16xf32>
      %get3A_51 = arith.constant 48 : index
      %get3A_52 = tpu.vector_load %arg13[%get3A_51] {strides = array<i32>} : memref<768xf32, #tpu.memory_space<vmem>>, vector<16xf32>,
      %add3A_53 = arith.addf %add3A_44, %get3A_52 : vector<16xf32>
      %get3A_54 = arith.constant 64 : index
      %get3A_55 = tpu.vector_load %arg13[%get3A_54] {strides = array<i32>} : memref<768xf32, #tpu.memory_space<vmem>>, vector<16xf32>,
      %add3A_56 = arith.addf %add3A_47, %get3A_55 : vector<16xf32>
      %get3A_57 = arith.constant 80 : index
      %get3A_58 = tpu.vector_load %arg13[%get3A_57] {strides = array<i32>} : memref<768xf32, #tpu.memory_space<vmem>>, vector<16xf32>,
      %add3A_59 = arith.addf %add3A_50, %get3A_58 : vector<16xf32>
      %get3A_60 = arith.constant 96 : index
      %get3A_61 = tpu.vector_load %arg13[%get3A_60] {strides = array<i32>} : memref<768xf32, #tpu.memory_space<vmem>>, vector<16xf32>,
      %add3A_62 = arith.addf %add3A_53, %get3A_61 : vector<16xf32>
      %get3A_63 = arith.constant 112 : index
      %get3A_64 = tpu.vector_load %arg13[%get3A_63] {strides = array<i32>} : memref<768xf32, #tpu.memory_space<vmem>>, vector<16xf32>,
      %add3A_65 = arith.addf %add3A_56, %get3A_64 : vector<16xf32>
      %get3A_66 = arith.constant 128 : index
      %get3A_67 = tpu.vector_load %arg13[%get3A_66] {strides = array<i32>} : memref<768xf32, #tpu.memory_space<vmem>>, vector<16xf32>,
      %add3A_68 = arith.addf %add3A_59, %get3A_67 : vector<16xf32>
      %get3A_69 = arith.constant 144 : index
      %get3A_70 = tpu.vector_load %arg13[%get3A_69] {strides = array<i32>} : memref<768xf32, #tpu.memory_space<vmem>>, vector<16xf32>,
      %add3A_71 = arith.addf %add3A_62, %get3A_70 : vector<16xf32>
      %get3A_72 = arith.constant 160 : index
      %get3A_73 = tpu.vector_load %arg13[%get3A_72] {strides = array<i32>} : memref<768xf32, #tpu.memory_space<vmem>>, vector<16xf32>,
      %add3A_74 = arith.addf %add3A_65, %get3A_73 : vector<16xf32>
      %get3A_75 = arith.constant 176 : index
      %get3A_76 = tpu.vector_load %arg13[%get3A_75] {strides = array<i32>} : memref<768xf32, #tpu.memory_space<vmem>>, vector<16xf32>,
      %add3A_77 = arith.addf %add3A_68, %get3A_76 : vector<16xf32>
      %get3A_78 = arith.constant 192 : index
      %get3A_79 = tpu.vector_load %arg13[%get3A_78] {strides = array<i32>} : memref<768xf32, #tpu.memory_space<vmem>>, vector<16xf32>,
      %add3A_80 = arith.addf %add3A_71, %get3A_79 : vector<16xf32>
      %get3A_81 = arith.constant 208 : index
      %get3A_82 = tpu.vector_load %arg13[%get3A_81] {strides = array<i32>} : memref<768xf32, #tpu.memory_space<vmem>>, vector<16xf32>,
      %add3A_83 = arith.addf %add3A_74, %get3A_82 : vector<16xf32>
      %get3A_84 = arith.constant 224 : index
      %get3A_85 = tpu.vector_load %arg13[%get3A_84] {strides = array<i32>} : memref<768xf32, #tpu.memory_space<vmem>>, vector<16xf32>,
      %add3A_86 = arith.addf %add3A_77, %get3A_85 : vector<16xf32>
      %get3A_87 = arith.constant 240 : index
      %get3A_88 = tpu.vector_load %arg13[%get3A_87] {strides = array<i32>} : memref<768xf32, #tpu.memory_space<vmem>>, vector<16xf32>,
      %add3A_89 = arith.addf %add3A_80, %get3A_88 : vector<16xf32>
      %get3A_90 = arith.constant 256 : index
      %get3A_91 = tpu.vector_load %arg13[%get3A_90] {strides = array<i32>} : memref<768xf32, #tpu.memory_space<vmem>>, vector<16xf32>,
      %add3A_92 = arith.addf %add3A_83, %get3A_91 : vector<16xf32>
      %get3A_93 = arith.constant 272 : index
      %get3A_94 = tpu.vector_load %arg13[%get3A_93] {strides = array<i32>} : memref<768xf32, #tpu.memory_space<vmem>>, vector<16xf32>,
      %add3A_95 = arith.addf %add3A_86, %get3A_94 : vector<16xf32>
      %get3A_96 = arith.constant 288 : index
      %get3A_97 = tpu.vector_load %arg13[%get3A_96] {strides = array<i32>} : memref<768xf32, #tpu.memory_space<vmem>>, vector<16xf32>,
      %add3A_98 = arith.addf %add3A_89, %get3A_97 : vector<16xf32>
      %get3A_99 = arith.constant 304 : index
      %get3A_100 = tpu.vector_load %arg13[%get3A_99] {strides = array<i32>} : memref<768xf32, #tpu.memory_space<vmem>>, vector<16xf32>,
      %add3A_101 = arith.addf %add3A_92, %get3A_100 : vector<16xf32>
      %get3A_102 = arith.constant 320 : index
      %get3A_103 = tpu.vector_load %arg13[%get3A_102] {strides = array<i32>} : memref<768xf32, #tpu.memory_space<vmem>>, vector<16xf32>,
      %add3A_104 = arith.addf %add3A_95, %get3A_103 : vector<16xf32>
      %get3A_105 = arith.constant 336 : index
      %get3A_106 = tpu.vector_load %arg13[%get3A_105] {strides = array<i32>} : memref<768xf32, #tpu.memory_space<vmem>>, vector<16xf32>,
      %add3A_107 = arith.addf %add3A_98, %get3A_106 : vector<16xf32>
      %get3A_108 = arith.constant 352 : index
      %get3A_109 = tpu.vector_load %arg13[%get3A_108] {strides = array<i32>} : memref<768xf32, #tpu.memory_space<vmem>>, vector<16xf32>,
      %add3A_110 = arith.addf %add3A_101, %get3A_109 : vector<16xf32>
      %get3A_111 = arith.constant 368 : index
      %get3A_112 = tpu.vector_load %arg13[%get3A_111] {strides = array<i32>} : memref<768xf32, #tpu.memory_space<vmem>>, vector<16xf32>,
      %add3A_113 = arith.addf %add3A_104, %get3A_112 : vector<16xf32>
      %get3A_114 = arith.constant 384 : index
      %get3A_115 = tpu.vector_load %arg13[%get3A_114] {strides = array<i32>} : memref<768xf32, #tpu.memory_space<vmem>>, vector<16xf32>,
      %add3A_116 = arith.addf %add3A_107, %get3A_115 : vector<16xf32>
      %get3A_117 = arith.constant 400 : index
      %get3A_118 = tpu.vector_load %arg13[%get3A_117] {strides = array<i32>} : memref<768xf32, #tpu.memory_space<vmem>>, vector<16xf32>,
      %add3A_119 = arith.addf %add3A_110, %get3A_118 : vector<16xf32>
      %get3A_120 = arith.constant 416 : index
      %get3A_121 = tpu.vector_load %arg13[%get3A_120] {strides = array<i32>} : memref<768xf32, #tpu.memory_space<vmem>>, vector<16xf32>,
      %add3A_122 = arith.addf %add3A_113, %get3A_121 : vector<16xf32>
      %get3A_123 = arith.constant 432 : index
      %get3A_124 = tpu.vector_load %arg13[%get3A_123] {strides = array<i32>} : memref<768xf32, #tpu.memory_space<vmem>>, vector<16xf32>,
      %add3A_125 = arith.addf %add3A_116, %get3A_124 : vector<16xf32>
      %get3A_126 = arith.constant 448 : index
      %get3A_127 = tpu.vector_load %arg13[%get3A_126] {strides = array<i32>} : memref<768xf32, #tpu.memory_space<vmem>>, vector<16xf32>,
      %add3A_128 = arith.addf %add3A_119, %get3A_127 : vector<16xf32>
      %get3A_129 = arith.constant 464 : index
      %get3A_130 = tpu.vector_load %arg13[%get3A_129] {strides = array<i32>} : memref<768xf32, #tpu.memory_space<vmem>>, vector<16xf32>,
      %add3A_131 = arith.addf %add3A_122, %get3A_130 : vector<16xf32>
      %get3A_132 = arith.constant 480 : index
      %get3A_133 = tpu.vector_load %arg13[%get3A_132] {strides = array<i32>} : memref<768xf32, #tpu.memory_space<vmem>>, vector<16xf32>,
      %add3A_134 = arith.addf %add3A_125, %get3A_133 : vector<16xf32>
      %get3A_135 = arith.constant 496 : index
      %get3A_136 = tpu.vector_load %arg13[%get3A_135] {strides = array<i32>} : memref<768xf32, #tpu.memory_space<vmem>>, vector<16xf32>,
      %add3A_137 = arith.addf %add3A_128, %get3A_136 : vector<16xf32>
      %get3A_138 = arith.constant 512 : index
      %get3A_139 = tpu.vector_load %arg13[%get3A_138] {strides = array<i32>} : memref<768xf32, #tpu.memory_space<vmem>>, vector<16xf32>,
      %add3A_140 = arith.addf %add3A_131, %get3A_139 : vector<16xf32>
      %get3A_141 = arith.constant 528 : index
      %get3A_142 = tpu.vector_load %arg13[%get3A_141] {strides = array<i32>} : memref<768xf32, #tpu.memory_space<vmem>>, vector<16xf32>,
      %add3A_143 = arith.addf %add3A_134, %get3A_142 : vector<16xf32>
      %get3A_144 = arith.constant 544 : index
      %get3A_145 = tpu.vector_load %arg13[%get3A_144] {strides = array<i32>} : memref<768xf32, #tpu.memory_space<vmem>>, vector<16xf32>,
      %add3A_146 = arith.addf %add3A_137, %get3A_145 : vector<16xf32>
      %get3A_147 = arith.constant 560 : index
      %get3A_148 = tpu.vector_load %arg13[%get3A_147] {strides = array<i32>} : memref<768xf32, #tpu.memory_space<vmem>>, vector<16xf32>,
      %add3A_149 = arith.addf %add3A_140, %get3A_148 : vector<16xf32>
      %get3A_150 = arith.constant 576 : index
      %get3A_151 = tpu.vector_load %arg13[%get3A_150] {strides = array<i32>} : memref<768xf32, #tpu.memory_space<vmem>>, vector<16xf32>,
      %add3A_152 = arith.addf %add3A_143, %get3A_151 : vector<16xf32>
      %get3A_153 = arith.constant 592 : index
      %get3A_154 = tpu.vector_load %arg13[%get3A_153] {strides = array<i32>} : memref<768xf32, #tpu.memory_space<vmem>>, vector<16xf32>,
      %add3A_155 = arith.addf %add3A_146, %get3A_154 : vector<16xf32>
      %get3A_156 = arith.constant 608 : index
      %get3A_157 = tpu.vector_load %arg13[%get3A_156] {strides = array<i32>} : memref<768xf32, #tpu.memory_space<vmem>>, vector<16xf32>,
      %add3A_158 = arith.addf %add3A_149, %get3A_157 : vector<16xf32>
      %get3A_159 = arith.constant 624 : index
      %get3A_160 = tpu.vector_load %arg13[%get3A_159] {strides = array<i32>} : memref<768xf32, #tpu.memory_space<vmem>>, vector<16xf32>,
      %add3A_161 = arith.addf %add3A_152, %get3A_160 : vector<16xf32>
      %get3A_162 = arith.constant 640 : index
      %get3A_163 = tpu.vector_load %arg13[%get3A_162] {strides = array<i32>} : memref<768xf32, #tpu.memory_space<vmem>>, vector<16xf32>,
      %add3A_164 = arith.addf %add3A_155, %get3A_163 : vector<16xf32>
      %get3A_165 = arith.constant 656 : index
      %get3A_166 = tpu.vector_load %arg13[%get3A_165] {strides = array<i32>} : memref<768xf32, #tpu.memory_space<vmem>>, vector<16xf32>,
      %add3A_167 = arith.addf %add3A_158, %get3A_166 : vector<16xf32>
      %get3A_168 = arith.constant 672 : index
      %get3A_169 = tpu.vector_load %arg13[%get3A_168] {strides = array<i32>} : memref<768xf32, #tpu.memory_space<vmem>>, vector<16xf32>,
      %add3A_170 = arith.addf %add3A_161, %get3A_169 : vector<16xf32>
      %get3A_171 = arith.constant 688 : index
      %get3A_172 = tpu.vector_load %arg13[%get3A_171] {strides = array<i32>} : memref<768xf32, #tpu.memory_space<vmem>>, vector<16xf32>,
      %add3A_173 = arith.addf %add3A_164, %get3A_172 : vector<16xf32>
      %get3A_174 = arith.constant 704 : index
      %get3A_175 = tpu.vector_load %arg13[%get3A_174] {strides = array<i32>} : memref<768xf32, #tpu.memory_space<vmem>>, vector<16xf32>,
      %add3A_176 = arith.addf %add3A_167, %get3A_175 : vector<16xf32>
      %get3A_177 = arith.constant 720 : index
      %get3A_178 = tpu.vector_load %arg13[%get3A_177] {strides = array<i32>} : memref<768xf32, #tpu.memory_space<vmem>>, vector<16xf32>,
      %add3A_179 = arith.addf %add3A_170, %get3A_178 : vector<16xf32>
      %get3A_180 = arith.constant 736 : index
      %get3A_181 = tpu.vector_load %arg13[%get3A_180] {strides = array<i32>} : memref<768xf32, #tpu.memory_space<vmem>>, vector<16xf32>,
      %add3A_182 = arith.addf %add3A_173, %get3A_181 : vector<16xf32>
      %get3A_183 = arith.constant 752 : index
      %get3A_184 = tpu.vector_load %arg13[%get3A_183] {strides = array<i32>} : memref<768xf32, #tpu.memory_space<vmem>>, vector<16xf32>,
      %add3A_185 = arith.addf %add3A_176, %get3A_184 : vector<16xf32>
      %reduce_sum3A = arith.constant true
      %reduce_sum3A_186 = vector.broadcast %reduce_sum3A : i1 to vector<16xi1>
      %reduce_sum3A_187 = tpu.scan <sum>, %add3A_179 masked %reduce_sum3A_186 : vector<16xf32>, vector<16xi1> -> vector<16xf32>
      %reduce_sum3A_188 = vector.extract %reduce_sum3A_187[15] : f32 from vector<16xf32>
      %broadcast_in_dim3A_189 = vector.broadcast %reduce_sum3A_188 : f32 to vector<16xf32>
      %reduce_sum3A_190 = arith.constant true
      %reduce_sum3A_191 = vector.broadcast %reduce_sum3A_190 : i1 to vector<16xi1>
      %reduce_sum3A_192 = tpu.scan <sum>, %add3A_182 masked %reduce_sum3A_191 : vector<16xf32>, vector<16xi1> -> vector<16xf32>
      %reduce_sum3A_193 = vector.extract %reduce_sum3A_192[15] : f32 from vector<16xf32>
      %broadcast_in_dim3A_194 = vector.broadcast %reduce_sum3A_193 : f32 to vector<16xf32>
      %reduce_sum3A_195 = arith.constant true
      %reduce_sum3A_196 = vector.broadcast %reduce_sum3A_195 : i1 to vector<16xi1>
      %reduce_sum3A_197 = tpu.scan <sum>, %add3A_185 masked %reduce_sum3A_196 : vector<16xf32>, vector<16xi1> -> vector<16xf32>
      %reduce_sum3A_198 = vector.extract %reduce_sum3A_197[15] : f32 from vector<16xf32>
      %broadcast_in_dim3A_199 = vector.broadcast %reduce_sum3A_198 : f32 to vector<16xf32>
      %max3A = arith.maximumf %broadcast_in_dim3A_194, %broadcast_in_dim3A_15 : vector<16xf32>
      %div3A = arith.divf %broadcast_in_dim3A_189, %max3A : vector<16xf32>
      %gt3A = arith.cmpf ogt, %broadcast_in_dim3A_194, %broadcast_in_dim3A_13 : vector<16xf32>
      %ge3A = arith.cmpf oge, %div3A, %broadcast_in_dim3A_13 : vector<16xf32>
      %and3A = arith.andi %gt3A, %ge3A : vector<16xi1>
      %le3A = arith.cmpf ole, %div3A, %broadcast_in_dim3A_15 : vector<16xf32>
      %and3A_200 = arith.andi %and3A, %le3A : vector<16xi1>
      %select_n3A = arith.select %and3A_200, %broadcast_in_dim3A_189, %broadcast_in_dim3A_13 : vector<16xi1>, vector<16xf32>
      %sub3A = arith.subf %broadcast_in_dim3A_199, %select_n3A : vector<16xf32>
      %swap3A_201 = arith.constant 0 : index
      %swap3A_202 = tpu.vector_load %arg14[%swap3A_201] {strides = array<i32>} : memref<16xf32, #tpu.memory_space<vmem>>, vector<16xf32>,
      tpu.vector_store %arg14[%swap3A_201], %sub3A {strides = array<i32>} : memref<16xf32, #tpu.memory_space<vmem>>, vector<16xf32>,
      "tpu.region"() ({
        %run_scoped3A = tpu.sem_alloc : memref<!tpu.dma_semaphore, #tpu.memory_space<semaphore_mem>>
        tpu.enqueue_dma source(%arg14 : memref<16xf32, #tpu.memory_space<vmem>>) target(%arg5 : memref<16xf32, #tpu.memory_space<hbm>>) target_semaphore(%run_scoped3A : memref<!tpu.dma_semaphore, #tpu.memory_space<semaphore_mem>>)
        tpu.wait_dma2 semaphore(%run_scoped3A : memref<!tpu.dma_semaphore, #tpu.memory_space<semaphore_mem>>) src(%arg14 : memref<16xf32, #tpu.memory_space<vmem>>) dst(%arg5 : memref<16xf32, #tpu.memory_space<hbm>>)
        tpu.yield
      }) : () -> ()
    } else {
    }
    return
  }
}

</mosaic_0001>

<sc_bundles>
// kernel: kernel.3.cloned.1.call-start
scs
__scs_entry_jumppad:
0x0: {  	(pc) =	sbr.rel $0x88, $3  }
0x1: {  	(tag) =	ssettag $0x0;
	lr =	simm.s32 $0x1  }
0x2: {  	[smem:$0x3F9E] =	sst lr;
	_ =	strace $0xD0000000  }
0x3: {  	_ = 	snop  }
0x4: {  	_ = 	snop  }
0x5: {  	_ = 	snop  }
0x6: {  	_ = 	snop  }
0x7: {  	_ = 	snop  }
__scs_overlays_trampoline_lowered:
0x8: {  	[smem:$0x3FAD] =	sst s0  }
0x9: {  	[smem:$0x3FAE] =	sst s1  }
0xa: {  	[smem:$0x3FAF] =	sst s2  }
0xb: {  	[smem:$0x3FB0] =	sst s3  }
0xc: {  	[smem:$0x3FB1] =	sst s4  }
0xd: {  	[smem:$0x3FB2] =	sst s5  }
0xe: {  	[smem:$0x3FB3] =	sst s6  }
0xf: {  	[smem:$0x3FB4] =	sst s7  }
0x10: {  	[smem:$0x3FB5] =	sst s8  }
0x11: {  	[smem:$0x3FB6] =	sst s9;
	s0 =	simm.s32 @!p0 $0x0  }
0x12: {  	s1 =	sld [smem:$0x3F9C];
	s0 =	simm.s32 @p0 $0x1  }
0x13: {  	[smem:$0x3FB7] =	sst s0;
	s0 =	simm.s32 @!p1 $0x0  }
0x14: {  	s2 =	sld [smem:$0x3F9B];
	s0 =	simm.s32 @p1 $0x1  }
0x15: {  	[smem:$0x3FB8] =	sst s0;
	s0 =	simm.s32 @!p2 $0x0  }
0x16: {  	s3 =	sld [smem:$0x3FDB];
	s0 =	simm.s32 @p2 $0x1  }
0x17: {  	s4 =	simm.s32 $0x1BF5;
	[smem:$0x3FBA] =	sst s0  }
0x18: {  	s0 =	sld [smem:$0x3F9D];
	_ =	swait.ge [sflag:s4], $0x0  }
0x19: {  	s7 =	sld [smem:$0x3F9E]  }
0x1a: {  	s8 =	sadd.s32 $0xFFFFE003, lr  }
0x1b: {  	s9 =	sadd.s32 $0xFFFFFEF7, lr;
	s5 =	simm.s32 $0xFFFFFFFF;
	p2 =	slt.u32 s8, $0xFFFFF086  }
0x1c: {  	p1 =	slt.u32 s9, $0xF7A;
	s5 =	simm.s32 @!p2 $0x0  }
0x1d: {  	s5 =	simm.s32 @p1 $0x1;
	p0 =	seq.s32 s7, s2  }
0x1e: {  	s7 =	smul.u32 @!p0 $0xF7A, s2;
	p2 =	seq.s32 @!p0 s5, $0x0  }
0x1f: {  	s9 =	smul.u32 $0xF7A, s1;
	s8 =	simm.s32 @!p0 $0x1BF5;
	p2 =	por !p2, p0  }
0x20: {  	[sflag:s8] =	ssyncset.s32 @!p0 $0xFFFFF086;
	s6 =	sadd.s32 @!p0 s3, s7;
	s7 =	simm.s32 @!p0 $0x108  }
0x21: {  	s3 =	sadd.s32 s3, s9;
	s6 =	sadd.s32 @!p0 $0x88, s6;
	s7 =	simm.s32 @p2 $0x1082  }
0x22: {  	[simem:s7], [sflag:s8] =	dma.local @!p0 [hbm:s6], $0xF7A  }
0x23: {  	s9 =	sor.u32 $0xD0000000, s2;
	s6 =	simm.s32 $0x108;
	_ =	swait.ge @!p0 [sflag:s8], $0x0  }
0x24: {  	s3 =	sadd.s32 $0x88, s3;
	s6 =	simm.s32 @!p1 $0x1082;
	[sflag:s4] =	ssyncset.s32 $0xFFFFF086  }
0x25: {  	[simem:s6], [sflag:s4] =	dma.local [hbm:s3], $0xF7A  }
0x26: {  	[smem:$0x3F9E] =	sst s1;
	(tag) =	ssettag s2;
	_ =	strace s9  }
0x27: {  	s1 =	sld [smem:$0x3FAE]  }
0x28: {  	s2 =	sld [smem:$0x3FAF]  }
0x29: {  	s4 =	sld [smem:$0x3FB1]  }
0x2a: {  	p0 =	seq.s32 s5, $0x0;
	s5 =	sld [smem:$0x3FB2]  }
0x2b: {  	s6 =	sld [smem:$0x3FB3]  }
0x2c: {  	s7 =	sld [smem:$0x3FB4]  }
0x2d: {  	s3 =	simm.s32 $0x108;
	s8 =	sld [smem:$0x3FB5]  }
0x2e: {  	s3 =	simm.s32 @!p0 $0x1082;
	s9 =	sld [smem:$0x3FB6]  }
0x2f: {  	lr =	sadd.s32 s0, s3;
	s0 =	sld [smem:$0x3FAD]  }
0x30: {  	s3 =	sld [smem:$0x3FB0]  }
0x31: {  	[smem:$0x3FB9] =	sst s10  }
0x32: {  	s10 =	sld [smem:$0x3FB7];
	_ =	sdelay $0x3  }
0x33: {  	p0 =	seq.s32 s10, $0x1;
	s10 =	sld [smem:$0x3FB9];
	_ =	sdelay $0x3  }
0x34: {  	[smem:$0x3FB9] =	sst s10  }
0x35: {  	s10 =	sld [smem:$0x3FB8];
	_ =	sdelay $0x3  }
0x36: {  	p1 =	seq.s32 s10, $0x1;
	s10 =	sld [smem:$0x3FB9];
	_ =	sdelay $0x3  }
0x37: {  	[smem:$0x3FB9] =	sst s10  }
0x38: {  	s10 =	sld [smem:$0x3FBA]  }
0x39: {  	_ = 	snop;
	(pc) =	sbr.ind lr, $3  }
0x3a: {  	_ = 	snop  }
0x3b: {  	_ = 	snop  }
0x3c: {  	p2 =	seq.s32 s10, $0x1;
	s10 =	sld [smem:$0x3FB9]  }
0x3d: {  	_ =	shalt  }
0x3e: {  	_ =	shalt  }
0x3f: {  	_ =	shalt  }
0x40: {  	_ =	shalt  }
0x41: {  	_ =	shalt  }
0x42: {  	_ =	shalt  }
0x43: {  	_ =	shalt  }
0x44: {  	_ =	shalt  }
0x45: {  	_ =	shalt  }
0x46: {  	_ =	shalt  }
0x47: {  	_ =	shalt  }
0x48: {  	_ =	shalt  }
0x49: {  	_ =	shalt  }
0x4a: {  	_ =	shalt  }
0x4b: {  	_ =	shalt  }
0x4c: {  	_ =	shalt  }
0x4d: {  	_ =	shalt  }
0x4e: {  	_ =	shalt  }
0x4f: {  	_ =	shalt  }
0x50: {  	_ =	shalt  }
0x51: {  	_ =	shalt  }
0x52: {  	_ =	shalt  }
0x53: {  	_ =	shalt  }
0x54: {  	_ =	shalt  }
0x55: {  	_ =	shalt  }
0x56: {  	_ =	shalt  }
0x57: {  	_ =	shalt  }
0x58: {  	_ =	shalt  }
0x59: {  	_ =	shalt  }
0x5a: {  	_ =	shalt  }
0x5b: {  	_ =	shalt  }
0x5c: {  	_ =	shalt  }
0x5d: {  	_ =	shalt  }
0x5e: {  	_ =	shalt  }
0x5f: {  	_ =	shalt  }
0x60: {  	_ =	shalt  }
0x61: {  	_ =	shalt  }
0x62: {  	_ =	shalt  }
0x63: {  	_ =	shalt  }
0x64: {  	_ =	shalt  }
0x65: {  	_ =	shalt  }
0x66: {  	_ =	shalt  }
0x67: {  	_ =	shalt  }
0x68: {  	_ =	shalt  }
0x69: {  	_ =	shalt  }
0x6a: {  	_ =	shalt  }
0x6b: {  	_ =	shalt  }
0x6c: {  	_ =	shalt  }
0x6d: {  	_ =	shalt  }
0x6e: {  	_ =	shalt  }
0x6f: {  	_ =	shalt  }
0x70: {  	_ =	shalt  }
0x71: {  	_ =	shalt  }
0x72: {  	_ =	shalt  }
0x73: {  	_ =	shalt  }
0x74: {  	_ =	shalt  }
0x75: {  	_ =	shalt  }
0x76: {  	_ =	shalt  }
0x77: {  	_ =	shalt  }
0x78: {  	_ =	shalt  }
0x79: {  	_ =	shalt  }
0x7a: {  	_ =	shalt  }
0x7b: {  	_ =	shalt  }
0x7c: {  	_ =	shalt  }
0x7d: {  	_ =	shalt  }
0x7e: {  	_ =	shalt  }
0x7f: {  	_ =	shalt  }
0x80: {  	_ =	shalt  }
0x81: {  	_ =	shalt  }
0x82: {  	_ =	shalt  }
0x83: {  	_ =	shalt  }
0x84: {  	_ =	shalt  }
0x85: {  	_ =	shalt  }
0x86: {  	_ =	shalt  }
0x87: {  	_ =	shalt  }
.Lfunc_end0:
.L_simem_size_0:
called_computation_lowered:
.L_overlay_start_0:
0x88: {  	s0 =	sld [smem:$0x3FD9]  }
0x89: {  	s1 =	sld [smem:$0x3FFE];
	_ =	sdelay $0x3  }
0x8a: {  	s0 =	sadd.s32 s1, s0  }
0x8b: {  	[smem:$0x3FC5] =	sst s0  }
0x8c: {  	_ = 	snop  }
0x8d: {  	s0 =	sld [smem:$0x3FC8]  }
0x8e: {  	s16 =	sld [smem:$0x3FC7]  }
0x8f: {  	s2 =	sld [smem:$0x3FD0];
	(tm) =	ssettm $0x1  }
0x90: {  	s3 =	sld [smem:$0x3FFB];
	_ =	sdelay $0x3  }
0x91: {  	_ =	strace s3  }
0x92: {  	s3 =	sld [smem:$0x3FFC];
	_ =	sdelay $0x3  }
0x93: {  	_ =	strace s3  }
0x94: {  	s3 =	sld [smem:$0x3FFD];
	_ =	sdelay $0x3  }
0x95: {  	_ =	strace s3  }
0x96: {  	_ =	strace $0x8FFFFFFF  }
0x97: {  	s17 =	sld [smem:$0x3FDB];
	_ =	sdelay $0x1  }
0x98: {  	s4 =	simm.s32 $_scs_section_size  }
0x99: {  	s5 =	simm.s32 $_size__tile_overlayer_lowered;
	s6 =	simm.s32 $_tile_overlayer_lowered  }
0x9a: {  	s20 =	simm.s32 $0x1BFF;
	s19 =	sshll.u32 s6, $0x1;
	s3 =	sadd.s32 s4, s17  }
0x9b: {  	s7 =	simm.s32 $0x0;
	s18 =	sshll.u32 s5, $0x1;
	s5 =	sadd.s32 s19, s3  }
0x9c: {  	[timem:s7], [sflag:s20] =	dma.local [hbm:s5], s18  }
0x9d: {  	_ =	swait.ge [sflag:s20], s18  }
0x9e: {  	s4 =	ssub.s32 $0x0, s18;
	[sflag:s20] =	ssyncset.done $0x0  }
0x9f: {  	[sflag:s20] =	ssyncadd.s32 s4;
	_ =	sdelay $0x1  }
0xa0: {  	s21 =	simm.s32 $0x1B8B  }
0xa1: {  	_ =	swait.ge [sflag:s21], $0x1  }
0xa2: {  	[sflag:s21] =	ssyncset.done $0x0  }
0xa3: {  	s23 =	simm.s32 $0x1B8E;
	s22 =	sld [smem:$0x3FFE];
	[sflag:s21] =	ssyncadd.s32 $0xFFFFFFFF  }
0xa4: {  	s24 =	simm.s32 $execute0_lowered;
	[smem:$0x3FD2] =	sst s23  }
0xa5: {  	s5 =	sshll.u32 s24, $0x1;
	_ =	strace $0x80000046;
	[dreg:$0x1] =	wrdreg $0xFFFFFFFF  }
0xa6: {  	s25 =	simm.s32 $_size_execute0_lowered;
	s3 =	sadd.s32 s3, s5;
	[dreg:$0x0] =	wrdreg $0x0  }
0xa7: {  	s5 =	sshll.u32 s25, $0x1;
	[dreg:$0x2] =	wrdreg s3  }
0xa8: {  	[dreg:$0x3] =	wrdreg s5  }
0xa9: {  	[dreg:$0x4] =	wrdreg $0xC0  }
0xaa: {  	_ =	task [dreg:s7], $0x5FFFF  }
0xab: {  	[dreg:$0x1] =	wrdreg $0xFFFFFFFF  }
0xac: {  	[dreg:$0x0] =	wrdreg $0x60  }
0xad: {  	[dreg:$0x2] =	wrdreg s22  }
0xae: {  	[dreg:$0x3] =	wrdreg s0  }
0xaf: {  	[dreg:$0x4] =	wrdreg s16  }
0xb0: {  	[dreg:$0x5] =	wrdreg s2  }
0xb1: {  	[dreg:$0x6] =	wrdreg $0x44800  }
0xb2: {  	[dreg:$0x7] =	wrdreg $0x9  }
0xb3: {  	_ =	task.clear_ibuf [dreg:s7], $0x8FFFF;
	_ =	strace $0x90000046  }
0xb4: {  	s26 =	simm.s32 $0x9;
	_ =	strace $0x80000048  }
0xb5: {  	_ =	swait.ge [sflag:s26], $0x1  }
0xb6: {  	[sflag:s26] =	ssyncadd.s32 $0xFFFFFFFF  }
0xb7: {  	_ =	strace $0x90000048  }
0xb8: {  	_ =	sfence  }
0xb9: {  	s28 =	sld [smem:$0x0];
	_ =	sdelay $0x1  }
0xba: {  	s29 =	srdreg.scid  }
0xbb: {  	s30 =	sshll.u32 s29, $0xD;
	s31 =	sshrl.u32 s29, $0x2  }
0xbc: {  	s1 =	sand.u32 $0x1, s29;
	s2 =	sand.u32 $0x4000, s30;
	s0 =	sadd.s32 s31, s28  }
0xbd: {  	s1 =	sor.u32 s2, s1;
	s0 =	sshll.u32 s0, $0x11  }
0xbe: {  	s0 =	sor.u32 s0, s1  }
0xbf: {  	s0 =	sadd.s32 $0x8F2B, s0  }
0xc0: {  	[sflag:s0] =	ssyncadd.remote.s32 $0x1  }
0xc1: {  	_ =	sfence.sel $0xFFFF  }
0xc2: {  	[dreg:$0x0] =	wrdreg $0xFFFFFFFF;
	(pc) =	sbr.abs _section_cstart, $3  }
0xc3: {  	[dreg:$0x1] =	wrdreg $0xFFFFFFFF  }
0xc4: {  	_ =	task.clear_ibuf [dreg:s7], $0x2FFFF;
	_ =	strace $0x9FFFFFFF  }
0xc5: {  	(tm) =	ssettm $0x7FFFFFFF  }
tec
execute0_lowered:
.L_overlay_start_1:
0x0: {  	(tag) =	ssettag $0x1  }
0x1: {  	s4 =	rddreg [dreg:$0x0]  }
0x2: {  	s5 =	rddreg [dreg:$0x1]  }
0x3: {  	s8 =	rddreg [dreg:$0x2]  }
0x4: {  	s1 =	rddreg [dreg:$0x3]  }
0x5: {  	s2 =	rddreg [dreg:$0x4]  }
0x6: {  	s0 =	rddreg [dreg:$0x5];
	s7 =	simm.s32 $0x0;
	s3 =	stileid.u32  }
0x7: {  	s6 =	simm.s32 $0x2000;
	[smem:$0x7FF] =	sst s7;
	s9 =	sshll.u32 s3, $0x8  }
0x8: {  	s10 =	sshll.u32 s3, $0xA;
	_ =	strace $0x80000047;
	s5 =	sadd.s32 s5, s9  }
0x9: {  	[tilespmem:s6], [sflag:$0x1] =	stream.linear.gather [hbm4b:s5+s7], $0x800, $0x38;
	[tilespmem:$0x4830] =	vst v63  }
0xa: {  	s19 =	simm.s32 $0x2800;
	s4 =	sadd.s32 s10, s4;
	s18 =	sadd.s32 s8, s9  }
0xb: {  	[tilespmem:s19], [sflag:$0x2] =	stream.linear.gather [hbm4b:s18+s7], $0x800, $0x38;
	[tilespmem:$0x4830] =	vst v63  }
0xc: {  	s20 =	simm.s32 $0x1;
	s4 =	sadd.s32 $0x400, s4  }
0xd: {  	[tilespmem:s7], [sflag:$0x3] =	stream.linear.gather [hbm4b:s4+s7], $0x2000, $0x38;
	[tilespmem:$0x4830] =	vst v63  }
0xe: {  	_ =	swait.ge [sflag:s20], $0x800  }
0xf: {  	[sflag:s20] =	ssyncset.done $0x0  }
0x10: {  	s21 =	simm.s32 $0x3100;
	v1 =	vimm.s32 $0x0;
	[sflag:s20] =	ssyncadd.s32 $0xFFFFF800  }
0x11: {  	[tilespmem:s21+$0x0] =	vst v1  }
0x12: {  	[tilespmem:s21+$0x10] =	vst v1  }
0x13: {  	[tilespmem:s21+$0x20] =	vst v1  }
0x14: {  	[tilespmem:s21+$0x30] =	vst v1  }
0x15: {  	[tilespmem:s21+$0x40] =	vst v1  }
0x16: {  	[tilespmem:s21+$0x50] =	vst v1  }
0x17: {  	[tilespmem:s21+$0x60] =	vst v1  }
0x18: {  	v2 =	vlaneseq.u32;
	[tilespmem:s21+$0x70] =	vst v1  }
0x19: {  	v3 =	vmul.u32 $0x2, v2;
	[tilespmem:s21+$0x80] =	vst v1  }
0x1a: {  	[tilespmem:s21+$0x90] =	vst v1  }
0x1b: {  	s22 =	simm.s32 $0x80;
	v8 =	vor.u32 $0x1, v3;
	[tilespmem:s21+$0xA0] =	vst v1  }
0x1c: {  	v0 =	vor.u32 s22, v8;
	[tilespmem:s21+$0xB0] =	vst v1  }
0x1d: {  	[tilespmem:s21+$0xC0] =	vst v1  }
0x1e: {  	[tilespmem:s21+$0xD0] =	vst v1  }
0x1f: {  	[tilespmem:s21+$0xE0] =	vst v1  }
0x20: {  	[tilespmem:s21+$0xF0] =	vst v1  }
0x21: {  	v0 =	vld.idx.msk [tilespmem:v0+s6+$0x0], $0xffff  }
0x22: {  	v4 =	vimm.s32 $0x8040201;
	v6 =	vimm.s32 $0x80402010  }
0x23: {  	v4 =	vunpack.c.0.s8.s32 v4;
	v6 =	vunpack.c.0.s8.s32 v6  }
0x24: {  	vm0 =	vcmask $0xF00;
	vm10 =	vcmask $0x1F10;
	vm11 =	vcmask $0x2320  }
0x25: {  	vm12 =	vcmask $0x2724;
	v4 =	vnsel vm0, $0x8000, v4;
	v6 =	vand.u32 $0xFF, v6  }
0x26: {  	s23 =	simm.s32 $0x100;
	vm13 =	vcmask $0x2B28;
	v4 =	vsel vm10, v6, v4;
	v0 =	vshll.u32 v0, $0x2  }
0x27: {  	vm14 =	vcmask $0x2F2C;
	v4 =	vsel vm11, $0x100, v4;
	v6 =	vadd.s32 s23, v0  }
0x28: {  	v4 =	vsel vm12, $0x200, v4;
	v0 =	vand.u32 $0x7C, v0;
	v6 =	vand.u32 $0xFFFFFF80, v6  }
0x29: {  	v10 =	vor.u32 $0x21, v3;
	v4 =	vsel vm13, $0x400, v4;
	v6 =	vor.u32 v0, v6  }
0x2a: {  	vm15 =	vcmask $0x3330;
	v0 =	vsel vm14, $0x800, v4;
	v4 =	vor.u32 s22, v10  }
0x2b: {  	vm4 =	vcmask $0x3734;
	v0 =	vsel vm15, $0x1000, v0  }
0x2c: {  	vm5 =	vcmask $0x3B38;
	v0 =	vsel vm4, $0x2000, v0  }
0x2d: {  	s4 =	simm.s32 $0x3000;
	v0 =	vsel vm5, $0x4000, v0  }
0x2e: {  	[tilespmem:v6+s4+$0x0] =	vst.idx.add.s32.msk $0xffff, v0  }
0x2f: {  	v4 =	vld.idx.msk [tilespmem:v4+s6+$0x0], $0xffff;
	_ =	sdelay $0x4  }
0x30: {  	v4 =	vshll.u32 v4, $0x2  }
0x31: {  	v6 =	vadd.s32 s23, v4  }
0x32: {  	v4 =	vand.u32 $0x7C, v4;
	v6 =	vand.u32 $0xFFFFFF80, v6  }
0x33: {  	v4 =	vor.u32 v6, v4  }
0x34: {  	v13 =	vor.u32 $0x41, v3;
	v4 =	vor.u32 $0x1, v4  }
0x35: {  	v6 =	vor.u32 s22, v13;
	_ =	sdelay $0x3  }
0x36: {  	[tilespmem:v4+s4+$0x0] =	vst.idx.add.s32.msk $0xffff, v0  }
0x37: {  	v4 =	vld.idx.msk [tilespmem:v6+s6+$0x0], $0xffff;
	_ =	sdelay $0x1  }
0x38: {  	[tilespmem:s21+$0xFFFFFF10] =	vst v1  }
0x39: {  	[tilespmem:s21+$0xFFFFFF20] =	vst v1  }
0x3a: {  	[tilespmem:s21+$0xFFFFFF30] =	vst v1  }
0x3b: {  	[tilespmem:s21+$0xFFFFFF40] =	vst v1;
	v4 =	vshll.u32 v4, $0x2  }
0x3c: {  	[tilespmem:s21+$0xFFFFFF50] =	vst v1;
	v6 =	vadd.s32 s23, v4  }
0x3d: {  	[tilespmem:s21+$0xFFFFFF60] =	vst v1;
	v4 =	vand.u32 $0x7C, v4;
	v6 =	vand.u32 $0xFFFFFF80, v6  }
0x3e: {  	[tilespmem:s21+$0xFFFFFF70] =	vst v1;
	v4 =	vor.u32 v6, v4  }
0x3f: {  	v14 =	vor.u32 $0x61, v3;
	[tilespmem:s21+$0xFFFFFF80] =	vst v1;
	v3 =	vor.u32 $0x2, v4  }
0x40: {  	[tilespmem:s21+$0xFFFFFF90] =	vst v1;
	v4 =	vor.u32 s22, v14  }
0x41: {  	[tilespmem:s21+$0xFFFFFFA0] =	vst v1  }
0x42: {  	[tilespmem:s21+$0xFFFFFFB0] =	vst v1  }
0x43: {  	[tilespmem:s21+$0xFFFFFFC0] =	vst v1  }
0x44: {  	[tilespmem:v3+s4+$0x0] =	vst.idx.add.s32.msk $0xffff, v0  }
0x45: {  	[tilespmem:s21+$0xFFFFFFD0] =	vst v1;
	v3 =	vld.idx.msk [tilespmem:v4+s6+$0x0], $0xffff  }
0x46: {  	[tilespmem:s21+$0xFFFFFFE0] =	vst v1  }
0x47: {  	[tilespmem:s21+$0xFFFFFFF0] =	vst v1  }
0x48: {  	s24 =	simm.s32 $0x3300;
	[tilespmem:s21+$0xFFFFFF00] =	vst v1  }
0x49: {  	[tilespmem:s24+$0x0] =	vst v1  }
0x4a: {  	[tilespmem:s24+$0x10] =	vst v1;
	v3 =	vshll.u32 v3, $0x2  }
0x4b: {  	[tilespmem:s24+$0x20] =	vst v1;
	v4 =	vadd.s32 s23, v3  }
0x4c: {  	[tilespmem:s24+$0x30] =	vst v1;
	v3 =	vand.u32 $0x7C, v3;
	v4 =	vand.u32 $0xFFFFFF80, v4  }
0x4d: {  	[tilespmem:s24+$0x40] =	vst v1;
	v3 =	vor.u32 v4, v3;
	v4 =	vor.u32 s7, v8  }
0x4e: {  	v21 =	vmul.u32 $0x4, v2;
	[tilespmem:s24+$0x50] =	vst v1;
	v3 =	vor.u32 $0x3, v3  }
0x4f: {  	[tilespmem:s24+$0x60] =	vst v1  }
0x50: {  	v2 =	vor.u32 s23, v21;
	v61 =	vor.u32 $0x2, v21;
	[tilespmem:s24+$0x70] =	vst v1  }
0x51: {  	v59 =	vor.u32 $0x3, v21;
	[tilespmem:s24+$0x80] =	vst v1;
	v6 =	vor.u32 s23, v61  }
0x52: {  	v22 =	vor.u32 $0x1, v21;
	v11 =	vor.u32 s23, v59;
	[tilespmem:s24+$0x90] =	vst v1;
	v4 =	vld.idx.msk [tilespmem:v4+s6+$0x0], $0xffff  }
0x53: {  	[tilespmem:v3+s4+$0x0] =	vst.idx.add.s32.msk $0xffff, v0;
	v3 =	vor.u32 s23, v22  }
0x54: {  	s25 =	simm.s32 $0x180;
	[tilespmem:s24+$0xA0] =	vst v1  }
0x55: {  	v24 =	vor.u32 s25, v8;
	[tilespmem:s24+$0xB0] =	vst v1;
	v2 =	vld.idx.msk [tilespmem:v2+s4+$0x0], $0xffff  }
0x56: {  	[tilespmem:s24+$0xC0] =	vst v1;
	v23 =	vld.idx.msk [tilespmem:v6+s4+$0x0], $0xffff  }
0x57: {  	[tilespmem:s24+$0xD0] =	vst v1;
	v11 =	vld.idx.msk [tilespmem:v11+s4+$0x0], $0xffff  }
0x58: {  	v60 =	vor.u32 $0x40, v21;
	[tilespmem:s24+$0xE0] =	vst v1;
	v4 =	vshll.u32 v4, $0x2;
	v3 =	vld.idx.msk [tilespmem:v3+s4+$0x0], $0xffff  }
0x59: {  	v62 =	vor.u32 $0x41, v21;
	v20 =	vor.u32 $0x42, v21;
	[tilespmem:s24+$0xF0] =	vst v1;
	v25 =	vadd.s32 s7, v4  }
0x5a: {  	v19 =	vor.u32 $0x43, v21;
	v24 =	vld.idx.msk [tilespmem:v24+s6+$0x0], $0xffff;
	v4 =	vand.u32 $0x7C, v4;
	v25 =	vand.u32 $0xFFFFFF80, v25  }
0x5b: {  	v26 =	vor.u32 s7, v10;
	v27 =	vor.u32 s23, v20;
	v4 =	vor.u32 v4, v25  }
0x5c: {  	vm1 =	veq.s32 v2, $0x0;
	v28 =	vcvt.s32.f32 v11;
	v25 =	vcvt.s32.f32 v2  }
0x5d: {  	vm7 =	veq.s32 v23, $0x0;
	vm6 =	veq.s32 v3, $0x0;
	v3 =	vcvt.s32.f32 v3  }
0x5e: {  	vm8 =	veq.s32 v11, $0x0;
	v2 =	vshra.s32 v25, $0x17;
	v25 =	vcvt.s32.f32 v23  }
0x5f: {  	v11 =	vshll.u32 v24, $0x2;
	v2 =	vadd.s32 $0xFFFFFF81, v2;
	v3 =	vshra.s32 v3, $0x17  }
0x60: {  	v2 =	vsel vm1, $0xFFFFFFFF, v2;
	v25 =	vshra.s32 v25, $0x17;
	[tilespmem:v4+s4+$0x0] =	vst.idx.add.s32.msk $0xffff, v0;
	v3 =	vadd.s32 $0xFFFFFF91, v3  }
0x61: {  	v4 =	vld.idx.msk [tilespmem:v26+s6+$0x0], $0xffff;
	v2 =	vsel vm6, v2, v3;
	v3 =	vadd.s32 $0xFFFFFFA1, v25;
	v25 =	vshra.s32 v28, $0x17  }
0x62: {  	s12 =	simm.s32 $0x300;
	v23 =	vor.u32 s23, v60;
	v2 =	vsel vm7, v2, v3;
	v3 =	vadd.s32 $0xFFFFFFB1, v25  }
0x63: {  	v24 =	vor.u32 s23, v62;
	v2 =	vsel vm8, v2, v3;
	v3 =	vadd.s32 s12, v11  }
0x64: {  	s5 =	simm.s32 $0x0;
	v25 =	vor.u32 s23, v19;
	v11 =	vand.u32 $0x7C, v11;
	v3 =	vand.u32 $0xFFFFFF80, v3  }
0x65: {  	[tilespmem:s5+$0x4040] =	vst v2;
	v2 =	vor.u32 v11, v3  }
0x66: {  	v3 =	vshll.u32 v4, $0x2;
	v4 =	vld.idx.msk [tilespmem:v27+s4+$0x0], $0xffff;
	v11 =	vor.u32 s25, v10  }
0x67: {  	v27 =	vld.idx.msk [tilespmem:v23+s4+$0x0], $0xffff  }
0x68: {  	v24 =	vld.idx.msk [tilespmem:v24+s4+$0x0], $0xffff  }
0x69: {  	v26 =	vadd.s32 s7, v3;
	v31 =	vld.idx.msk [tilespmem:v25+s4+$0x0], $0xffff  }
0x6a: {  	v16 =	vor.u32 $0x80, v21;
	v3 =	vand.u32 $0x7C, v3;
	v23 =	vand.u32 $0xFFFFFF80, v26;
	[tilespmem:v2+s4+$0x0] =	vst.idx.add.s32.msk $0xffff, v0  }
0x6b: {  	v63 =	vor.u32 $0xFFFFFE80, v21;
	v51 =	vor.u32 $0xFFFFFF80, v21;
	v3 =	vor.u32 v23, v3;
	v2 =	vld.idx.msk [tilespmem:v11+s6+$0x0], $0xffff  }
0x6c: {  	v26 =	vor.u32 s7, v13;
	v3 =	vor.u32 $0x1, v3;
	v32 =	vcvt.s32.f32 v27  }
0x6d: {  	vm9 =	veq.s32 v24, $0x0;
	v24 =	vcvt.s32.f32 v24;
	v11 =	vor.u32 s23, v16  }
0x6e: {  	[tilespmem:s24+$0xFFFFFF10] =	vst v1;
	vm10 =	veq.s32 v4, $0x0;
	vm2 =	veq.s32 v27, $0x0;
	v11 =	vand.u32 v51, v11  }
0x6f: {  	[tilespmem:s24+$0xFFFFFF20] =	vst v1;
	v32 =	vshra.s32 v32, $0x17;
	v24 =	vshra.s32 v24, $0x17;
	v27 =	vcvt.s32.f32 v31  }
0x70: {  	[tilespmem:s24+$0xFFFFFF30] =	vst v1;
	vm11 =	veq.s32 v31, $0x0;
	v24 =	vadd.s32 $0xFFFFFF91, v24;
	v2 =	vshll.u32 v2, $0x2  }
0x71: {  	[tilespmem:v3+s4+$0x0] =	vst.idx.add.s32.msk $0xffff, v0;
	v3 =	vcvt.s32.f32 v4;
	v4 =	vadd.s32 $0xFFFFFF81, v32;
	v56 =	vadd.s32 s12, v2  }
0x72: {  	[tilespmem:s24+$0xFFFFFF40] =	vst v1;
	v4 =	vsel vm2, $0xFFFFFFFF, v4;
	v2 =	vand.u32 $0x7C, v2;
	v32 =	vand.u32 $0xFFFFFF80, v56  }
0x73: {  	[tilespmem:s24+$0xFFFFFF50] =	vst v1;
	v3 =	vshra.s32 v3, $0x17;
	v4 =	vsel vm9, v4, v24;
	v2 =	vor.u32 v32, v2  }
0x74: {  	[tilespmem:s24+$0xFFFFFF60] =	vst v1;
	v26 =	vld.idx.msk [tilespmem:v26+s6+$0x0], $0xffff;
	v24 =	vshra.s32 v27, $0x17;
	v3 =	vadd.s32 $0xFFFFFFA1, v3;
	v2 =	vor.u32 $0x1, v2  }
0x75: {  	s13 =	simm.s32 $0x40;
	[tilespmem:s24+$0xFFFFFF70] =	vst v1;
	v3 =	vsel vm10, v4, v3;
	v4 =	vadd.s32 $0xFFFFFFB1, v24;
	v24 =	vor.u32 s25, v13  }
0x76: {  	s11 =	sor.u32 $0x50, s13;
	v17 =	vor.u32 $0x81, v21;
	v9 =	vor.u32 $0xC0, v21;
	[tilespmem:s24+$0xFFFFFF80] =	vst v1;
	v3 =	vsel vm11, v3, v4  }
0x77: {  	v52 =	vor.u32 $0xFFFFFEC0, v21;
	v27 =	vor.u32 s23, v17;
	v4 =	vor.u32 s7, v16;
	[tilespmem:s11+$0x4000] =	vst v3  }
0x78: {  	v7 =	vor.u32 $0xC1, v21;
	[tilespmem:s24+$0xFFFFFF90] =	vst v1;
	v38 =	vand.u32 v63, v4;
	v4 =	vld.idx.msk [tilespmem:v11+s4+$0x0], $0xffff;
	v11 =	vor.u32 s7, v9  }
0x79: {  	v3 =	vshll.u32 v26, $0x2;
	v53 =	vand.u32 v52, v11;
	v11 =	vor.u32 s7, v7;
	[tilespmem:v2+s4+$0x0] =	vst.idx.add.s32.msk $0xffff, v0  }
0x7a: {  	v18 =	vor.u32 $0x82, v21;
	v6 =	vor.u32 $0xC3, v21;
	v26 =	vadd.s32 s7, v3;
	v24 =	vld.idx.msk [tilespmem:v24+s6+$0x0], $0xffff;
	[tilespmem:$0x1FFE0] =	vst v11  }
0x7b: {  	v2 =	vand.u32 $0x7C, v3;
	v3 =	vand.u32 $0xFFFFFF80, v26;
	v11 =	vor.u32 s7, v6;
	[tilespmem:s24+$0xFFFFFFA0] =	vst v1  }
0x7c: {  	v12 =	vor.u32 $0x83, v21;
	v31 =	vor.u32 s23, v18;
	v2 =	vor.u32 v3, v2;
	v3 =	vld.idx.msk [tilespmem:v27+s4+$0x0], $0xffff;
	[tilespmem:$0x1FE40] =	vst v11  }
0x7d: {  	v26 =	vor.u32 s23, v12;
	[tilespmem:s24+$0xFFFFFFB0] =	vst v1  }
0x7e: {  	s14 =	simm.s32 $0x200;
	v5 =	vor.u32 $0xC2, v21;
	v57 =	vor.u32 s23, v8;
	[tilespmem:s24+$0xFFFFFFC0] =	vst v1  }
0x7f: {  	v15 =	vor.u32 $0xFFFFFFC0, v21;
	v39 =	vor.u32 s14, v21;
	v50 =	vor.u32 s12, v21;
	[tilespmem:s24+$0xFFFFFFD0] =	vst v1  }
0x80: {  	v30 =	vor.u32 s7, v14;
	v47 =	vor.u32 s23, v5;
	v2 =	vor.u32 $0x2, v2;
	[tilespmem:s24+$0xFFFFFFE0] =	vst v1  }
0x81: {  	v40 =	vor.u32 s23, v9;
	v41 =	vcvt.s32.f32 v4;
	v31 =	vld.idx.msk [tilespmem:v31+s4+$0x0], $0xffff;
	[tilespmem:s24+$0xFFFFFFF0] =	vst v1;
	v24 =	vshll.u32 v24, $0x2  }
0x82: {  	v48 =	vor.u32 s25, v14;
	vm13 =	veq.s32 v4, $0x0;
	[tilespmem:s24+$0xFFFFFF00] =	vst v1;
	v26 =	vld.idx.msk [tilespmem:v26+s4+$0x0], $0xffff;
	v42 =	vadd.s32 s12, v24  }
0x83: {  	v4 =	vshra.s32 v41, $0x17;
	v32 =	vld.idx.msk [tilespmem:v57+s6+$0x0], $0xffff;
	v24 =	vand.u32 $0x7C, v24;
	v42 =	vand.u32 $0xFFFFFF80, v42  }
0x84: {  	vm12 =	veq.s32 v3, $0x0;
	v3 =	vcvt.s32.f32 v3;
	v24 =	vor.u32 v42, v24  }
0x85: {  	v40 =	vand.u32 v15, v40;
	v4 =	vadd.s32 $0xFFFFFF81, v4;
	[tilespmem:v2+s4+$0x0] =	vst.idx.add.s32.msk $0xffff, v0;
	v24 =	vor.u32 $0x2, v24  }
0x86: {  	v4 =	vsel vm13, $0xFFFFFFFF, v4;
	v30 =	vld.idx.msk [tilespmem:v30+s6+$0x0], $0xffff;
	v2 =	vcvt.s32.f32 v31;
	v3 =	vshra.s32 v3, $0x17  }
0x87: {  	vm14 =	veq.s32 v31, $0x0;
	v58 =	vcvt.s32.f32 v26;
	v3 =	vadd.s32 $0xFFFFFF91, v3  }
0x88: {  	vm15 =	veq.s32 v26, $0x0;
	v26 =	vshll.u32 v32, $0x2;
	v2 =	vshra.s32 v2, $0x17  }
0x89: {  	v3 =	vsel vm12, v4, v3;
	v2 =	vadd.s32 $0xFFFFFFA1, v2;
	v31 =	vshra.s32 v58, $0x17  }
0x8a: {  	v4 =	vor.u32 s23, v7;
	v2 =	vsel vm14, v3, v2;
	v3 =	vadd.s32 $0xFFFFFFB1, v31;
	[tilespmem:v24+s4+$0x0] =	vst.idx.add.s32.msk $0xffff, v0  }
0x8b: {  	s26 =	sor.u32 $0x60, s13;
	v2 =	vsel vm15, v2, v3;
	v3 =	vadd.s32 s14, v26;
	v24 =	vshll.u32 v30, $0x2;
	v30 =	vld.idx.msk [tilespmem:v48+s6+$0x0], $0xffff  }
0x8c: {  	v26 =	vand.u32 $0x7C, v26;
	[tilespmem:s26+$0x4000] =	vst v2;
	v2 =	vand.u32 $0xFFFFFF80, v3;
	v3 =	vadd.s32 s7, v24  }
0x8d: {  	v24 =	vand.u32 $0x7C, v24;
	v2 =	vor.u32 v26, v2;
	v3 =	vand.u32 $0xFFFFFF80, v3  }
0x8e: {  	v29 =	vor.u32 s7, v61;
	v33 =	vor.u32 s23, v10;
	v26 =	vld.idx.msk [tilespmem:v40+s4+$0x0], $0xffff;
	v3 =	vor.u32 v3, v24  }
0x8f: {  	v45 =	vor.u32 s7, v60;
	v44 =	vor.u32 s7, v62;
	v4 =	vld.idx.msk [tilespmem:v4+s4+$0x0], $0xffff;
	v3 =	vor.u32 $0x3, v3  }
0x90: {  	v34 =	vor.u32 s7, v20;
	v25 =	vor.u32 s7, v21;
	v30 =	vshll.u32 v30, $0x2  }
0x91: {  	v46 =	vor.u32 s7, v19;
	v23 =	vor.u32 s7, v22;
	v24 =	vld.idx.msk [tilespmem:v47+s4+$0x0], $0xffff;
	v31 =	vadd.s32 s12, v30  }
0x92: {  	v37 =	vor.u32 s7, v17;
	[tilespmem:v2+s4+$0x0] =	vst.idx.add.s32.msk $0xffff, v0;
	v30 =	vand.u32 $0x7C, v30;
	v2 =	vand.u32 $0xFFFFFF80, v31  }
0x93: {  	v36 =	vor.u32 s7, v18;
	v35 =	vor.u32 s7, v12;
	v31 =	vld.idx.msk [tilespmem:v33+s6+$0x0], $0xffff;
	v2 =	vor.u32 v2, v30  }
0x94: {  	s28 =	simm.s32 $0x3500;
	v49 =	vcvt.s32.f32 v26;
	vm4 =	veq.s32 v4, $0x0;
	[tilespmem:v3+s4+$0x0] =	vst.idx.add.s32.msk $0xffff, v0;
	v2 =	vor.u32 $0x3, v2  }
0x95: {  	[tilespmem:s28+$0x0] =	vst v1;
	vm6 =	veq.s32 v26, $0x0;
	v26 =	vor.u32 s14, v17;
	v3 =	vcvt.s32.f32 v4;
	v4 =	vld.idx.msk [tilespmem:v25+s4+$0x0], $0xffff  }
0x96: {  	v43 =	vor.u32 s23, v14;
	v47 =	vor.u32 s23, v6;
	vm5 =	veq.s32 v24, $0x0;
	v23 =	vld.idx.msk [tilespmem:v23+s4+$0x0], $0xffff;
	[tilespmem:$0x1FE50] =	vst v26  }
0x97: {  	v24 =	vcvt.s32.f32 v24;
	v30 =	vor.u32 s14, v18;
	v25 =	vshra.s32 v49, $0x17;
	[tilespmem:s28+$0x10] =	vst v1  }
0x98: {  	v26 =	vor.u32 s12, v61;
	v25 =	vadd.s32 $0xFFFFFF81, v25;
	v3 =	vshra.s32 v3, $0x17;
	[tilespmem:s28+$0x20] =	vst v1  }
0x99: {  	v24 =	vshra.s32 v24, $0x17;
	v25 =	vsel vm6, $0xFFFFFFFF, v25;
	v3 =	vadd.s32 $0xFFFFFF91, v3;
	[tilespmem:v2+s4+$0x0] =	vst.idx.add.s32.msk $0xffff, v0  }
0x9a: {  	v24 =	vadd.s32 $0xFFFFFFA1, v24;
	v3 =	vsel vm4, v25, v3;
	v25 =	vor.u32 s12, v22;
	v48 =	vld.idx.msk [tilespmem:v50+s4+$0x0], $0xffff;
	[tilespmem:$0x1FE60] =	vst v30  }
0x9b: {  	v28 =	vor.u32 s7, v59;
	v3 =	vsel vm5, v3, v24;
	v24 =	vshll.u32 v31, $0x2;
	[tilespmem:s28+$0x30] =	vst v1  }
0x9c: {  	v2 =	vadd.s32 s14, v24;
	v24 =	vand.u32 $0x7C, v24;
	v58 =	vcvt.s32.f32 v4;
	v47 =	vld.idx.msk [tilespmem:v47+s4+$0x0], $0xffff;
	[tilespmem:s28+$0x40] =	vst v1  }
0x9d: {  	v49 =	vcvt.s32.f32 v23;
	vm8 =	veq.s32 v23, $0x0;
	v2 =	vand.u32 $0xFFFFFF80, v2;
	[tilespmem:s28+$0x50] =	vst v1;
	v23 =	vld.idx.msk [tilespmem:v26+s4+$0x0], $0xffff  }
0x9e: {  	v27 =	vor.u32 s7, v5;
	v2 =	vor.u32 v2, v24;
	v24 =	vor.u32 s12, v59;
	[tilespmem:s28+$0x60] =	vst v1;
	v29 =	vld.idx.msk [tilespmem:v29+s4+$0x0], $0xffff  }
0x9f: {  	v11 =	vor.u32 s23, v13;
	v33 =	vshra.s32 v58, $0x17;
	v49 =	vshra.s32 v49, $0x17;
	[tilespmem:s28+$0x70] =	vst v1;
	v50 =	vld.idx.msk [tilespmem:v25+s4+$0x0], $0xffff  }
0xa0: {  	s15 =	simm.s32 $0x280;
	vm7 =	veq.s32 v4, $0x0;
	[tilespmem:s28+$0x80] =	vst v1;
	v28 =	vld.idx.msk [tilespmem:v28+s4+$0x0], $0xffff;
	v4 =	vadd.s32 $0xFFFFFF81, v33;
	v25 =	vadd.s32 $0xFFFFFF91, v49  }
0xa1: {  	[tilespmem:s28+$0x90] =	vst v1;
	v49 =	vor.u32 s15, v8;
	v2 =	vor.u32 $0x1, v2;
	v4 =	vsel vm7, $0xFFFFFFFF, v4  }
0xa2: {  	[tilespmem:s28+$0xA0] =	vst v1;
	v4 =	vsel vm8, v4, v25;
	v26 =	vcvt.s32.f32 v48;
	vm10 =	veq.s32 v48, $0x0  }
0xa3: {  	[tilespmem:s28+$0xB0] =	vst v1;
	vm9 =	veq.s32 v47, $0x0;
	v24 =	vld.idx.msk [tilespmem:v24+s4+$0x0], $0xffff;
	vm12 =	veq.s32 v23, $0x0;
	v23 =	vcvt.s32.f32 v23  }
0xa4: {  	[tilespmem:s28+$0xC0] =	vst v1;
	v47 =	vcvt.s32.f32 v47;
	vm13 =	veq.s32 v29, $0x0;
	v58 =	vcvt.s32.f32 v50  }
0xa5: {  	[tilespmem:s28+$0xD0] =	vst v1;
	v29 =	vcvt.s32.f32 v29;
	vm15 =	veq.s32 v28, $0x0;
	v26 =	vshra.s32 v26, $0x17  }
0xa6: {  	[tilespmem:s28+$0xE0] =	vst v1;
	vm11 =	veq.s32 v50, $0x0;
	v26 =	vadd.s32 $0xFFFFFF81, v26;
	v48 =	vshra.s32 v58, $0x17  }
0xa7: {  	[tilespmem:s28+$0xF0] =	vst v1;
	v23 =	vshra.s32 v23, $0x17;
	v26 =	vsel vm10, $0xFFFFFFFF, v26;
	v48 =	vadd.s32 $0xFFFFFF91, v48  }
0xa8: {  	v49 =	vld.idx.msk [tilespmem:v49+s6+$0x0], $0xffff;
	v23 =	vadd.s32 $0xFFFFFFA1, v23;
	v26 =	vsel vm11, v26, v48;
	v58 =	vcvt.s32.f32 v24  }
0xa9: {  	[tilespmem:v2+s4+$0x0] =	vst.idx.add.s32.msk $0xffff, v0;
	v2 =	vor.u32 s12, v20;
	v23 =	vsel vm12, v26, v23;
	v26 =	vor.u32 s12, v60  }
0xaa: {  	vm14 =	veq.s32 v24, $0x0;
	v24 =	vor.u32 s12, v62;
	v48 =	vshra.s32 v58, $0x17  }
0xab: {  	v29 =	vshra.s32 v29, $0x17;
	v58 =	vcvt.s32.f32 v28;
	v48 =	vadd.s32 $0xFFFFFFB1, v48  }
0xac: {  	s7 =	simm.s32 $0x80;
	v11 =	vld.idx.msk [tilespmem:v11+s6+$0x0], $0xffff;
	v47 =	vshra.s32 v47, $0x17;
	v29 =	vadd.s32 $0xFFFFFFA1, v29;
	v23 =	vsel vm14, v23, v48  }
0xad: {  	v47 =	vadd.s32 $0xFFFFFFB1, v47;
	v4 =	vsel vm13, v4, v29;
	v48 =	vshra.s32 v58, $0x17;
	[tilespmem:s7+$0x4040] =	vst v23  }
0xae: {  	s8 =	simm.s32 $0x500;
	v49 =	vshll.u32 v49, $0x2;
	v23 =	vor.u32 s12, v19;
	v48 =	vadd.s32 $0xFFFFFFB1, v48;
	v26 =	vld.idx.msk [tilespmem:v26+s4+$0x0], $0xffff  }
0xaf: {  	v58 =	vsel vm9, v3, v47;
	v24 =	vld.idx.msk [tilespmem:v24+s4+$0x0], $0xffff;
	v3 =	vsel vm15, v4, v48;
	v4 =	vadd.s32 s8, v49  }
0xb0: {  	v55 =	vor.u32 s14, v20;
	[tilespmem:s28+$0xFFFFFF10] =	vst v1;
	v47 =	vand.u32 $0x7C, v49;
	v2 =	vld.idx.msk [tilespmem:v2+s4+$0x0], $0xffff;
	v4 =	vand.u32 $0xFFFFFF80, v4  }
0xb1: {  	v56 =	vor.u32 s14, v62;
	[tilespmem:s28+$0xFFFFFF20] =	vst v1;
	v11 =	vshll.u32 v11, $0x2;
	v4 =	vor.u32 v47, v4  }
0xb2: {  	v41 =	vor.u32 s14, v59;
	[tilespmem:s28+$0xFFFFFF30] =	vst v1;
	v48 =	vadd.s32 s14, v11;
	v11 =	vand.u32 $0x7C, v11  }
0xb3: {  	[tilespmem:s5+$0x4000] =	vst v3;
	v3 =	vand.u32 $0xFFFFFF80, v48;
	v47 =	vor.u32 s12, v16;
	v23 =	vld.idx.msk [tilespmem:v23+s4+$0x0], $0xffff;
	v48 =	vcvt.s32.f32 v26  }
0xb4: {  	[tilespmem:s28+$0xFFFFFF40] =	vst v1;
	v44 =	vld.idx.msk [tilespmem:v44+s4+$0x0], $0xffff;
	vm4 =	veq.s32 v24, $0x0;
	v24 =	vcvt.s32.f32 v24;
	vm5 =	veq.s32 v26, $0x0  }
0xb5: {  	[tilespmem:s28+$0xFFFFFF50] =	vst v1;
	v26 =	vld.idx.msk [tilespmem:v45+s4+$0x0], $0xffff;
	v45 =	vor.u32 s15, v10;
	vm6 =	veq.s32 v2, $0x0;
	v2 =	vcvt.s32.f32 v2  }
0xb6: {  	v3 =	vor.u32 v3, v11;
	v47 =	vand.u32 v51, v47;
	v48 =	vshra.s32 v48, $0x17;
	[tilespmem:v4+s4+$0x0] =	vst.idx.add.s32.msk $0xffff, v0  }
0xb7: {  	v49 =	vld.idx.msk [tilespmem:v34+s4+$0x0], $0xffff;
	v24 =	vshra.s32 v24, $0x17;
	v2 =	vshra.s32 v2, $0x17;
	v48 =	vadd.s32 $0xFFFFFF81, v48;
	[tilespmem:$0x1FE70] =	vst v51  }
0xb8: {  	v24 =	vadd.s32 $0xFFFFFF91, v24;
	v4 =	vcvt.s32.f32 v23;
	v48 =	vsel vm5, $0xFFFFFFFF, v48;
	[tilespmem:s28+$0xFFFFFF60] =	vst v1  }
0xb9: {  	v2 =	vadd.s32 $0xFFFFFFA1, v2;
	vm7 =	veq.s32 v23, $0x0;
	[tilespmem:s28+$0xFFFFFF70] =	vst v1;
	v24 =	vsel vm4, v48, v24  }
0xba: {  	[tilespmem:s28+$0xFFFFFF80] =	vst v1;
	v48 =	vor.u32 s12, v17;
	v45 =	vld.idx.msk [tilespmem:v45+s6+$0x0], $0xffff;
	v23 =	vcvt.s32.f32 v26;
	v4 =	vshra.s32 v4, $0x17  }
0xbb: {  	s9 =	simm.s32 $0xC0;
	[tilespmem:s28+$0xFFFFFF90] =	vst v1;
	v2 =	vsel vm6, v24, v2;
	v24 =	vor.u32 s12, v18;
	v4 =	vadd.s32 $0xFFFFFFB1, v4  }
0xbc: {  	s29 =	sor.u32 $0x50, s9;
	v3 =	vor.u32 $0x2, v3;
	[tilespmem:s28+$0xFFFFFFA0] =	vst v1;
	vm8 =	veq.s32 v26, $0x0;
	v2 =	vsel vm7, v2, v4  }
0xbd: {  	v26 =	vor.u32 s12, v12;
	v11 =	vshra.s32 v23, $0x17;
	v4 =	vcvt.s32.f32 v44;
	[tilespmem:s29+$0x4000] =	vst v2;
	v2 =	vld.idx.msk [tilespmem:v46+s4+$0x0], $0xffff  }
0xbe: {  	vm9 =	veq.s32 v44, $0x0;
	[tilespmem:s28+$0xFFFFFFB0] =	vst v1;
	v23 =	vcvt.s32.f32 v49;
	v11 =	vadd.s32 $0xFFFFFF81, v11;
	v46 =	vld.idx.msk [tilespmem:v47+s4+$0x0], $0xffff  }
0xbf: {  	[tilespmem:s28+$0xFFFFFFC0] =	vst v1;
	v11 =	vsel vm8, $0xFFFFFFFF, v11;
	v4 =	vshra.s32 v4, $0x17;
	v47 =	vld.idx.msk [tilespmem:v48+s4+$0x0], $0xffff;
	v45 =	vshll.u32 v45, $0x2  }
0xc0: {  	v4 =	vadd.s32 $0xFFFFFF91, v4;
	v24 =	vld.idx.msk [tilespmem:v24+s4+$0x0], $0xffff;
	v48 =	vadd.s32 s8, v45;
	v50 =	vand.u32 $0x7C, v45;
	[tilespmem:$0x1FE80] =	vst v8  }
0xc1: {  	s10 =	simm.s32 $0x200;
	v4 =	vsel vm9, v11, v4;
	v11 =	vand.u32 $0xFFFFFF80, v48;
	[tilespmem:v3+s4+$0x0] =	vst.idx.add.s32.msk $0xffff, v0;
	v3 =	vor.u32 s12, v9  }
0xc2: {  	v48 =	vor.u32 s10, v8;
	v26 =	vld.idx.msk [tilespmem:v26+s4+$0x0], $0xffff;
	v11 =	vor.u32 v11, v50;
	v3 =	vand.u32 v15, v3  }
0xc3: {  	[tilespmem:s28+$0xFFFFFFD0] =	vst v1;
	v51 =	vcvt.s32.f32 v2;
	v11 =	vor.u32 $0x1, v11;
	vm10 =	veq.s32 v46, $0x0  }
0xc4: {  	[tilespmem:s28+$0xFFFFFFE0] =	vst v1;
	v46 =	vcvt.s32.f32 v46;
	vm11 =	veq.s32 v47, $0x0;
	v47 =	vcvt.s32.f32 v47  }
0xc5: {  	[tilespmem:s28+$0xFFFFFFF0] =	vst v1;
	vm12 =	veq.s32 v24, $0x0;
	v24 =	vcvt.s32.f32 v24;
	v45 =	vshra.s32 v51, $0x17  }
0xc6: {  	[tilespmem:s28+$0xFFFFFF00] =	vst v1;
	v51 =	vor.u32 s12, v7;
	v46 =	vshra.s32 v46, $0x17;
	v47 =	vshra.s32 v47, $0x17  }
0xc7: {  	v44 =	vld.idx.msk [tilespmem:v48+s6+$0x0], $0xffff;
	v50 =	vcvt.s32.f32 v26;
	vm13 =	veq.s32 v26, $0x0;
	v46 =	vadd.s32 $0xFFFFFF81, v46  }
0xc8: {  	v43 =	vld.idx.msk [tilespmem:v43+s6+$0x0], $0xffff;
	v47 =	vadd.s32 $0xFFFFFF91, v47;
	v24 =	vshra.s32 v24, $0x17;
	v46 =	vsel vm10, $0xFFFFFFFF, v46  }
0xc9: {  	v24 =	vadd.s32 $0xFFFFFFA1, v24;
	v46 =	vsel vm11, v46, v47;
	v47 =	vshra.s32 v50, $0x17  }
0xca: {  	[tilespmem:$0x1FE90] =	vst v15;
	v26 =	vor.u32 s15, v13;
	v24 =	vsel vm12, v46, v24;
	v47 =	vadd.s32 $0xFFFFFFB1, v47  }
0xcb: {  	s16 =	sor.u32 $0x60, s9;
	v57 =	vor.u32 s14, v60;
	v15 =	vor.u32 s12, v5;
	[tilespmem:v11+s4+$0x0] =	vst.idx.add.s32.msk $0xffff, v0;
	v24 =	vsel vm13, v24, v47  }
0xcc: {  	s11 =	simm.s32 $0x400;
	vm14 =	veq.s32 v49, $0x0;
	v23 =	vshra.s32 v23, $0x17;
	v11 =	vshll.u32 v44, $0x2;
	[tilespmem:s16+$0x4000] =	vst v24  }
0xcd: {  	v23 =	vadd.s32 $0xFFFFFFA1, v23;
	v43 =	vshll.u32 v43, $0x2;
	v49 =	vadd.s32 s11, v11;
	v3 =	vld.idx.msk [tilespmem:v3+s4+$0x0], $0xffff  }
0xce: {  	v50 =	vadd.s32 s14, v43;
	v11 =	vand.u32 $0x7C, v11;
	v24 =	vand.u32 $0xFFFFFF80, v49;
	v47 =	vld.idx.msk [tilespmem:v51+s4+$0x0], $0xffff;
	[tilespmem:$0x1FEA0] =	vst v10  }
0xcf: {  	v43 =	vand.u32 $0x7C, v43;
	v11 =	vor.u32 v11, v24;
	v24 =	vand.u32 $0xFFFFFF80, v50;
	v26 =	vld.idx.msk [tilespmem:v26+s6+$0x0], $0xffff;
	[tilespmem:$0x1FEB0] =	vst v13  }
0xd0: {  	vm15 =	veq.s32 v2, $0x0;
	v2 =	vor.u32 s10, v10;
	v24 =	vor.u32 v24, v43;
	v15 =	vld.idx.msk [tilespmem:v15+s4+$0x0], $0xffff  }
0xd1: {  	v4 =	vsel vm14, v4, v23;
	v51 =	vadd.s32 $0xFFFFFFB1, v45;
	v23 =	vor.u32 $0x3, v24  }
0xd2: {  	v42 =	vor.u32 s14, v61;
	v40 =	vor.u32 s14, v22;
	v4 =	vsel vm15, v4, v51  }
0xd3: {  	[tilespmem:$0x1FEC0] =	vst v22;
	v24 =	vor.u32 s10, v13;
	v51 =	vcvt.s32.f32 v3;
	vm4 =	veq.s32 v47, $0x0  }
0xd4: {  	vm5 =	veq.s32 v3, $0x0;
	[tilespmem:v11+s4+$0x0] =	vst.idx.add.s32.msk $0xffff, v0;
	v11 =	vcvt.s32.f32 v47;
	v26 =	vshll.u32 v26, $0x2  }
0xd5: {  	v47 =	vor.u32 s11, v59;
	v2 =	vld.idx.msk [tilespmem:v2+s6+$0x0], $0xffff;
	v44 =	vshra.s32 v51, $0x17;
	[tilespmem:$0x1FED0] =	vst v59;
	v59 =	vcvt.s32.f32 v15  }
0xd6: {  	vm6 =	veq.s32 v15, $0x0;
	[tilespmem:v23+s4+$0x0] =	vst.idx.add.s32.msk $0xffff, v0;
	v3 =	vadd.s32 $0xFFFFFF81, v44;
	v11 =	vshra.s32 v11, $0x17  }
0xd7: {  	v13 =	vadd.s32 s8, v26;
	v23 =	vld.idx.msk [tilespmem:v39+s4+$0x0], $0xffff;
	v3 =	vsel vm5, $0xFFFFFFFF, v3;
	v11 =	vadd.s32 $0xFFFFFF91, v11  }
0xd8: {  	v26 =	vand.u32 $0x7C, v26;
	v15 =	vld.idx.msk [tilespmem:v40+s4+$0x0], $0xffff;
	[tilespmem:$0x1FEE0] =	vst v60;
	v3 =	vsel vm4, v3, v11;
	v11 =	vand.u32 $0xFFFFFF80, v13  }
0xd9: {  	v32 =	vor.u32 s14, v16;
	v50 =	vor.u32 s10, v14;
	[tilespmem:s5+$0x4010] =	vst v4;
	v4 =	vor.u32 v11, v26;
	v11 =	vld.idx.msk [tilespmem:v42+s4+$0x0], $0xffff  }
0xda: {  	v44 =	vor.u32 s11, v62;
	v40 =	vor.u32 s11, v60;
	v38 =	vld.idx.msk [tilespmem:v38+s4+$0x0], $0xffff;
	[tilespmem:$0x1FEF0] =	vst v62;
	v2 =	vshll.u32 v2, $0x2  }
0xdb: {  	v39 =	vshra.s32 v59, $0x17;
	[tilespmem:$0x1FF00] =	vst v20;
	v26 =	vadd.s32 s11, v2;
	v2 =	vand.u32 $0x7C, v2  }
0xdc: {  	v26 =	vand.u32 $0xFFFFFF80, v26;
	v51 =	vcvt.s32.f32 v23;
	vm7 =	veq.s32 v23, $0x0;
	v23 =	vld.idx.msk [tilespmem:v37+s4+$0x0], $0xffff  }
0xdd: {  	v13 =	vor.u32 s12, v6;
	v2 =	vor.u32 v26, v2;
	v26 =	vcvt.s32.f32 v15  }
0xde: {  	v60 =	vld.idx.msk [tilespmem:v41+s4+$0x0], $0xffff;
	v4 =	vor.u32 $0x2, v4;
	vm8 =	veq.s32 v15, $0x0;
	[tilespmem:$0x1FF10] =	vst v14;
	v14 =	vor.u32 s15, v14  }
0xdf: {  	v59 =	vshra.s32 v51, $0x17;
	v62 =	vcvt.s32.f32 v11;
	v26 =	vshra.s32 v26, $0x17  }
0xe0: {  	v36 =	vld.idx.msk [tilespmem:v36+s4+$0x0], $0xffff;
	[tilespmem:$0x1FF20] =	vst v19;
	vm10 =	veq.s32 v11, $0x0;
	v37 =	vadd.s32 $0xFFFFFF81, v59;
	v26 =	vadd.s32 $0xFFFFFF91, v26  }
0xe1: {  	v37 =	vsel vm7, $0xFFFFFFFF, v37;
	v11 =	vcvt.s32.f32 v23;
	vm12 =	veq.s32 v23, $0x0;
	v23 =	vld.idx.msk [tilespmem:v35+s4+$0x0], $0xffff  }
0xe2: {  	v54 =	vor.u32 s14, v19;
	v32 =	vand.u32 v63, v32;
	v26 =	vsel vm8, v37, v26;
	v37 =	vld.idx.msk [tilespmem:v13+s4+$0x0], $0xffff;
	[tilespmem:$0x1FF30] =	vst v16  }
0xe3: {  	v39 =	vadd.s32 $0xFFFFFFA1, v39;
	vm9 =	veq.s32 v38, $0x0;
	v38 =	vcvt.s32.f32 v38;
	[tilespmem:v4+s4+$0x0] =	vst.idx.add.s32.msk $0xffff, v0  }
0xe4: {  	v45 =	vor.u32 s11, v19;
	v3 =	vsel vm6, v3, v39;
	v2 =	vor.u32 $0x1, v2;
	[tilespmem:$0x1FF40] =	vst v17  }
0xe5: {  	v39 =	vcvt.s32.f32 v60;
	v41 =	vshra.s32 v62, $0x17;
	v38 =	vshra.s32 v38, $0x17;
	[tilespmem:$0x1FF50] =	vst v9  }
0xe6: {  	vm11 =	veq.s32 v60, $0x0;
	v41 =	vadd.s32 $0xFFFFFFA1, v41;
	v15 =	vadd.s32 $0xFFFFFF81, v38;
	v51 =	vld.idx.msk [tilespmem:v14+s6+$0x0], $0xffff;
	[tilespmem:$0x1FF60] =	vst v63  }
0xe7: {  	v19 =	vshra.s32 v39, $0x17;
	v26 =	vsel vm10, v26, v41;
	v35 =	vsel vm9, $0xFFFFFFFF, v15;
	[tilespmem:$0x1FF70] =	vst v52  }
0xe8: {  	v38 =	vadd.s32 $0xFFFFFFB1, v19;
	vm13 =	veq.s32 v36, $0x0;
	v36 =	vcvt.s32.f32 v36;
	[tilespmem:$0x1FF80] =	vst v18  }
0xe9: {  	v11 =	vshra.s32 v11, $0x17;
	v4 =	vsel vm11, v26, v38;
	v26 =	vor.u32 s11, v9;
	[tilespmem:v2+s4+$0x0] =	vst.idx.add.s32.msk $0xffff, v0  }
0xea: {  	v11 =	vadd.s32 $0xFFFFFF91, v11;
	vm14 =	veq.s32 v23, $0x0;
	v23 =	vcvt.s32.f32 v23;
	[tilespmem:$0x1FF90] =	vst v12  }
0xeb: {  	v11 =	vsel vm12, v35, v11;
	v35 =	vand.u32 v52, v26;
	v26 =	vshra.s32 v36, $0x17;
	[tilespmem:s7+$0x4000] =	vst v4  }
0xec: {  	v42 =	vor.u32 s11, v16;
	v2 =	vadd.s32 $0xFFFFFFA1, v26;
	v24 =	vld.idx.msk [tilespmem:v24+s6+$0x0], $0xffff;
	v23 =	vshra.s32 v23, $0x17;
	[tilespmem:$0x1FFA0] =	vst v7  }
0xed: {  	v11 =	vsel vm13, v11, v2;
	v23 =	vadd.s32 $0xFFFFFFB1, v23;
	v26 =	vshll.u32 v51, $0x2;
	v2 =	vld.idx.msk [tilespmem:v57+s4+$0x0], $0xffff  }
0xee: {  	v42 =	vand.u32 v63, v42;
	v63 =	vld.idx.msk [tilespmem:v56+s4+$0x0], $0xffff;
	v11 =	vsel vm14, v11, v23;
	v23 =	vadd.s32 s8, v26  }
0xef: {  	v60 =	vand.u32 $0xFFFFFF80, v23;
	v23 =	vld.idx.msk [tilespmem:v55+s4+$0x0], $0xffff;
	[tilespmem:$0x1FFB0] =	vst v5  }
0xf0: {  	[tilespmem:s5+$0x4020] =	vst v11  }
0xf1: {  	s30 =	sor.u32 $0x70, s13;
	v56 =	vld.idx.msk [tilespmem:v54+s4+$0x0], $0xffff;
	[tilespmem:$0x1FFC0] =	vst v6  }
0xf2: {  	v31 =	vor.u32 s14, v5;
	[tilespmem:s30+$0x4000] =	vst v58  }
0xf3: {  	vm15 =	veq.s32 v37, $0x0;
	v4 =	vcvt.s32.f32 v37;
	v37 =	vor.u32 s11, v5;
	v5 =	vld [tilespmem:$0x1FFE0]  }
0xf4: {  	v30 =	vor.u32 s14, v7;
	v33 =	vor.u32 s14, v12;
	v25 =	vor.u32 s14, v9  }
0xf5: {  	v25 =	vand.u32 v52, v25;
	v34 =	vor.u32 s14, v6;
	v48 =	vor.u32 s11, v22  }
0xf6: {  	v46 =	vor.u32 s11, v61;
	v49 =	vor.u32 s11, v21;
	v43 =	vor.u32 s11, v20  }
0xf7: {  	v39 =	vor.u32 s11, v12;
	v41 =	vor.u32 s11, v18;
	v4 =	vshra.s32 v4, $0x17  }
0xf8: {  	v38 =	vor.u32 s11, v17;
	v4 =	vadd.s32 $0xFFFFFFB1, v4;
	v26 =	vand.u32 $0x7C, v26  }
0xf9: {  	s31 =	sor.u32 $0x70, s9;
	v36 =	vor.u32 s11, v7;
	v4 =	vsel vm15, v3, v4;
	v3 =	vor.u32 v60, v26;
	v53 =	vld.idx.msk [tilespmem:v53+s4+$0x0], $0xffff;
	[tilespmem:$0x1FFD0] =	vst v61  }
0xfa: {  	v54 =	vor.u32 s11, v6;
	v11 =	vshll.u32 v24, $0x2;
	v26 =	vor.u32 s8, v61;
	[tilespmem:s31+$0x4000] =	vst v4  }
0xfb: {  	v24 =	vor.u32 $0x3, v3;
	v62 =	vadd.s32 s11, v11;
	v3 =	vand.u32 $0x7C, v11;
	v55 =	vld.idx.msk [tilespmem:v5+s4+$0x0], $0xffff;
	[tilespmem:$0x1FFF0] =	vst v21  }
0xfc: {  	s13 =	simm.s32 $0x4;
	s14 =	simm.s32 $0x3700;
	s12 =	simm.s32 $0x400;
	v11 =	vand.u32 $0xFFFFFF80, v62;
	v58 =	vor.u32 s8, v21;
	v4 =	vcvt.s32.f32 v2;
	v52 =	vld.idx.msk [tilespmem:v27+s4+$0x0], $0xffff  }
.LBB2_1:
0xfd: {  	v13 =	vld [tilespmem:$0x1FEC0]  }
0xfe: {  	v5 =	vld [tilespmem:$0x1FE40]  }
0xff: {  	v16 =	vld [tilespmem:$0x1FED0]  }
0x100: {  	[tilespmem:s14+$0x0] =	vst v1;
	v3 =	vor.u32 v11, v3;
	v18 =	vld [tilespmem:$0x1FEF0]  }
0x101: {  	[tilespmem:s14+$0x10] =	vst v1;
	vm0 =	veq.s32 v2, $0x0;
	v15 =	vld [tilespmem:$0x1FF00];
	v11 =	vor.u32 $0x2, v3;
	v3 =	vshra.s32 v4, $0x17  }
0x102: {  	[tilespmem:v24+s4+$0x0] =	vst.idx.add.s32.msk $0xffff, v0;
	v59 =	vcvt.s32.f32 v63;
	v4 =	vcvt.s32.f32 v23;
	v57 =	vor.u32 s8, v13  }
0x103: {  	v17 =	vld [tilespmem:$0x1FEE0];
	v3 =	vadd.s32 $0xFFFFFF81, v3;
	[tilespmem:s14+$0x20] =	vst v1;
	vm9 =	veq.s32 v63, $0x0;
	vm10 =	veq.s32 v23, $0x0  }
0x104: {  	v26 =	vld.idx.msk [tilespmem:v26+s4+$0x0], $0xffff;
	v12 =	vcvt.s32.f32 v56;
	[tilespmem:s14+$0x30] =	vst v1;
	v62 =	vshra.s32 v59, $0x17;
	v24 =	vor.u32 s8, v16  }
0x105: {  	v3 =	vsel vm0, $0xFFFFFFFF, v3;
	v58 =	vld.idx.msk [tilespmem:v58+s4+$0x0], $0xffff;
	v4 =	vshra.s32 v4, $0x17;
	[tilespmem:s14+$0x40] =	vst v1;
	v2 =	vadd.s32 $0xFFFFFF91, v62  }
0x106: {  	v2 =	vsel vm9, v3, v2;
	v3 =	vadd.s32 $0xFFFFFFA1, v4;
	v4 =	vshra.s32 v12, $0x17;
	v51 =	vld.idx.msk [tilespmem:v5+s4+$0x0], $0xffff;
	[tilespmem:s14+$0xFFFFFF10] =	vst v1  }
0x107: {  	vm1 =	veq.s32 v56, $0x0;
	v4 =	vadd.s32 $0xFFFFFFB1, v4;
	v2 =	vsel vm10, v2, v3;
	v60 =	vld.idx.msk [tilespmem:v57+s4+$0x0], $0xffff;
	[tilespmem:s14+$0x50] =	vst v1  }
0x108: {  	v59 =	vsel vm1, v2, v4;
	v2 =	vld [tilespmem:$0x1FE80];
	[tilespmem:s14+$0x60] =	vst v1  }
0x109: {  	vm11 =	veq.s32 v53, $0x0;
	v56 =	vor.u32 s8, v18;
	v23 =	vld.idx.msk [tilespmem:v24+s4+$0x0], $0xffff;
	[tilespmem:s14+$0x70] =	vst v1  }
0x10a: {  	v61 =	vor.u32 s8, v15;
	vm2 =	veq.s32 v26, $0x0;
	v26 =	vcvt.s32.f32 v26;
	[tilespmem:s14+$0x80] =	vst v1  }
0x10b: {  	s10 =	sadd.s32 $0x100, s10;
	v62 =	vor.u32 s8, v17;
	v3 =	vcvt.s32.f32 v53;
	v14 =	vcvt.s32.f32 v58;
	[tilespmem:s14+$0x90] =	vst v1  }
0x10c: {  	s16 =	sadd.s32 $0x80, s10;
	vm3 =	veq.s32 v58, $0x0;
	v26 =	vshra.s32 v26, $0x17;
	[tilespmem:s14+$0xA0] =	vst v1;
	v63 =	vcvt.s32.f32 v60  }
0x10d: {  	[tilespmem:s14+$0xB0] =	vst v1;
	v53 =	vshra.s32 v14, $0x17;
	v57 =	vor.u32 s10, v2;
	v2 =	vor.u32 s16, v2  }
0x10e: {  	v5 =	vmovc v34;
	v34 =	vmovc v54;
	[tilespmem:s14+$0xC0] =	vst v1;
	v53 =	vadd.s32 $0xFFFFFF81, v53;
	v12 =	vcvt.s32.f32 v23;
	v54 =	vshra.s32 v63, $0x17  }
0x10f: {  	[tilespmem:s14+$0xD0] =	vst v1;
	v53 =	vsel vm3, $0xFFFFFFFF, v53;
	vm12 =	veq.s32 v60, $0x0;
	v54 =	vadd.s32 $0xFFFFFF91, v54  }
0x110: {  	v7 =	vld [tilespmem:$0x1FEA0];
	[tilespmem:s14+$0xE0] =	vst v1;
	v26 =	vadd.s32 $0xFFFFFFA1, v26;
	v14 =	vshra.s32 v12, $0x17;
	v53 =	vsel vm12, v53, v54  }
0x111: {  	[tilespmem:s14+$0xF0] =	vst v1;
	vm13 =	veq.s32 v23, $0x0;
	v23 =	vadd.s32 $0xFFFFFFB1, v14;
	v14 =	vld [tilespmem:$0x1FF20];
	v26 =	vsel vm2, v53, v26  }
0x112: {  	s15 =	sshra.s32 s11, $0x2;
	[tilespmem:s14+$0xFFFFFF20] =	vst v1;
	v58 =	vld.idx.msk [tilespmem:v2+s6+$0x0], $0xffff;
	v23 =	vsel vm13, v26, v23  }
0x113: {  	v9 =	vld [tilespmem:$0x1FF30];
	v3 =	vshra.s32 v3, $0x17;
	v24 =	vcvt.s32.f32 v55;
	[tilespmem:s15+$0x4040] =	vst v23  }
0x114: {  	vm14 =	veq.s32 v55, $0x0;
	v4 =	vcvt.s32.f32 v52;
	[tilespmem:s14+$0xFFFFFF30] =	vst v1;
	v3 =	vadd.s32 $0xFFFFFF81, v3;
	v60 =	vld.idx.msk [tilespmem:v61+s4+$0x0], $0xffff  }
0x115: {  	[tilespmem:s14+$0xFFFFFF40] =	vst v1;
	v3 =	vsel vm11, $0xFFFFFFFF, v3;
	v54 =	vor.u32 s10, v7;
	v23 =	vshra.s32 v24, $0x17;
	v61 =	vld.idx.msk [tilespmem:v62+s4+$0x0], $0xffff  }
0x116: {  	[tilespmem:s14+$0xFFFFFF50] =	vst v1;
	v24 =	vcvt.s32.f32 v51;
	v23 =	vadd.s32 $0xFFFFFF91, v23;
	v62 =	vld.idx.msk [tilespmem:v56+s4+$0x0], $0xffff;
	v26 =	vor.u32 s8, v14  }
0x117: {  	s11 =	sadd.s32 $0x200, s11;
	[tilespmem:s14+$0xFFFFFF60] =	vst v1;
	v56 =	vsel vm14, v3, v23;
	v3 =	vshll.u32 v58, $0x2;
	v58 =	vor.u32 s16, v7;
	v7 =	vld [tilespmem:$0x1FE70]  }
0x118: {  	v19 =	vld [tilespmem:$0x1FEB0];
	s17 =	sadd.s32 $0x100, s11;
	vm0 =	veq.s32 v52, $0x0;
	[tilespmem:s14+$0xFFFFFF70] =	vst v1;
	v4 =	vshra.s32 v4, $0x17  }
0x119: {  	v29 =	vmovc v25;
	v25 =	vld [tilespmem:$0x1FF10];
	[tilespmem:s14+$0xFFFFFF80] =	vst v1;
	v55 =	vadd.s32 $0xFFFFFFA1, v4;
	v4 =	vshra.s32 v24, $0x17;
	v24 =	vadd.s32 s17, v3  }
0x11a: {  	v27 =	vld [tilespmem:$0x1FFF0];
	[tilespmem:s14+$0xFFFFFF90] =	vst v1;
	v52 =	vadd.s32 $0xFFFFFFB1, v4;
	v3 =	vand.u32 $0x7C, v3;
	v24 =	vand.u32 $0xFFFFFF80, v24  }
0x11b: {  	[tilespmem:s14+$0xFFFFFFA0] =	vst v1;
	v3 =	vor.u32 v3, v24;
	v24 =	vcvt.s32.f32 v61;
	v4 =	vld.idx.msk [tilespmem:v26+s4+$0x0], $0xffff;
	v26 =	vor.u32 s8, v9  }
0x11c: {  	v10 =	vld [tilespmem:$0x1FF40];
	[tilespmem:s14+$0xFFFFFFB0] =	vst v1;
	vm15 =	veq.s32 v62, $0x0;
	v7 =	vand.u32 v7, v26;
	v26 =	vcvt.s32.f32 v62  }
0x11d: {  	v28 =	vld [tilespmem:$0x1FFD0];
	[tilespmem:s14+$0xFFFFFFC0] =	vst v1;
	vm6 =	veq.s32 v60, $0x0;
	v60 =	vcvt.s32.f32 v60;
	v24 =	vshra.s32 v24, $0x17  }
0x11e: {  	v20 =	vld [tilespmem:$0x1FF50];
	[tilespmem:s14+$0xFFFFFFD0] =	vst v1;
	vm7 =	veq.s32 v61, $0x0;
	v24 =	vadd.s32 $0xFFFFFF81, v24;
	v26 =	vshra.s32 v26, $0x17  }
0x11f: {  	[tilespmem:s14+$0xFFFFFFE0] =	vst v1;
	v12 =	vld [tilespmem:$0x1FF80];
	v60 =	vshra.s32 v60, $0x17;
	v24 =	vsel vm7, $0xFFFFFFFF, v24;
	v26 =	vadd.s32 $0xFFFFFF91, v26  }
0x120: {  	[tilespmem:v3+s4+$0x0] =	vst.idx.add.s32.msk $0xffff, v0;
	v3 =	vsel vm15, v24, v26;
	v24 =	vadd.s32 $0xFFFFFFA1, v60  }
0x121: {  	[tilespmem:s14+$0xFFFFFFF0] =	vst v1;
	v61 =	vcvt.s32.f32 v4;
	v24 =	vsel vm6, v3, v24;
	v3 =	vor.u32 s11, v13;
	v13 =	vld [tilespmem:$0x1FF90]  }
0x122: {  	[tilespmem:s14+$0xFFFFFF00] =	vst v1;
	v63 =	vor.u32 s11, v17;
	v17 =	vld [tilespmem:$0x1FF60]  }
0x123: {  	[tilespmem:s7+$0x4010] =	vst v59;
	v8 =	vld.idx.msk [tilespmem:v58+s6+$0x0], $0xffff;
	v26 =	vshra.s32 v61, $0x17  }
0x124: {  	s9 =	sadd.s32 $0x80, s9;
	[tilespmem:$0x1FE40] =	vst v5;
	v58 =	vor.u32 s11, v14;
	v14 =	vld.idx.msk [tilespmem:v57+s6+$0x0], $0xffff;
	vm8 =	veq.s32 v4, $0x0;
	v4 =	vadd.s32 $0xFFFFFFB1, v26  }
0x125: {  	s18 =	sor.u32 $0x50, s9;
	v5 =	vor.u32 s8, v12;
	[tilespmem:v11+s4+$0x0] =	vst.idx.add.s32.msk $0xffff, v0;
	v4 =	vsel vm8, v24, v4  }
0x126: {  	v22 =	vld.idx.msk [tilespmem:v32+s4+$0x0], $0xffff;
	[tilespmem:s18+$0x4000] =	vst v4;
	v4 =	vor.u32 s8, v13  }
0x127: {  	v6 =	vor.u32 s8, v10;
	v61 =	vld [tilespmem:$0x1FF70];
	v24 =	vor.u32 s11, v16;
	v16 =	vor.u32 s11, v9  }
0x128: {  	v9 =	vor.u32 s11, v10;
	v10 =	vor.u32 s11, v12;
	v12 =	vand.u32 v17, v16;
	v17 =	vld [tilespmem:$0x1FFA0]  }
0x129: {  	v2 =	vor.u32 s10, v25;
	v8 =	vshll.u32 v8, $0x2;
	v7 =	vld.idx.msk [tilespmem:v7+s4+$0x0], $0xffff  }
0x12a: {  	v53 =	vor.u32 s10, v19;
	v60 =	vor.u32 s11, v15;
	v15 =	vadd.s32 s17, v8;
	v5 =	vld.idx.msk [tilespmem:v5+s4+$0x0], $0xffff  }
0x12b: {  	v62 =	vor.u32 s11, v18;
	v8 =	vand.u32 $0x7C, v8;
	v16 =	vld.idx.msk [tilespmem:v4+s4+$0x0], $0xffff;
	v4 =	vand.u32 $0xFFFFFF80, v15  }
0x12c: {  	v18 =	vor.u32 s11, v20;
	v4 =	vor.u32 v4, v8;
	v8 =	vor.u32 s16, v19;
	v19 =	vld.idx.msk [tilespmem:v50+s6+$0x0], $0xffff  }
0x12d: {  	v59 =	vor.u32 s11, v17;
	v15 =	vor.u32 s8, v17;
	v17 =	vor.u32 s8, v20;
	v50 =	vmovc v2;
	v2 =	vld [tilespmem:$0x1FE90]  }
0x12e: {  	vm11 =	veq.s32 v7, $0x0;
	v20 =	vor.u32 $0x1, v4;
	v4 =	vcvt.s32.f32 v7;
	v7 =	vld [tilespmem:$0x1FE60]  }
0x12f: {  	v6 =	vld.idx.msk [tilespmem:v6+s4+$0x0], $0xffff  }
0x130: {  	v61 =	vand.u32 v61, v18;
	v18 =	vld [tilespmem:$0x1FFB0];
	_ =	sdelay $0x1  }
0x131: {  	v23 =	vor.u32 s11, v27  }
0x132: {  	v26 =	vor.u32 s11, v28;
	vm13 =	veq.s32 v22, $0x0;
	v21 =	vand.u32 v2, v17;
	v2 =	vld [tilespmem:$0x1FE50]  }
0x133: {  	v13 =	vor.u32 s11, v13;
	vm9 =	veq.s32 v6, $0x0;
	v6 =	vcvt.s32.f32 v6;
	[tilespmem:v20+s4+$0x0] =	vst.idx.add.s32.msk $0xffff, v0  }
0x134: {  	v11 =	vmovc v38;
	vm10 =	veq.s32 v5, $0x0;
	v5 =	vcvt.s32.f32 v5;
	v57 =	vor.u32 s11, v18;
	v8 =	vld.idx.msk [tilespmem:v8+s6+$0x0], $0xffff  }
0x135: {  	v18 =	vor.u32 s8, v18;
	v6 =	vshra.s32 v6, $0x17;
	v4 =	vshra.s32 v4, $0x17;
	[tilespmem:$0x1FE50] =	vst v11;
	v11 =	vld.idx.msk [tilespmem:v7+s4+$0x0], $0xffff;
	v7 =	vmovc v41  }
0x136: {  	v38 =	vmovc v9;
	v5 =	vshra.s32 v5, $0x17;
	v9 =	vcvt.s32.f32 v16;
	[tilespmem:$0x1FE60] =	vst v7;
	v7 =	vadd.s32 $0xFFFFFF81, v4  }
0x137: {  	v6 =	vadd.s32 $0xFFFFFF91, v6;
	v5 =	vadd.s32 $0xFFFFFFA1, v5;
	v17 =	vld [tilespmem:$0x1FFC0];
	v7 =	vsel vm11, $0xFFFFFFFF, v7  }
0x138: {  	vm12 =	veq.s32 v16, $0x0;
	v6 =	vsel vm9, v7, v6;
	v7 =	vshra.s32 v9, $0x17  }
0x139: {  	v9 =	vshll.u32 v19, $0x2;
	v5 =	vsel vm10, v6, v5;
	v6 =	vadd.s32 $0xFFFFFFB1, v7  }
0x13a: {  	s30 =	sor.u32 $0x60, s9;
	v8 =	vshll.u32 v8, $0x2;
	v2 =	vld.idx.msk [tilespmem:v2+s4+$0x0], $0xffff;
	v7 =	vshll.u32 v14, $0x2;
	v5 =	vsel vm12, v5, v6  }
0x13b: {  	v41 =	vmovc v10;
	v4 =	vld.idx.msk [tilespmem:v33+s4+$0x0], $0xffff;
	v10 =	vadd.s32 s12, v9;
	v9 =	vand.u32 $0x7C, v9;
	v6 =	vadd.s32 s11, v7;
	[tilespmem:s30+$0x4000] =	vst v5  }
0x13c: {  	v32 =	vmovc v42;
	v42 =	vmovc v12;
	v7 =	vand.u32 $0x7C, v7;
	v5 =	vor.u32 s8, v17;
	v6 =	vand.u32 $0xFFFFFF80, v6;
	v12 =	vld.idx.msk [tilespmem:v18+s4+$0x0], $0xffff  }
0x13d: {  	s8 =	smov.u32 s17;
	v6 =	vor.u32 v7, v6;
	v7 =	vand.u32 $0xFFFFFF80, v10;
	v10 =	vld.idx.msk [tilespmem:v21+s4+$0x0], $0xffff;
	v18 =	vcvt.s32.f32 v22  }
0x13e: {  	v16 =	vadd.s32 s8, v8;
	v8 =	vand.u32 $0x7C, v8;
	v7 =	vor.u32 v7, v9  }
0x13f: {  	v9 =	vld.idx.msk [tilespmem:v15+s4+$0x0], $0xffff;
	v15 =	vcvt.s32.f32 v11;
	v19 =	vcvt.s32.f32 v2;
	v7 =	vor.u32 $0x3, v7  }
0x140: {  	v33 =	vmovc v39;
	v39 =	vmovc v13;
	v13 =	vshra.s32 v18, $0x17;
	v18 =	vcvt.s32.f32 v4;
	vm12 =	veq.s32 v2, $0x0  }
0x141: {  	v13 =	vadd.s32 $0xFFFFFF81, v13;
	v15 =	vshra.s32 v15, $0x17;
	v5 =	vld.idx.msk [tilespmem:v5+s4+$0x0], $0xffff;
	v14 =	vshra.s32 v19, $0x17  }
0x142: {  	v13 =	vsel vm13, $0xFFFFFFFF, v13;
	[tilespmem:v6+s4+$0x0] =	vst.idx.add.s32.msk $0xffff, v0;
	v6 =	vand.u32 $0xFFFFFF80, v16;
	vm6 =	veq.s32 v10, $0x0  }
0x143: {  	v16 =	vld.idx.msk [tilespmem:v54+s6+$0x0], $0xffff;
	v6 =	vor.u32 v6, v8;
	v8 =	vcvt.s32.f32 v10;
	v10 =	vcvt.s32.f32 v12  }
0x144: {  	vm13 =	veq.s32 v11, $0x0;
	vm15 =	veq.s32 v12, $0x0;
	[tilespmem:v7+s4+$0x0] =	vst.idx.add.s32.msk $0xffff, v0;
	v7 =	vcvt.s32.f32 v9  }
0x145: {  	vm14 =	veq.s32 v9, $0x0;
	v8 =	vshra.s32 v8, $0x17;
	v10 =	vshra.s32 v10, $0x17  }
0x146: {  	v9 =	vld.idx.msk [tilespmem:v49+s4+$0x0], $0xffff;
	v8 =	vadd.s32 $0xFFFFFF81, v8;
	v7 =	vshra.s32 v7, $0x17;
	v54 =	vcvt.s32.f32 v5  }
0x147: {  	v12 =	vld.idx.msk [tilespmem:v48+s4+$0x0], $0xffff;
	vm7 =	veq.s32 v5, $0x0;
	v8 =	vsel vm6, $0xFFFFFFFF, v8;
	v7 =	vadd.s32 $0xFFFFFF91, v7  }
0x148: {  	v7 =	vsel vm14, v8, v7;
	v8 =	vadd.s32 $0xFFFFFFA1, v10;
	v10 =	vshra.s32 v54, $0x17  }
0x149: {  	v48 =	vmovc v3;
	v3 =	vld.idx.msk [tilespmem:v46+s4+$0x0], $0xffff;
	v7 =	vsel vm15, v7, v8;
	v5 =	vadd.s32 $0xFFFFFFB1, v10;
	v8 =	vshll.u32 v16, $0x2  }
0x14a: {  	s31 =	sor.u32 $0x70, s9;
	v6 =	vor.u32 $0x2, v6;
	v20 =	vld.idx.msk [tilespmem:v47+s4+$0x0], $0xffff;
	v5 =	vsel vm7, v7, v5;
	v7 =	vadd.s32 s11, v8  }
0x14b: {  	v10 =	vor.u32 s16, v25;
	v8 =	vand.u32 $0x7C, v8;
	[tilespmem:s31+$0x4000] =	vst v5;
	v5 =	vand.u32 $0xFFFFFF80, v7  }
0x14c: {  	v54 =	vcvt.s32.f32 v12;
	v7 =	vcvt.s32.f32 v9;
	v5 =	vor.u32 v5, v8  }
0x14d: {  	vm8 =	veq.s32 v9, $0x0;
	vm9 =	veq.s32 v12, $0x0;
	v5 =	vor.u32 $0x1, v5  }
0x14e: {  	v8 =	vcvt.s32.f32 v3;
	v9 =	vshra.s32 v54, $0x17;
	v7 =	vshra.s32 v7, $0x17  }
0x14f: {  	[tilespmem:v6+s4+$0x0] =	vst.idx.add.s32.msk $0xffff, v0;
	v6 =	vadd.s32 $0xFFFFFF81, v7;
	v7 =	vadd.s32 $0xFFFFFF91, v9;
	v9 =	vcvt.s32.f32 v20  }
0x150: {  	vm10 =	veq.s32 v3, $0x0;
	v8 =	vshra.s32 v8, $0x17;
	v6 =	vsel vm8, $0xFFFFFFFF, v6  }
0x151: {  	v10 =	vld.idx.msk [tilespmem:v10+s6+$0x0], $0xffff;
	v6 =	vsel vm9, v6, v7;
	v7 =	vadd.s32 $0xFFFFFFA1, v8;
	v8 =	vshra.s32 v9, $0x17  }
0x152: {  	vm11 =	veq.s32 v20, $0x0;
	v3 =	vadd.s32 $0xFFFFFFB1, v8;
	[tilespmem:v5+s4+$0x0] =	vst.idx.add.s32.msk $0xffff, v0;
	v5 =	vsel vm10, v6, v7  }
0x153: {  	v14 =	vadd.s32 $0xFFFFFF91, v14;
	v46 =	vmovc v26;
	v26 =	vor.u32 s8, v28;
	v2 =	vsel vm11, v5, v3  }
0x154: {  	v6 =	vadd.s32 $0xFFFFFFA1, v15;
	v7 =	vld.idx.msk [tilespmem:v53+s6+$0x0], $0xffff;
	v3 =	vsel vm12, v13, v14;
	v5 =	vshra.s32 v18, $0x17;
	[tilespmem:s15+$0x4000] =	vst v2  }
0x155: {  	s13 =	sadd.s32 $0x2, s13;
	v49 =	vmovc v23;
	vm14 =	veq.s32 v4, $0x0;
	v4 =	vadd.s32 $0xFFFFFFB1, v5;
	v3 =	vsel vm13, v3, v6;
	v2 =	vld.idx.msk [tilespmem:v40+s4+$0x0], $0xffff  }
0x156: {  	p0 =	slt.u32 s13, $0xE;
	v47 =	vmovc v24;
	vm15 =	veq.s32 v51, $0x0;
	v5 =	vshll.u32 v10, $0x2;
	v40 =	vmovc v63;
	v63 =	vld.idx.msk [tilespmem:v44+s4+$0x0], $0xffff;
	v3 =	vsel vm14, v3, v4  }
.Ltmp0:
0x157: {  	v25 =	vmovc v35;
	v54 =	vor.u32 s11, v17;
	v6 =	vadd.s32 s8, v5;
	v4 =	vsel vm0, v56, v55;
	v23 =	vld.idx.msk [tilespmem:v43+s4+$0x0], $0xffff;
	[tilespmem:s7+$0x4020] =	vst v3;
	(pc) =	sbr.rel @p0 .LBB2_1-.Ltmp0, $4  }
0x158: {  	v35 =	vmovc v61;
	v44 =	vmovc v62;
	v5 =	vand.u32 $0x7C, v5;
	v6 =	vand.u32 $0xFFFFFF80, v6;
	v4 =	vsel vm15, v4, v52;
	v56 =	vld.idx.msk [tilespmem:v45+s4+$0x0], $0xffff  }
0x159: {  	v43 =	vmovc v60;
	v3 =	vor.u32 v6, v5;
	v45 =	vmov v58;
	v53 =	vld.idx.msk [tilespmem:v29+s4+$0x0], $0xffff;
	[tilespmem:s5+$0x4030] =	vst v4;
	v5 =	vshll.u32 v7, $0x2  }
0x15a: {  	s14 =	sadd.s32 $0x200, s14;
	v58 =	vor.u32 s8, v27;
	v24 =	vor.u32 $0x3, v3;
	v55 =	vld.idx.msk [tilespmem:v30+s4+$0x0], $0xffff;
	v30 =	vmovc v36;
	v36 =	vmovc v59;
	v4 =	vadd.s32 s11, v5  }
0x15b: {  	s12 =	smov.u32 s11;
	s5 =	smov.u32 s7;
	s7 =	smov.u32 s15;
	v52 =	vld.idx.msk [tilespmem:v31+s4+$0x0], $0xffff;
	v31 =	vmovc v37;
	v37 =	vmovc v57;
	v3 =	vand.u32 $0x7C, v5;
	v11 =	vand.u32 $0xFFFFFF80, v4;
	v4 =	vcvt.s32.f32 v2  }
0x15c: {  	_ =	sdelay $0x2  }
0x15d: {  	v1 =	vld [tilespmem:$0x1FEC0]  }
0x15e: {  	[tilespmem:v24+s4+$0x0] =	vst.idx.add.s32.msk $0xffff, v0  }
0x15f: {  	v5 =	vld [tilespmem:$0x1FED0];
	_ =	sdelay $0x2  }
0x160: {  	v1 =	vor.u32 s8, v1  }
0x161: {  	v6 =	vld.idx.msk [tilespmem:v26+s4+$0x0], $0xffff  }
0x162: {  	v7 =	vld.idx.msk [tilespmem:v58+s4+$0x0], $0xffff;
	v5 =	vor.u32 s8, v5  }
0x163: {  	v8 =	vld [tilespmem:$0x1FEF0]  }
0x164: {  	v10 =	vld [tilespmem:$0x1FEE0]  }
0x165: {  	v1 =	vld.idx.msk [tilespmem:v1+s4+$0x0], $0xffff;
	_ =	sdelay $0x1  }
0x166: {  	v5 =	vld.idx.msk [tilespmem:v5+s4+$0x0], $0xffff;
	_ =	sdelay $0x1  }
0x167: {  	v8 =	vor.u32 s8, v8;
	v9 =	vcvt.s32.f32 v7;
	v10 =	vor.u32 s8, v10  }
0x168: {  	vm1 =	veq.s32 v6, $0x0;
	vm0 =	veq.s32 v1, $0x0;
	v1 =	vcvt.s32.f32 v1  }
0x169: {  	vm2 =	veq.s32 v7, $0x0;
	v6 =	vcvt.s32.f32 v6;
	v7 =	vshra.s32 v9, $0x17  }
0x16a: {  	v7 =	vadd.s32 $0xFFFFFF81, v7;
	v9 =	vcvt.s32.f32 v5;
	v1 =	vshra.s32 v1, $0x17  }
0x16b: {  	v6 =	vshra.s32 v6, $0x17;
	v7 =	vsel vm2, $0xFFFFFFFF, v7;
	v1 =	vadd.s32 $0xFFFFFF91, v1  }
0x16c: {  	v6 =	vadd.s32 $0xFFFFFFA1, v6;
	v1 =	vsel vm0, v7, v1;
	v7 =	vshra.s32 v9, $0x17  }
0x16d: {  	vm0 =	veq.s32 v5, $0x0;
	v1 =	vsel vm1, v1, v6;
	v5 =	vadd.s32 $0xFFFFFFB1, v7  }
0x16e: {  	s10 =	sshra.s32 s11, $0x2;
	v1 =	vsel vm0, v1, v5  }
0x16f: {  	v3 =	vor.u32 v11, v3;
	v6 =	vld [tilespmem:$0x1FF00];
	[tilespmem:s10+$0x4040] =	vst v1  }
0x170: {  	v3 =	vor.u32 $0x2, v3;
	v1 =	vld [tilespmem:$0x1FF20]  }
0x171: {  	v5 =	vld.idx.msk [tilespmem:v10+s4+$0x0], $0xffff  }
0x172: {  	v7 =	vld.idx.msk [tilespmem:v8+s4+$0x0], $0xffff  }
0x173: {  	v60 =	vld [tilespmem:$0x1FF80]  }
0x174: {  	v10 =	vld [tilespmem:$0x1FF30];
	v6 =	vor.u32 s8, v6  }
0x175: {  	[tilespmem:v3+s4+$0x0] =	vst.idx.add.s32.msk $0xffff, v0  }
0x176: {  	v12 =	vld [tilespmem:$0x1FE70];
	v1 =	vor.u32 s8, v1;
	_ =	sdelay $0x2  }
0x177: {  	v4 =	vshra.s32 v4, $0x17;
	v6 =	vld.idx.msk [tilespmem:v6+s4+$0x0], $0xffff  }
0x178: {  	v4 =	vadd.s32 $0xFFFFFF81, v4;
	v13 =	vld.idx.msk [tilespmem:v50+s6+$0x0], $0xffff;
	v10 =	vor.u32 s8, v10;
	v11 =	vcvt.s32.f32 v5  }
0x179: {  	v9 =	vcvt.s32.f32 v23;
	v10 =	vand.u32 v12, v10;
	v12 =	vcvt.s32.f32 v7;
	v1 =	vld.idx.msk [tilespmem:v1+s4+$0x0], $0xffff  }
0x17a: {  	vm0 =	veq.s32 v2, $0x0;
	vm2 =	veq.s32 v5, $0x0;
	v5 =	vshra.s32 v11, $0x17  }
0x17b: {  	vm1 =	veq.s32 v7, $0x0;
	v5 =	vadd.s32 $0xFFFFFF81, v5;
	v11 =	vshra.s32 v12, $0x17  }
0x17c: {  	v5 =	vsel vm2, $0xFFFFFFFF, v5;
	v11 =	vadd.s32 $0xFFFFFF91, v11;
	v7 =	vcvt.s32.f32 v6  }
0x17d: {  	v8 =	vcvt.s32.f32 v63;
	v3 =	vld [tilespmem:$0x1FF40];
	v5 =	vsel vm1, v5, v11;
	v11 =	vshll.u32 v13, $0x2  }
0x17e: {  	vm2 =	veq.s32 v6, $0x0;
	v6 =	vshra.s32 v7, $0x17;
	v12 =	vcvt.s32.f32 v1  }
0x17f: {  	v2 =	vor.u32 s8, v60;
	v61 =	vadd.s32 s12, v11;
	v6 =	vadd.s32 $0xFFFFFFA1, v6  }
0x180: {  	vm1 =	veq.s32 v1, $0x0;
	v1 =	vand.u32 $0xFFFFFF80, v61;
	v7 =	vshra.s32 v12, $0x17  }
0x181: {  	s19 =	sadd.s32 $0x80, s9;
	v5 =	vsel vm2, v5, v6;
	v6 =	vadd.s32 $0xFFFFFFB1, v7;
	v7 =	vand.u32 $0x7C, v11  }
0x182: {  	s9 =	sor.u32 $0x50, s19;
	v62 =	vld [tilespmem:$0x1FE40];
	v3 =	vor.u32 s8, v3;
	v5 =	vsel vm1, v5, v6;
	v7 =	vor.u32 v1, v7  }
0x183: {  	v4 =	vsel vm0, $0xFFFFFFFF, v4;
	v8 =	vshra.s32 v8, $0x17;
	v6 =	vld [tilespmem:$0x1FF90];
	[tilespmem:s9+$0x4000] =	vst v5;
	v5 =	vor.u32 $0x3, v7  }
0x184: {  	vm0 =	veq.s32 v63, $0x0;
	v8 =	vadd.s32 $0xFFFFFF91, v8;
	v11 =	vcvt.s32.f32 v56  }
0x185: {  	v4 =	vsel vm0, v4, v8;
	vm0 =	veq.s32 v23, $0x0;
	v7 =	vshra.s32 v9, $0x17;
	v2 =	vld.idx.msk [tilespmem:v2+s4+$0x0], $0xffff  }
0x186: {  	v8 =	vshra.s32 v11, $0x17;
	v7 =	vadd.s32 $0xFFFFFFA1, v7;
	v9 =	vld.idx.msk [tilespmem:v10+s4+$0x0], $0xffff;
	v10 =	vcvt.s32.f32 v53  }
0x187: {  	vm1 =	veq.s32 v56, $0x0;
	v3 =	vld.idx.msk [tilespmem:v3+s4+$0x0], $0xffff;
	v8 =	vadd.s32 $0xFFFFFFB1, v8;
	v4 =	vsel vm0, v4, v7  }
0x188: {  	v4 =	vsel vm1, v4, v8;
	v8 =	vshra.s32 v10, $0x17;
	[tilespmem:v5+s4+$0x0] =	vst.idx.add.s32.msk $0xffff, v0  }
0x189: {  	v5 =	vadd.s32 $0xFFFFFF81, v8;
	v8 =	vld.idx.msk [tilespmem:v49+s4+$0x0], $0xffff  }
0x18a: {  	v6 =	vor.u32 s8, v6;
	v11 =	vld.idx.msk [tilespmem:v48+s4+$0x0], $0xffff  }
0x18b: {  	vm0 =	veq.s32 v53, $0x0;
	v12 =	vld [tilespmem:$0x1FF50]  }
0x18c: {  	v13 =	vcvt.s32.f32 v9;
	vm1 =	veq.s32 v3, $0x0;
	v3 =	vcvt.s32.f32 v3;
	v15 =	vld.idx.msk [tilespmem:v47+s4+$0x0], $0xffff  }
0x18d: {  	v5 =	vsel vm0, $0xFFFFFFFF, v5;
	v14 =	vld [tilespmem:$0x1FE90];
	vm0 =	veq.s32 v2, $0x0;
	v2 =	vcvt.s32.f32 v2  }
0x18e: {  	vm2 =	veq.s32 v9, $0x0;
	v9 =	vshra.s32 v13, $0x17;
	v13 =	vld.idx.msk [tilespmem:v46+s4+$0x0], $0xffff;
	v3 =	vshra.s32 v3, $0x17  }
0x18f: {  	v2 =	vshra.s32 v2, $0x17;
	v6 =	vld.idx.msk [tilespmem:v6+s4+$0x0], $0xffff;
	v9 =	vadd.s32 $0xFFFFFF81, v9;
	v3 =	vadd.s32 $0xFFFFFF91, v3  }
0x190: {  	v9 =	vsel vm2, $0xFFFFFFFF, v9;
	v12 =	vor.u32 s8, v12;
	v16 =	vcvt.s32.f32 v8  }
0x191: {  	v17 =	vcvt.s32.f32 v11;
	vm2 =	veq.s32 v8, $0x0;
	v18 =	vcvt.s32.f32 v15  }
0x192: {  	v3 =	vsel vm1, v9, v3;
	v12 =	vand.u32 v14, v12;
	v8 =	vshra.s32 v16, $0x17  }
0x193: {  	v16 =	vshra.s32 v17, $0x17;
	v17 =	vcvt.s32.f32 v13;
	vm1 =	veq.s32 v13, $0x0  }
0x194: {  	v14 =	vcvt.s32.f32 v6;
	v8 =	vadd.s32 $0xFFFFFF81, v8;
	v16 =	vadd.s32 $0xFFFFFF91, v16  }
0x195: {  	[tilespmem:s7+$0x4010] =	vst v4;
	v8 =	vsel vm2, $0xFFFFFFFF, v8;
	vm2 =	veq.s32 v11, $0x0;
	v4 =	vshra.s32 v17, $0x17  }
0x196: {  	v1 =	vld.idx.msk [tilespmem:v62+s4+$0x0], $0xffff;
	v11 =	vshra.s32 v18, $0x17;
	v8 =	vsel vm2, v8, v16;
	v4 =	vadd.s32 $0xFFFFFFA1, v4  }
0x197: {  	v9 =	vld.idx.msk [tilespmem:v32+s4+$0x0], $0xffff;
	vm2 =	veq.s32 v15, $0x0;
	v11 =	vadd.s32 $0xFFFFFFB1, v11;
	v4 =	vsel vm1, v8, v4  }
0x198: {  	v2 =	vadd.s32 $0xFFFFFFA1, v2;
	v13 =	vld [tilespmem:$0x1FE50];
	v14 =	vshra.s32 v14, $0x17;
	v4 =	vsel vm2, v4, v11  }
0x199: {  	v2 =	vsel vm0, v3, v2;
	vm0 =	veq.s32 v6, $0x0;
	v8 =	vld [tilespmem:$0x1FE60];
	v3 =	vadd.s32 $0xFFFFFFB1, v14;
	[tilespmem:s10+$0x4000] =	vst v4  }
0x19a: {  	v7 =	vcvt.s32.f32 v55;
	v2 =	vsel vm0, v2, v3;
	v3 =	vld.idx.msk [tilespmem:v40+s4+$0x0], $0xffff  }
0x19b: {  	v6 =	vld [tilespmem:$0x1FFA0]  }
0x19c: {  	s20 =	sor.u32 $0x60, s19;
	v7 =	vshra.s32 v7, $0x17;
	v29 =	vld.idx.msk [tilespmem:v44+s4+$0x0], $0xffff  }
0x19d: {  	v10 =	vcvt.s32.f32 v1;
	v7 =	vadd.s32 $0xFFFFFF91, v7;
	vm1 =	veq.s32 v55, $0x0;
	[tilespmem:s20+$0x4000] =	vst v2;
	v16 =	vld.idx.msk [tilespmem:v43+s4+$0x0], $0xffff  }
0x19e: {  	v5 =	vsel vm1, v5, v7;
	v7 =	vld.idx.msk [tilespmem:v12+s4+$0x0], $0xffff  }
0x19f: {  	v4 =	vshra.s32 v10, $0x17;
	v10 =	vcvt.s32.f32 v9;
	v14 =	vld [tilespmem:$0x1FFC0]  }
0x1a0: {  	v28 =	vcvt.s32.f32 v52;
	v12 =	vld [tilespmem:$0x1FFB0]  }
0x1a1: {  	vm1 =	veq.s32 v9, $0x0;
	v18 =	vld.idx.msk [tilespmem:v45+s4+$0x0], $0xffff;
	v9 =	vshra.s32 v10, $0x17  }
0x1a2: {  	v0 =	vshra.s32 v28, $0x17;
	v13 =	vld.idx.msk [tilespmem:v13+s4+$0x0], $0xffff;
	v9 =	vadd.s32 $0xFFFFFF81, v9  }
0x1a3: {  	v0 =	vadd.s32 $0xFFFFFFA1, v0;
	v9 =	vsel vm1, $0xFFFFFFFF, v9;
	v6 =	vor.u32 s8, v6  }
0x1a4: {  	v19 =	vcvt.s32.f32 v3;
	v20 =	vcvt.s32.f32 v29;
	v14 =	vor.u32 s8, v14  }
0x1a5: {  	v22 =	vcvt.s32.f32 v16;
	vm1 =	veq.s32 v3, $0x0;
	v12 =	vor.u32 s8, v12  }
0x1a6: {  	v11 =	vld.idx.msk [tilespmem:v33+s4+$0x0], $0xffff;
	vm3 =	veq.s32 v18, $0x0;
	v19 =	vshra.s32 v19, $0x17;
	v20 =	vshra.s32 v20, $0x17  }
0x1a7: {  	v8 =	vld.idx.msk [tilespmem:v8+s4+$0x0], $0xffff;
	v15 =	vcvt.s32.f32 v13;
	v19 =	vadd.s32 $0xFFFFFF81, v19;
	v3 =	vadd.s32 $0xFFFFFF91, v20  }
0x1a8: {  	v20 =	vcvt.s32.f32 v18;
	v19 =	vsel vm1, $0xFFFFFFFF, v19;
	vm1 =	veq.s32 v29, $0x0;
	v6 =	vld.idx.msk [tilespmem:v6+s4+$0x0], $0xffff  }
0x1a9: {  	v21 =	vcvt.s32.f32 v7;
	v3 =	vsel vm1, v19, v3;
	v32 =	vld.idx.msk [tilespmem:v14+s4+$0x0], $0xffff;
	v14 =	vshra.s32 v22, $0x17  }
0x1aa: {  	v19 =	vshra.s32 v20, $0x17;
	vm1 =	veq.s32 v16, $0x0;
	v12 =	vld.idx.msk [tilespmem:v12+s4+$0x0], $0xffff;
	v14 =	vadd.s32 $0xFFFFFFA1, v14  }
0x1ab: {  	v10 =	vshra.s32 v15, $0x17;
	v16 =	vadd.s32 $0xFFFFFFB1, v19;
	v3 =	vsel vm1, v3, v14  }
0x1ac: {  	v15 =	vcvt.s32.f32 v11;
	v3 =	vsel vm3, v3, v16;
	vm3 =	veq.s32 v7, $0x0  }
0x1ad: {  	v7 =	vshra.s32 v21, $0x17;
	vm2 =	veq.s32 v6, $0x0;
	v6 =	vcvt.s32.f32 v6  }
0x1ae: {  	v10 =	vadd.s32 $0xFFFFFF91, v10;
	v17 =	vcvt.s32.f32 v8;
	[tilespmem:s10+$0x4010] =	vst v3;
	v3 =	vadd.s32 $0xFFFFFF81, v7  }
0x1af: {  	vm1 =	veq.s32 v12, $0x0;
	v12 =	vcvt.s32.f32 v12;
	v14 =	vld.idx.msk [tilespmem:v42+s4+$0x0], $0xffff;
	v6 =	vshra.s32 v6, $0x17  }
0x1b0: {  	v17 =	vshra.s32 v17, $0x17;
	v3 =	vsel vm3, $0xFFFFFFFF, v3;
	v6 =	vadd.s32 $0xFFFFFF91, v6  }
0x1b1: {  	v16 =	vld.idx.msk [tilespmem:v38+s4+$0x0], $0xffff;
	vm3 =	veq.s32 v11, $0x0;
	v12 =	vshra.s32 v12, $0x17;
	v3 =	vsel vm2, v3, v6  }
0x1b2: {  	v6 =	vadd.s32 $0xFFFFFFA1, v12;
	vm2 =	veq.s32 v13, $0x0;
	v13 =	vadd.s32 $0xFFFFFFA1, v17  }
0x1b3: {  	v12 =	vld.idx.msk [tilespmem:v41+s4+$0x0], $0xffff;
	v9 =	vsel vm2, v9, v10;
	v10 =	vshra.s32 v15, $0x17;
	vm2 =	veq.s32 v8, $0x0  }
0x1b4: {  	v8 =	vld.idx.msk [tilespmem:v39+s4+$0x0], $0xffff;
	v10 =	vadd.s32 $0xFFFFFFB1, v10;
	v9 =	vsel vm2, v9, v13;
	v11 =	vcvt.s32.f32 v14  }
0x1b5: {  	vm0 =	veq.s32 v52, $0x0;
	v3 =	vsel vm1, v3, v6;
	v6 =	vsel vm3, v9, v10  }
0x1b6: {  	v0 =	vsel vm0, v5, v0;
	v9 =	vcvt.s32.f32 v16;
	[tilespmem:s7+$0x4020] =	vst v6;
	v6 =	vshra.s32 v11, $0x17  }
0x1b7: {  	vm0 =	veq.s32 v1, $0x0;
	vm2 =	veq.s32 v14, $0x0;
	v6 =	vadd.s32 $0xFFFFFF81, v6  }
0x1b8: {  	v33 =	vcvt.s32.f32 v12;
	v10 =	vld.idx.msk [tilespmem:v25+s4+$0x0], $0xffff;
	v9 =	vshra.s32 v9, $0x17;
	v6 =	vsel vm2, $0xFFFFFFFF, v6  }
0x1b9: {  	v13 =	vld.idx.msk [tilespmem:v30+s4+$0x0], $0xffff;
	v11 =	vcvt.s32.f32 v8;
	v9 =	vadd.s32 $0xFFFFFF91, v9;
	vm2 =	veq.s32 v16, $0x0  }
0x1ba: {  	v7 =	vcvt.s32.f32 v32;
	v14 =	vld.idx.msk [tilespmem:v31+s4+$0x0], $0xffff;
	v2 =	vshra.s32 v33, $0x17;
	v6 =	vsel vm2, v6, v9  }
0x1bb: {  	vm2 =	veq.s32 v12, $0x0;
	v2 =	vadd.s32 $0xFFFFFFA1, v2;
	v9 =	vshra.s32 v11, $0x17  }
0x1bc: {  	vm3 =	veq.s32 v8, $0x0;
	v11 =	vld.idx.msk [tilespmem:v34+s4+$0x0], $0xffff;
	v8 =	vadd.s32 $0xFFFFFFB1, v9;
	v2 =	vsel vm2, v6, v2  }
0x1bd: {  	v4 =	vadd.s32 $0xFFFFFFB1, v4;
	v7 =	vshra.s32 v7, $0x17;
	v2 =	vsel vm3, v2, v8  }
0x1be: {  	v0 =	vsel vm0, v0, v4;
	v6 =	vadd.s32 $0xFFFFFFB1, v7;
	v7 =	vcvt.s32.f32 v10;
	[tilespmem:s10+$0x4020] =	vst v2  }
0x1bf: {  	vm1 =	veq.s32 v32, $0x0;
	v34 =	vcvt.s32.f32 v13;
	v5 =	vcvt.s32.f32 v14;
	v4 =	vld.idx.msk [tilespmem:v35+s4+$0x0], $0xffff  }
0x1c0: {  	v3 =	vsel vm1, v3, v6;
	vm0 =	veq.s32 v10, $0x0;
	v38 =	vshra.s32 v7, $0x17;
	v6 =	vld.idx.msk [tilespmem:v36+s4+$0x0], $0xffff  }
0x1c1: {  	v1 =	vshra.s32 v34, $0x17;
	v8 =	vld.idx.msk [tilespmem:v37+s4+$0x0], $0xffff;
	v5 =	vshra.s32 v5, $0x17;
	v7 =	vcvt.s32.f32 v11  }
0x1c2: {  	v2 =	vadd.s32 $0xFFFFFF81, v38;
	v1 =	vadd.s32 $0xFFFFFF91, v1;
	v5 =	vadd.s32 $0xFFFFFFA1, v5  }
0x1c3: {  	v2 =	vsel vm0, $0xFFFFFFFF, v2;
	vm0 =	veq.s32 v13, $0x0;
	v7 =	vshra.s32 v7, $0x17  }
0x1c4: {  	v39 =	vld.idx.msk [tilespmem:v54+s4+$0x0], $0xffff;
	v1 =	vsel vm0, v2, v1;
	vm0 =	veq.s32 v14, $0x0;
	v7 =	vadd.s32 $0xFFFFFFB1, v7  }
0x1c5: {  	v1 =	vsel vm0, v1, v5;
	vm0 =	veq.s32 v11, $0x0;
	v9 =	vcvt.s32.f32 v4  }
0x1c6: {  	v5 =	vcvt.s32.f32 v6;
	v1 =	vsel vm0, v1, v7;
	v7 =	vcvt.s32.f32 v8  }
0x1c7: {  	vm0 =	veq.s32 v4, $0x0  }
0x1c8: {  	v9 =	vshra.s32 v9, $0x17;
	v5 =	vshra.s32 v5, $0x17;
	v7 =	vshra.s32 v7, $0x17  }
0x1c9: {  	v4 =	vadd.s32 $0xFFFFFF81, v9;
	v9 =	vcvt.s32.f32 v39;
	v5 =	vadd.s32 $0xFFFFFF91, v5  }
0x1ca: {  	s21 =	sor.u32 $0x70, s19;
	v4 =	vsel vm0, $0xFFFFFFFF, v4;
	vm0 =	veq.s32 v6, $0x0;
	v6 =	vadd.s32 $0xFFFFFFA1, v7  }
0x1cb: {  	[tilespmem:s21+$0x4000] =	vst v3;
	v3 =	vshra.s32 v9, $0x17;
	v4 =	vsel vm0, v4, v5;
	vm0 =	veq.s32 v8, $0x0  }
0x1cc: {  	[tilespmem:s5+$0x4030] =	vst v0;
	v40 =	vadd.s32 $0xFFFFFFB1, v3;
	v3 =	vsel vm0, v4, v6;
	vm0 =	veq.s32 v39, $0x0  }
0x1cd: {  	[tilespmem:s7+$0x4030] =	vst v1;
	v0 =	vsel vm0, v3, v40  }
0x1ce: {  	s22 =	simm.s32 $0x2;
	[tilespmem:s10+$0x4030] =	vst v0  }
0x1cf: {  	_ =	swait.ge [sflag:s22], $0x800  }
0x1d0: {  	[sflag:s22] =	ssyncset.done $0x0  }
0x1d1: {  	s23 =	simm.s32 $0x3;
	[sflag:s22] =	ssyncadd.s32 $0xFFFFF800  }
0x1d2: {  	_ =	swait.ge [sflag:s23], $0x2000  }
0x1d3: {  	[sflag:s23] =	ssyncset.done $0x0  }
0x1d4: {  	s24 =	simm.s32 $0x4020;
	[sflag:s23] =	ssyncadd.s32 $0xFFFFE000  }
0x1d5: {  	v6 =	vld [tilespmem:s24+$0x20]  }
0x1d6: {  	v7 =	vld [tilespmem:s24+$0xFFFFFFF0]  }
0x1d7: {  	v8 =	vld [tilespmem:s24+$0x0]  }
0x1d8: {  	s25 =	simm.s32 $0x80;
	v11 =	vld [tilespmem:s24+$0x10]  }
0x1d9: {  	v43 =	vmov s25;
	s4 =	simm.s32 $0x0  }
0x1da: {  	v44 =	vor.u32 $0x1, v43;
	v41 =	vmov s4  }
0x1db: {  	v19 =	vbroadcast v44, $0x0;
	v42 =	vor.u32 $0x1, v41;
	vm1 =	vgt.s32 v6, $0x0  }
0x1dc: {  	v12 =	vld [tilespmem:s24+$0xFFFFFFE0];
	vm0 =	vgt.s32 v7, $0x0;
	vm2 =	vgt.s32 v8, $0x0;
	v3 =	vnsel vm1, $0x0, v6  }
0x1dd: {  	s5 =	simm.s32 $0x204;
	vm3 =	vgt.s32 v11, $0x0;
	v4 =	vnsel vm0, $0x0, v7;
	v45 =	vshll.u32 v3, $0x3  }
0x1de: {  	s26 =	simm.s32 $0x4;
	s6 =	simm.s32 $0x40;
	v9 =	vnsel vm2, $0x0, v8;
	v5 =	vshll.u32 v4, $0x3;
	v13 =	vadd.s32 s5, v45  }
0x1df: {  	s28 =	sor.u32 $0x50, s6;
	v10 =	vnsel vm3, $0x0, v11;
	v46 =	vshll.u32 v9, $0x3;
	v5 =	vadd.s32 s26, v5  }
0x1e0: {  	s29 =	sor.u32 $0x60, s6;
	v2 =	vbroadcast v42, $0x0;
	v14 =	vld [tilespmem:s28+$0x4000];
	v17 =	vshll.u32 v10, $0x3;
	v16 =	vadd.s32 s26, v46  }
0x1e1: {  	s30 =	sor.u32 $0x70, s6;
	v0 =	vld [tilespmem:s29+$0x4000];
	vm1 =	vgt.s32 v12, $0x0;
	v3 =	vshll.u32 v3, $0x1;
	v17 =	vadd.s32 s26, v17  }
0x1e2: {  	v1 =	vld [tilespmem:s30+$0x4000];
	v15 =	vnsel vm1, $0x0, v12;
	v4 =	vshll.u32 v4, $0x1;
	v3 =	vadd.s32 v3, v19  }
0x1e3: {  	v18 =	vshll.u32 v15, $0x3;
	v21 =	vadd.s32 v4, v2;
	v20 =	vld.idx.msk [tilespmem:v13+s4+$0x0], $0xffff  }
0x1e4: {  	v4 =	vshll.u32 v9, $0x1;
	v18 =	vadd.s32 s26, v18;
	v22 =	vld.idx.msk [tilespmem:v5+s4+$0x0], $0xffff  }
0x1e5: {  	v9 =	vadd.s32 v4, v2;
	v23 =	vld.idx.msk [tilespmem:v16+s4+$0x0], $0xffff  }
0x1e6: {  	s7 =	simm.s32 $0x2800;
	vm5 =	vgt.s32 v12, $0xFFFFFFFF;
	v4 =	vshll.u32 v10, $0x1;
	v24 =	vor.u32 $0x2, v5;
	v26 =	vld.idx.msk [tilespmem:v17+s4+$0x0], $0xffff  }
0x1e7: {  	v10 =	vshll.u32 v15, $0x1;
	v12 =	vor.u32 $0x1, v17;
	v15 =	vadd.s32 v4, v2;
	v4 =	vld.idx.msk [tilespmem:v3+s7+$0x0], $0xffff  }
0x1e8: {  	vm0 =	vgt.s32 v14, $0x0;
	v21 =	vld.idx.msk [tilespmem:v21+s7+$0x0], $0xffff  }
0x1e9: {  	v25 =	vnsel vm0, $0x0, v14;
	v10 =	vadd.s32 v10, v2;
	v27 =	vld.idx.msk [tilespmem:v18+s4+$0x0], $0xffff  }
0x1ea: {  	vm2 =	vgt.s32 v14, $0xFFFFFFFF;
	v47 =	vshll.u32 v25, $0x3;
	v14 =	vor.u32 $0x1, v18;
	v28 =	vld.idx.msk [tilespmem:v9+s7+$0x0], $0xffff  }
0x1eb: {  	v2 =	vadd.s32 s5, v47;
	v59 =	vor.u32 $0x2, v18;
	v51 =	vld.idx.msk [tilespmem:v24+s4+$0x0], $0xffff  }
0x1ec: {  	v36 =	vor.u32 $0x1, v2;
	v12 =	vld.idx.msk [tilespmem:v12+s4+$0x0], $0xffff  }
0x1ed: {  	v3 =	vor.u32 $0x1, v5;
	v30 =	vld.idx.msk [tilespmem:v15+s7+$0x0], $0xffff  }
0x1ee: {  	v5 =	vor.u32 $0x3, v5;
	v48 =	vld.idx.msk [tilespmem:v10+s7+$0x0], $0xffff  }
0x1ef: {  	vm4 =	vgt.s32 v8, $0xFFFFFFFF;
	v58 =	vor.u32 $0x2, v17;
	v14 =	vld.idx.msk [tilespmem:v14+s4+$0x0], $0xffff  }
0x1f0: {  	vm3 =	vgt.s32 v11, $0xFFFFFFFF;
	vm1 =	vgt.s32 v0, $0x0;
	v17 =	vor.u32 $0x3, v17;
	v40 =	vld.idx.msk [tilespmem:v59+s4+$0x0], $0xffff  }
0x1f1: {  	vm0 =	vgt.s32 v1, $0x0;
	v29 =	vor.u32 $0x2, v16;
	v18 =	vor.u32 $0x3, v18;
	v36 =	vld.idx.msk [tilespmem:v36+s4+$0x0], $0xffff  }
0x1f2: {  	v50 =	vor.u32 $0x3, v16;
	v9 =	vnsel vm1, $0x0, v0;
	v15 =	vor.u32 $0x1, v16;
	v49 =	vld.idx.msk [tilespmem:v3+s4+$0x0], $0xffff  }
0x1f3: {  	vm1 =	vgt.s32 v6, $0xFFFFFFFF;
	v10 =	vshll.u32 v9, $0x3;
	v16 =	vnsel vm0, $0x0, v1;
	v52 =	vld.idx.msk [tilespmem:v5+s4+$0x0], $0xffff  }
0x1f4: {  	v9 =	vshll.u32 v9, $0x1;
	vm0 =	vgt.s32 v7, $0xFFFFFFFF;
	v44 =	vmul.f32 $1.440000000e+03, v26;
	v26 =	vld.idx.msk [tilespmem:v58+s4+$0x0], $0xffff  }
0x1f5: {  	s31 =	simm.s32 $0x0;
	v10 =	vadd.s32 s5, v10;
	v3 =	vshll.u32 v25, $0x1;
	v25 =	vadd.s32 v9, v19;
	v17 =	vld.idx.msk [tilespmem:v17+s4+$0x0], $0xffff  }
0x1f6: {  	v5 =	vshll.u32 v16, $0x1;
	v55 =	vadd.s32 s31, v21;
	v23 =	vmul.f32 $1.440000000e+03, v23;
	v18 =	vld.idx.msk [tilespmem:v18+s4+$0x0], $0xffff  }
0x1f7: {  	v24 =	vadd.s32 v3, v19;
	v3 =	vshll.u32 v16, $0x3;
	v16 =	vor.u32 $0x3, v13;
	v53 =	vld.idx.msk [tilespmem:v15+s4+$0x0], $0xffff  }
0x1f8: {  	v56 =	vadd.s32 s31, v28;
	v43 =	vmul.f32 $1.440000000e+03, v27;
	v15 =	vadd.s32 v5, v19;
	v19 =	vld.idx.msk [tilespmem:v29+s4+$0x0], $0xffff  }
0x1f9: {  	v9 =	vadd.s32 s5, v3;
	v3 =	vor.u32 $0x1, v13;
	v5 =	vor.u32 $0x2, v13;
	v13 =	vld.idx.msk [tilespmem:v50+s4+$0x0], $0xffff  }
0x1fa: {  	s8 =	simm.s32 $0x4000;
	v63 =	vmul.f32 $7.200000000e+02, v51;
	v12 =	vmul.f32 $2.560000000e+03, v12;
	v57 =	vadd.s32 s31, v48;
	v7 =	vld.idx.msk [tilespmem:v25+s7+$0x0], $0xffff  }
0x1fb: {  	v31 =	vor.u32 $0x2, v10;
	v14 =	vmul.f32 $2.560000000e+03, v14;
	v50 =	vmul.f32 $7.200000000e+02, v40;
	v60 =	vld.idx.msk [tilespmem:v55+s8+$0x0], $0xffff  }
0x1fc: {  	v27 =	vadd.s32 s6, v4;
	v36 =	vmul.f32 $2.560000000e+03, v36;
	v62 =	vmul.f32 $2.560000000e+03, v49;
	v6 =	vld.idx.msk [tilespmem:v24+s7+$0x0], $0xffff  }
0x1fd: {  	v11 =	vadd.s32 s31, v30;
	v39 =	vmul.f32 $7.200000000e+02, v26;
	v42 =	vmul.f32 $1.280000000e+03, v17;
	v61 =	vld.idx.msk [tilespmem:v56+s8+$0x0], $0xffff  }
0x1fe: {  	v29 =	vor.u32 $0x2, v2;
	v18 =	vmul.f32 $1.280000000e+03, v18;
	v8 =	vld.idx.msk [tilespmem:v15+s7+$0x0], $0xffff;
	v15 =	vmul.f32 $1.440000000e+03, v20  }
0x1ff: {  	v25 =	vor.u32 $0x1, v10;
	v20 =	vmul.f32 $1.440000000e+03, v22;
	v22 =	vld.idx.msk [tilespmem:v57+s8+$0x0], $0xffff;
	v57 =	vmul.f32 $1.280000000e+03, v52  }
0x200: {  	v31 =	vld.idx.msk [tilespmem:v31+s4+$0x0], $0xffff;
	v24 =	vor.u32 $0x3, v2;
	v37 =	vmul.f32 $2.560000000e+03, v53;
	v19 =	vmul.f32 $7.200000000e+02, v19  }
0x201: {  	v46 =	vld.idx.msk [tilespmem:v27+s8+$0x0], $0xffff;
	v13 =	vmul.f32 $1.280000000e+03, v13;
	v41 =	vadd.f32 v18, v14;
	v26 =	vsub.f32 v20, v63  }
0x202: {  	v16 =	vld.idx.msk [tilespmem:v16+s4+$0x0], $0xffff;
	v27 =	vsub.f32 v62, v57;
	v33 =	vadd.f32 v63, v20;
	v55 =	vadd.s32 s6, v7  }
0x203: {  	v11 =	vld.idx.msk [tilespmem:v11+s8+$0x0], $0xffff;
	v34 =	vadd.f32 v57, v62;
	vm6 =	vlt.s32 v60, $0x0;
	v54 =	vadd.s32 s6, v6  }
0x204: {  	v29 =	vld.idx.msk [tilespmem:v29+s4+$0x0], $0xffff;
	vm8 =	vlt.s32 v61, $0x0;
	v21 =	vsel vm6, v21, v60;
	v56 =	vadd.s32 s6, v8  }
0x205: {  	v35 =	vsub.f32 v23, v19;
	v25 =	vld.idx.msk [tilespmem:v25+s4+$0x0], $0xffff;
	v21 =	vshll.u32 v21, $0x3;
	v28 =	vsel vm8, v28, v61  }
0x206: {  	v24 =	vld.idx.msk [tilespmem:v24+s4+$0x0], $0xffff;
	vm7 =	vlt.s32 v22, $0x0;
	v21 =	vadd.s32 s26, v21;
	v28 =	vshll.u32 v28, $0x3  }
0x207: {  	v32 =	vsub.f32 v37, v13;
	v22 =	vsel vm7, v48, v22;
	v28 =	vadd.s32 s26, v28;
	v48 =	vld.idx.msk [tilespmem:v55+s8+$0x0], $0xffff  }
0x208: {  	v38 =	vadd.f32 v19, v23;
	vm6 =	vlt.s32 v11, $0x0;
	v58 =	vor.u32 $0x1, v21;
	v47 =	vld.idx.msk [tilespmem:v54+s8+$0x0], $0xffff  }
0x209: {  	v37 =	vadd.f32 v13, v37;
	v11 =	vsel vm6, v30, v11;
	v59 =	vor.u32 $0x2, v21;
	v45 =	vld.idx.msk [tilespmem:v56+s8+$0x0], $0xffff  }
0x20a: {  	v23 =	vsub.f32 v44, v39;
	v11 =	vshll.u32 v11, $0x3;
	v17 =	vor.u32 $0x3, v21;
	v56 =	vld.idx.msk [tilespmem:v5+s4+$0x0], $0xffff  }
0x20b: {  	v31 =	vmul.f32 $7.200000000e+02, v31;
	v22 =	vshll.u32 v22, $0x3;
	v11 =	vadd.s32 s26, v11;
	v49 =	vld.idx.msk [tilespmem:v21+s4+$0x0], $0xffff  }
0x20c: {  	v16 =	vmul.f32 $1.280000000e+03, v16;
	v29 =	vmul.f32 $7.200000000e+02, v29;
	v22 =	vadd.s32 s26, v22;
	v51 =	vld.idx.msk [tilespmem:v28+s4+$0x0], $0xffff  }
0x20d: {  	v30 =	vadd.f32 v39, v44;
	vm6 =	vlt.s32 v46, $0x0;
	v40 =	vor.u32 $0x1, v28;
	v53 =	vld.idx.msk [tilespmem:v58+s4+$0x0], $0xffff  }
0x20e: {  	v39 =	vsub.f32 v14, v18;
	v46 =	vsel vm6, v4, v46;
	v60 =	vor.u32 $0x2, v28;
	v19 =	vld.idx.msk [tilespmem:v59+s4+$0x0], $0xffff  }
0x20f: {  	v61 =	vor.u32 $0x3, v28;
	v62 =	vor.u32 $0x1, v11;
	v63 =	vor.u32 $0x2, v11;
	v13 =	vld.idx.msk [tilespmem:v17+s4+$0x0], $0xffff  }
0x210: {  	v14 =	vor.u32 $0x3, v22;
	v24 =	vmul.f32 $1.280000000e+03, v24;
	v17 =	vsub.f32 v12, v42;
	v21 =	vld.idx.msk [tilespmem:v11+s4+$0x0], $0xffff  }
0x211: {  	v28 =	vadd.f32 v42, v12;
	v12 =	vor.u32 $0x1, v22;
	v58 =	vor.u32 $0x2, v22;
	v20 =	vld.idx.msk [tilespmem:v22+s4+$0x0], $0xffff  }
0x212: {  	v42 =	vadd.f32 v50, v43;
	v57 =	vld.idx.msk [tilespmem:v40+s4+$0x0], $0xffff;
	v11 =	vor.u32 $0x3, v11;
	vm7 =	vlt.s32 v48, $0x0  }
0x213: {  	v40 =	vsub.f32 v43, v50;
	v52 =	vld.idx.msk [tilespmem:v60+s4+$0x0], $0xffff;
	vm6 =	vlt.s32 v47, $0x0;
	v48 =	vsel vm7, v7, v48  }
0x214: {  	v59 =	vld.idx.msk [tilespmem:v61+s4+$0x0], $0xffff;
	v55 =	vshll.u32 v48, $0x3;
	v48 =	vmul.f32 $2.560000000e+03, v25;
	v18 =	vmul.f32 $1.440000000e+03, v49  }
0x215: {  	v61 =	vld.idx.msk [tilespmem:v63+s4+$0x0], $0xffff;
	vm14 =	vlt.s32 v45, $0x0;
	v60 =	vmul.f32 $1.440000000e+03, v51;
	v19 =	vmul.f32 $7.200000000e+02, v19  }
0x216: {  	v47 =	vsel vm6, v6, v47;
	v13 =	vmul.f32 $1.280000000e+03, v13;
	v43 =	vld.idx.msk [tilespmem:v58+s4+$0x0], $0xffff;
	v58 =	vmul.f32 $7.200000000e+02, v56  }
0x217: {  	v22 =	vld.idx.msk [tilespmem:v62+s4+$0x0], $0xffff;
	v45 =	vsel vm14, v8, v45;
	v20 =	vmul.f32 $1.440000000e+03, v20;
	v4 =	vmul.f32 $1.440000000e+03, v21  }
0x218: {  	v14 =	vld.idx.msk [tilespmem:v14+s4+$0x0], $0xffff;
	v25 =	vshll.u32 v45, $0x3;
	v21 =	vmul.f32 $2.560000000e+03, v53;
	v44 =	vmul.f32 $2.560000000e+03, v57  }
0x219: {  	v52 =	vmul.f32 $7.200000000e+02, v52;
	v50 =	vmul.f32 $1.280000000e+03, v59;
	v53 =	vsub.f32 v18, v19  }
0x21a: {  	v59 =	vor.u32 $0x2, v9;
	v18 =	vadd.f32 v19, v18;
	v62 =	vsub.f32 v21, v13  }
0x21b: {  	v12 =	vld.idx.msk [tilespmem:v12+s4+$0x0], $0xffff;
	v51 =	vmul.f32 $7.200000000e+02, v61;
	v13 =	vadd.f32 v13, v21;
	v19 =	vsub.f32 v60, v52  }
0x21c: {  	v11 =	vld.idx.msk [tilespmem:v11+s4+$0x0], $0xffff;
	v22 =	vmul.f32 $2.560000000e+03, v22;
	v21 =	vsub.f32 v44, v50;
	v49 =	vadd.f32 v52, v60  }
0x21d: {  	v14 =	vmul.f32 $1.280000000e+03, v14;
	v44 =	vadd.f32 v50, v44;
	v50 =	vsub.f32 v4, v51  }
0x21e: {  	v4 =	vadd.f32 v51, v4;
	v8 =	vmax.f32 v26, v53;
	v53 =	vsub.f32 v15, v58  }
0x21f: {  	v15 =	vadd.f32 v58, v15;
	v26 =	vsub.f32 v33, v26;
	v43 =	vmul.f32 $7.200000000e+02, v43  }
0x220: {  	v12 =	vmul.f32 $2.560000000e+03, v12;
	v13 =	vmin.f32 v34, v13;
	v7 =	vmax.f32 v32, v21  }
0x221: {  	v57 =	vld.idx.msk [tilespmem:v9+s4+$0x0], $0xffff;
	v32 =	vsub.f32 v37, v32;
	v11 =	vmul.f32 $1.280000000e+03, v11;
	v63 =	vsub.f32 v20, v43  }
0x222: {  	v6 =	vmax.f32 v35, v19;
	v43 =	vadd.f32 v43, v20;
	v61 =	vadd.f32 v14, v12  }
0x223: {  	v4 =	vmin.f32 v30, v4;
	v52 =	vsub.f32 v22, v11;
	v60 =	vadd.f32 v11, v22  }
0x224: {  	v54 =	vld.idx.msk [tilespmem:v3+s4+$0x0], $0xffff;
	v22 =	vsub.f32 v12, v14;
	v11 =	vmax.f32 v27, v62;
	v12 =	vmin.f32 v33, v18  }
0x225: {  	v62 =	vld.idx.msk [tilespmem:v2+s4+$0x0], $0xffff;
	v14 =	vmin.f32 v38, v49;
	v18 =	vmin.f32 v37, v44;
	v2 =	vmax.f32 v23, v50  }
0x226: {  	v50 =	vmul.f32 $1.440000000e+03, v57;
	v57 =	vadd.f32 v24, v36;
	v27 =	vsub.f32 v34, v27  }
0x227: {  	v23 =	vsub.f32 v30, v23;
	v19 =	vmax.f32 v40, v63;
	v21 =	vmin.f32 v42, v43  }
0x228: {  	vm6 =	vge.f32 v12, v8;
	vm7 =	vge.f32 v13, v11;
	vm15 =	vge.f32 v14, v6  }
0x229: {  	v63 =	vld.idx.msk [tilespmem:v10+s4+$0x0], $0xffff;
	vm12 =	vge.f32 v4, v2;
	v10 =	vor.u32 $0x3, v10;
	v40 =	vsub.f32 v42, v40  }
0x22a: {  	v43 =	vmul.f32 $2.560000000e+03, v54;
	v8 =	vsub.f32 v12, v8;
	v11 =	vsub.f32 v13, v11  }
0x22b: {  	v6 =	vsub.f32 v14, v6;
	v2 =	vsub.f32 v4, v2;
	v20 =	vmax.f32 v39, v22  }
0x22c: {  	v22 =	vmin.f32 v41, v61;
	v3 =	vmax.f32 v17, v52;
	v5 =	vmin.f32 v28, v60  }
0x22d: {  	vm9 =	vge.f32 v21, v19;
	vm10 =	vmand vm6, vm7;
	vm6 =	vge.f32 v18, v7  }
0x22e: {  	v60 =	vor.u32 $0x1, v9;
	v9 =	vor.u32 $0x3, v9;
	v61 =	vshll.u32 v46, $0x3  }
0x22f: {  	v52 =	vadd.s32 s5, v25;
	v39 =	vsub.f32 v41, v39;
	v26 =	vmul.f32 v27, v26  }
0x230: {  	v17 =	vsub.f32 v28, v17;
	vm11 =	vge.f32 v22, v20;
	vm8 =	vmand vm15, vm6  }
0x231: {  	vm6 =	vge.f32 v5, v3;
	v54 =	vsub.f32 v43, v16;
	v16 =	vadd.f32 v16, v43  }
0x232: {  	v43 =	vadd.s32 s5, v61;
	vm7 =	vmand vm9, vm11;
	vm9 =	vmand vm12, vm6  }
0x233: {  	vm6 =	vgt.s32 v0, $0xFFFFFFFF;
	v56 =	vor.u32 $0x1, v43;
	v51 =	vmul.f32 $1.440000000e+03, v62;
	v10 =	vld.idx.msk [tilespmem:v10+s4+$0x0], $0xffff  }
0x234: {  	v62 =	vshll.u32 v47, $0x3;
	v47 =	vadd.s32 s5, v55;
	v0 =	vmul.f32 $1.440000000e+03, v63;
	v63 =	vld.idx.msk [tilespmem:v59+s4+$0x0], $0xffff  }
0x235: {  	v7 =	vsub.f32 v18, v7;
	vm10 =	vmand vm0, vm10;
	v44 =	vadd.s32 s5, v62;
	v45 =	vld.idx.msk [tilespmem:v60+s4+$0x0], $0xffff  }
0x236: {  	vm15 =	vgt.s32 v1, $0xFFFFFFFF;
	v8 =	vmul.f32 v11, v8;
	v59 =	vor.u32 $0x2, v43;
	v9 =	vld.idx.msk [tilespmem:v9+s4+$0x0], $0xffff  }
0x237: {  	v3 =	vsub.f32 v5, v3;
	v55 =	vsub.f32 v36, v24;
	v60 =	vor.u32 $0x3, v43;
	v58 =	vld.idx.msk [tilespmem:v43+s4+$0x0], $0xffff  }
0x238: {  	v49 =	vsub.f32 v51, v29;
	v51 =	vadd.f32 v29, v51;
	v62 =	vor.u32 $0x1, v44;
	v42 =	vld.idx.msk [tilespmem:v56+s4+$0x0], $0xffff  }
0x239: {  	v39 =	vmul.f32 v39, v40;
	v24 =	vsub.f32 v0, v31;
	v29 =	vadd.f32 v31, v0;
	v0 =	vld.idx.msk [tilespmem:v47+s4+$0x0], $0xffff  }
0x23a: {  	v17 =	vmul.f32 v17, v23;
	vm8 =	vmand vm4, vm8;
	v56 =	vor.u32 $0x1, v47;
	v61 =	vld.idx.msk [tilespmem:v44+s4+$0x0], $0xffff  }
0x23b: {  	v6 =	vmul.f32 v7, v6;
	v10 =	vmul.f32 $1.280000000e+03, v10;
	v41 =	vld.idx.msk [tilespmem:v59+s4+$0x0], $0xffff;
	v59 =	vor.u32 $0x2, v47  }
0x23c: {  	v46 =	vmul.f32 $7.200000000e+02, v63;
	v63 =	vor.u32 $0x1, v52;
	v45 =	vmul.f32 $2.560000000e+03, v45;
	v33 =	vld.idx.msk [tilespmem:v60+s4+$0x0], $0xffff  }
0x23d: {  	v9 =	vmul.f32 $1.280000000e+03, v9;
	v60 =	vsub.f32 v38, v35;
	v35 =	vor.u32 $0x3, v47;
	v38 =	vld.idx.msk [tilespmem:v62+s4+$0x0], $0xffff  }
0x23e: {  	v25 =	vsub.f32 v48, v10;
	v36 =	vadd.f32 v10, v48;
	v10 =	vld.idx.msk [tilespmem:v52+s4+$0x0], $0xffff;
	v48 =	vor.u32 $0x2, v44  }
0x23f: {  	v44 =	vor.u32 $0x3, v44;
	v58 =	vmul.f32 $1.440000000e+03, v58;
	v47 =	vsub.f32 v45, v9;
	v56 =	vld.idx.msk [tilespmem:v56+s4+$0x0], $0xffff  }
0x240: {  	v45 =	vadd.f32 v9, v45;
	v9 =	vor.u32 $0x2, v52;
	v27 =	vmul.f32 v32, v60;
	v59 =	vld.idx.msk [tilespmem:v59+s4+$0x0], $0xffff  }
0x241: {  	v32 =	vor.u32 $0x3, v52;
	v60 =	vmul.f32 $2.560000000e+03, v42;
	v0 =	vmul.f32 $1.440000000e+03, v0;
	v37 =	vld.idx.msk [tilespmem:v63+s4+$0x0], $0xffff  }
0x242: {  	v31 =	vsub.f32 v50, v46;
	v41 =	vmul.f32 $7.200000000e+02, v41;
	v61 =	vmul.f32 $1.440000000e+03, v61;
	v35 =	vld.idx.msk [tilespmem:v35+s4+$0x0], $0xffff  }
0x243: {  	v43 =	vadd.f32 v46, v50;
	v33 =	vmul.f32 $1.280000000e+03, v33;
	v63 =	vmul.f32 $2.560000000e+03, v38;
	v48 =	vld.idx.msk [tilespmem:v48+s4+$0x0], $0xffff  }
0x244: {  	v40 =	vld.idx.msk [tilespmem:v44+s4+$0x0], $0xffff;
	v62 =	vsub.f32 v58, v41;
	v30 =	vadd.f32 v41, v58;
	v10 =	vmul.f32 $1.440000000e+03, v10  }
0x245: {  	v41 =	vsub.f32 v60, v33;
	v9 =	vld.idx.msk [tilespmem:v9+s4+$0x0], $0xffff;
	v28 =	vadd.f32 v33, v60;
	v34 =	vmul.f32 $2.560000000e+03, v56  }
0x246: {  	v32 =	vld.idx.msk [tilespmem:v32+s4+$0x0], $0xffff;
	v46 =	vmax.f32 v53, v62;
	v62 =	vsub.f32 v15, v53;
	v30 =	vmin.f32 v15, v30  }
0x247: {  	v56 =	vmul.f32 $7.200000000e+02, v59;
	v60 =	vmul.f32 $2.560000000e+03, v37;
	v41 =	vmax.f32 v54, v41  }
0x248: {  	v28 =	vmin.f32 v16, v28;
	v35 =	vmul.f32 $1.280000000e+03, v35;
	v48 =	vmul.f32 $7.200000000e+02, v48  }
0x249: {  	v52 =	vmul.f32 $1.280000000e+03, v40;
	v38 =	vsub.f32 v0, v56;
	v40 =	vadd.f32 v56, v0  }
0x24a: {  	v0 =	vimm.f32 $0.0e+00;
	v9 =	vmul.f32 $7.200000000e+02, v9;
	v50 =	vsub.f32 v34, v35  }
0x24b: {  	v34 =	vadd.f32 v35, v34;
	v32 =	vmul.f32 $1.280000000e+03, v32;
	v56 =	vsel vm5, $0x3F800000, v0  }
0x24c: {  	vm5 =	vmand vm5, vm7;
	v58 =	vsub.f32 v61, v48;
	v42 =	vadd.f32 v48, v61  }
0x24d: {  	vm7 =	vge.f32 v28, v41;
	v59 =	vsub.f32 v63, v52;
	v33 =	vadd.f32 v52, v63  }
0x24e: {  	v63 =	vsub.f32 v16, v54;
	v54 =	vsel vm0, $0x3F800000, v0;
	v23 =	vsub.f32 v10, v9  }
0x24f: {  	vm0 =	vcmask $0x3F04;
	v61 =	vadd.f32 v9, v10;
	v37 =	vsub.f32 v60, v32  }
0x250: {  	v32 =	vadd.f32 v32, v60;
	v9 =	vnsel vm10, $0x3F800000, v26;
	v10 =	vnsel vm8, $0x3F800000, v27  }
0x251: {  	vm5 =	vmand vm5, vm0;
	v26 =	vmax.f32 v24, v38;
	v27 =	vmax.f32 v25, v50  }
0x252: {  	v50 =	vmin.f32 v29, v40;
	v34 =	vmin.f32 v36, v34;
	v24 =	vsub.f32 v29, v24  }
0x253: {  	v25 =	vsub.f32 v36, v25;
	v60 =	vsub.f32 v43, v31;
	v36 =	vsel vm15, $0x3F800000, v0  }
0x254: {  	v44 =	vmax.f32 v49, v58;
	v49 =	vsub.f32 v51, v49;
	v42 =	vmin.f32 v51, v42  }
0x255: {  	v51 =	vsel vm1, $0x3F800000, v0;
	v48 =	vmax.f32 v55, v59;
	v55 =	vsub.f32 v57, v55  }
0x256: {  	v33 =	vmin.f32 v57, v33;
	(erf) = vrcp.f32 v9;
	v9 =	vsel vm4, $0x3F800000, v0  }
0x257: {  	vm4 =	vmand vm3, vm9;
	v57 =	vsel vm3, $0x3F800000, v0;
	v58 =	vsel vm2, $0x3F800000, v0  }
0x258: {  	vm3 =	vge.f32 v30, v46;
	v5 =	vsub.f32 v50, v26;
	v15 =	vnsel vm4, $0x3F800000, v17  }
0x259: {  	(erf) = vrcp.f32 v10;
	v17 =	vnsel vm5, $0x3F800000, v39;
	v39 =	vsel vm6, $0x3F800000, v0  }
0x25a: {  	v23 =	vmax.f32 v31, v23;
	v37 =	vmax.f32 v47, v37;
	v35 =	vmin.f32 v43, v61  }
0x25b: {  	vm3 =	vmand vm3, vm7;
	vm7 =	vge.f32 v42, v44;
	vm13 =	vge.f32 v33, v48  }
0x25c: {  	v32 =	vmin.f32 v45, v32;
	v61 =	vsub.f32 v45, v47;
	v18 =	vsub.f32 v42, v44  }
0x25d: {  	v11 =	vsub.f32 v33, v48;
	(erf) = vrcp.f32 v15;
	vm1 =	vmand vm1, vm3  }
0x25e: {  	vm3 =	vmand vm7, vm13;
	vm7 =	vge.f32 v34, v27;
	vm14 =	vge.f32 v35, v23  }
0x25f: {  	v59 =	vmul.f32 v55, v49;
	(erf) = vrcp.f32 v17;
	vm3 =	vmand vm2, vm3  }
0x260: {  	vm2 =	vge.f32 v50, v26;
	v17 =	vmul.f32 v63, v62;
	v62 =	vsub.f32 v21, v19  }
0x261: {  	v19 =	vsub.f32 v22, v20;
	v21 =	vmul.f32 v25, v24;
	vm2 =	vmand vm2, vm7  }
0x262: {  	v22 =	vsub.f32 v30, v46;
	vm2 =	vmand vm6, vm2;
	vm6 =	vmand vm1, vm0  }
0x263: {  	v24 =	vsub.f32 v28, v41;
	vm7 =	vge.f32 v32, v37;
	v17 =	vnsel vm6, $0x3F800000, v17  }
0x264: {  	v13 =	vmul.f32 v61, v60;
	vm7 =	vmand vm14, vm7;
	(erf) = vrcp.f32 v17  }
0x265: {  	v11 =	vmul.f32 v11, v18;
	v1 =	vnsel vm3, $0x3F800000, v59;
	vm1 =	vmand vm15, vm7  }
0x266: {  	(erf) = vrcp.f32 v1;
	v1 =	vmul.f32 v19, v62;
	v19 =	vsel vm5, $0x3F800000, v0;
	v20 =	vpop (erf)  }
0x267: {  	v13 =	vnsel vm1, $0x3F800000, v13;
	v63 =	vadd.f32 v19, v0;
	v7 =	vmul.f32 v20, v8  }
0x268: {  	v25 =	vpop (erf);
	v8 =	vnsel vm2, $0x3F800000, v21;
	v20 =	vsel vm10, $0x3F800000, v0;
	v21 =	vsel vm3, $0x3F800000, v0  }
0x269: {  	v12 =	vpop (erf);
	(erf) = vrcp.f32 v8;
	v4 =	vmul.f32 v25, v6;
	v6 =	vsel vm8, $0x3F800000, v0  }
0x26a: {  	v25 =	vimm.f32 $0.0e+00;
	v14 =	vpop (erf);
	v7 =	vnsel vm10, $0x0, v7;
	(erf) = vrcp.f32 v13  }
0x26b: {  	v1 =	vmul.f32 v14, v1;
	v13 =	vnsel vm8, $0x0, v4;
	v4 =	vsub.f32 v34, v27  }
0x26c: {  	v14 =	vmul.f32 v24, v22;
	v22 =	vsub.f32 v32, v37;
	v7 =	vadd.f32 v7, v0  }
0x26d: {  	v24 =	vimm.f32 $0.0e+00;
	v13 =	vadd.f32 v13, v0;
	v1 =	vnsel vm5, $0x0, v1;
	v18 =	vpop (erf)  }
0x26e: {  	v5 =	vmul.f32 v4, v5;
	v4 =	vadd.f32 v56, v0;
	v8 =	vmul.f32 v18, v14  }
0x26f: {  	v1 =	vadd.f32 v1, v0;
	v18 =	vsub.f32 v35, v23;
	v23 =	vmul.f32 v3, v2  }
0x270: {  	v14 =	vpop (erf);
	v10 =	vadd.f32 v51, v4;
	v4 =	vimm.f32 $0.0e+00;
	v8 =	vnsel vm6, $0x0, v8  }
0x271: {  	v11 =	vmul.f32 v14, v11;
	v14 =	vsel vm6, $0x3F800000, v0;
	v18 =	vmul.f32 v22, v18  }
0x272: {  	v22 =	vsel vm2, $0x3F800000, v0;
	v15 =	vadd.f32 v14, v63;
	v23 =	vmul.f32 v12, v23  }
0x273: {  	v12 =	vadd.f32 v54, v0;
	v11 =	vnsel vm3, $0x0, v11;
	v16 =	vadd.f32 v8, v1;
	v8 =	vpop (erf)  }
0x274: {  	v17 =	vadd.f32 v11, v7;
	v11 =	vadd.f32 v20, v0;
	v20 =	vmul.f32 v8, v5;
	v5 =	vpop (erf)  }
0x275: {  	s11 =	simm.s32 $0x0;
	s9 =	simm.s32 $0x0;
	s10 =	simm.s32 $0x40A0;
	v14 =	vadd.f32 v6, v0;
	v6 =	vimm.f32 $0.0e+00;
	v19 =	vmul.f32 v5, v18  }
.LBB2_3:
0x276: {  	_ = 	snop  }
0x277: {  	v18 =	vld [tilespmem:s10+$0x20]  }
0x278: {  	v1 =	vimm.f32 $0.0e+00;
	[tilespmem:$0x1FD60] =	vst v16;
	v0 =	vadd.f32 v21, v11;
	v16 =	vnsel vm2, $0x0, v20;
	v20 =	vld [tilespmem:s10+$0xFFFFFFF0]  }
0x279: {  	[tilespmem:$0x1FD80] =	vst v10;
	v21 =	vnsel vm4, $0x0, v23;
	v52 =	vadd.f32 v22, v14;
	v10 =	vld [tilespmem:s10+$0xFFFFFFE0];
	v51 =	vadd.f32 v16, v13  }
0x27a: {  	s11 =	sadd.s32 $0x100, s11;
	v16 =	vld [tilespmem:s10+$0x0];
	v5 =	vadd.f32 v9, v6;
	v8 =	vadd.f32 v21, v4;
	v9 =	vsel vm4, $0x3F800000, v1  }
0x27b: {  	[tilespmem:$0x1FD70] =	vst v15;
	v15 =	vmov s11;
	v6 =	vadd.f32 v9, v24;
	v9 =	vnsel vm1, $0x0, v19  }
0x27c: {  	v7 =	vadd.f32 v57, v25;
	vm2 =	vgt.s32 v18, $0x0;
	v54 =	vadd.f32 v9, v8  }
0x27d: {  	[tilespmem:$0x1FDA0] =	vst v17;
	v9 =	vsel vm1, $0x3F800000, v1;
	vm1 =	vgt.s32 v20, $0x0;
	v17 =	vnsel vm2, $0x0, v18  }
0x27e: {  	s6 =	sadd.s32 $0x80, s6;
	s12 =	sadd.s32 $0x80, s11;
	v21 =	vld [tilespmem:s10+$0x10];
	vm2 =	vgt.s32 v10, $0x0;
	v55 =	vadd.f32 v9, v6;
	v9 =	vor.u32 $0x1, v15  }
0x27f: {  	s13 =	sor.u32 $0x50, s6;
	v15 =	vmov s12;
	vm3 =	vgt.s32 v16, $0x0;
	v19 =	vnsel vm1, $0x0, v20  }
0x280: {  	s5 =	sadd.s32 $0x400, s5;
	v25 =	vld [tilespmem:s13+$0x4000];
	v22 =	vshll.u32 v17, $0x3;
	v29 =	vnsel vm2, $0x0, v10;
	v15 =	vor.u32 $0x1, v15  }
0x281: {  	v23 =	vshll.u32 v19, $0x3;
	v24 =	vnsel vm3, $0x0, v16;
	v22 =	vadd.s32 s5, v22  }
0x282: {  	s28 =	sadd.s32 $0xFFFFFE00, s5;
	v32 =	vshll.u32 v29, $0x3;
	v9 =	vbroadcast v9, $0x0;
	v29 =	vshll.u32 v29, $0x1  }
0x283: {  	vm4 =	vgt.s32 v21, $0x0;
	v23 =	vadd.s32 s28, v23;
	v26 =	vshll.u32 v24, $0x3  }
0x284: {  	s29 =	sor.u32 $0x60, s6;
	v33 =	vbroadcast v15, $0x0;
	v32 =	vadd.s32 s28, v32;
	v15 =	vshll.u32 v17, $0x1  }
0x285: {  	s30 =	sor.u32 $0x70, s6;
	v28 =	vld [tilespmem:s29+$0x4000];
	v17 =	vshll.u32 v19, $0x1;
	vm1 =	vgt.s32 v25, $0x0;
	v26 =	vadd.s32 s28, v26  }
0x286: {  	v31 =	vld [tilespmem:s30+$0x4000];
	v19 =	vshll.u32 v24, $0x1;
	vm8 =	vgt.s32 v25, $0xFFFFFFFF;
	v17 =	vadd.s32 v17, v9  }
0x287: {  	v27 =	vnsel vm4, $0x0, v21;
	v19 =	vadd.s32 v19, v9;
	v37 =	vnsel vm1, $0x0, v25;
	v34 =	vld.idx.msk [tilespmem:v22+s4+$0x0], $0xffff  }
0x288: {  	v25 =	vor.u32 $0x1, v32;
	v30 =	vshll.u32 v27, $0x3;
	v27 =	vshll.u32 v27, $0x1;
	v35 =	vld.idx.msk [tilespmem:v23+s4+$0x0], $0xffff  }
0x289: {  	[tilespmem:$0x1FCF0] =	vst v55;
	v55 =	vor.u32 $0x2, v32;
	v27 =	vadd.s32 v27, v9;
	v9 =	vadd.s32 v29, v9;
	v29 =	vld.idx.msk [tilespmem:v32+s4+$0x0], $0xffff  }
0x28a: {  	v15 =	vadd.s32 v15, v33;
	v24 =	vld.idx.msk [tilespmem:v26+s4+$0x0], $0xffff  }
0x28b: {  	[tilespmem:$0x1FDB0] =	vst v54;
	vm4 =	vgt.s32 v16, $0xFFFFFFFF;
	v16 =	vor.u32 $0x2, v26;
	v54 =	vld.idx.msk [tilespmem:v17+s7+$0x0], $0xffff  }
0x28c: {  	[tilespmem:$0x1FE20] =	vst v52;
	v53 =	vadd.f32 v39, v5;
	v30 =	vadd.s32 s28, v30;
	v52 =	vld.idx.msk [tilespmem:v19+s7+$0x0], $0xffff  }
0x28d: {  	vm2 =	vgt.s32 v28, $0x0;
	vm0 =	vgt.s32 v31, $0xFFFFFFFF;
	vm3 =	vgt.s32 v31, $0x0;
	v25 =	vld.idx.msk [tilespmem:v25+s4+$0x0], $0xffff  }
0x28e: {  	[tilespmem:$0x1FDE0] =	vst v0;
	v40 =	vnsel vm3, $0x0, v31;
	v38 =	vshll.u32 v37, $0x3;
	v37 =	vshll.u32 v37, $0x1;
	v31 =	vld.idx.msk [tilespmem:v55+s4+$0x0], $0xffff  }
0x28f: {  	v0 =	vimm.f32 $0.0e+00;
	[tilespmem:$0x1FDD0] =	vst v53;
	v39 =	vnsel vm2, $0x0, v28;
	v37 =	vadd.s32 v37, v33;
	v53 =	vld.idx.msk [tilespmem:v15+s7+$0x0], $0xffff  }
0x290: {  	vm5 =	vgt.s32 v21, $0xFFFFFFFF;
	vm1 =	vgt.s32 v28, $0xFFFFFFFF;
	v38 =	vadd.s32 s5, v38;
	v28 =	vld.idx.msk [tilespmem:v16+s4+$0x0], $0xffff  }
0x291: {  	v56 =	vadd.f32 v36, v7;
	v61 =	vsel vm5, $0x3F800000, v0;
	v48 =	vor.u32 $0x2, v30;
	v36 =	vld.idx.msk [tilespmem:v30+s4+$0x0], $0xffff  }
0x292: {  	v50 =	vadd.f32 v58, v12;
	[tilespmem:$0x1FD10] =	vst v61;
	v61 =	vor.u32 $0x2, v38;
	v5 =	vld.idx.msk [tilespmem:v27+s7+$0x0], $0xffff  }
0x293: {  	[tilespmem:$0x1FE10] =	vst v51;
	v32 =	vor.u32 $0x3, v32;
	v17 =	vor.u32 $0x3, v22;
	v15 =	vshll.u32 v39, $0x3;
	v51 =	vld.idx.msk [tilespmem:v9+s7+$0x0], $0xffff  }
0x294: {  	[tilespmem:$0x1FD30] =	vst v56;
	v19 =	vor.u32 $0x1, v23;
	v41 =	vadd.s32 s5, v15;
	v15 =	vshll.u32 v40, $0x3;
	v56 =	vld.idx.msk [tilespmem:v37+s7+$0x0], $0xffff  }
0x295: {  	v9 =	vor.u32 $0x2, v22;
	v42 =	vadd.s32 s5, v15;
	v15 =	vor.u32 $0x1, v22;
	v22 =	vld.idx.msk [tilespmem:v38+s4+$0x0], $0xffff  }
0x296: {  	vm6 =	vgt.s32 v18, $0xFFFFFFFF;
	v43 =	vor.u32 $0x2, v23;
	v23 =	vor.u32 $0x3, v23;
	v48 =	vld.idx.msk [tilespmem:v48+s4+$0x0], $0xffff  }
0x297: {  	v62 =	vimm.s32 $0x0;
	vm7 =	vgt.s32 v10, $0xFFFFFFFF;
	v57 =	vsel vm6, $0x3F800000, v0;
	v61 =	vld.idx.msk [tilespmem:v61+s4+$0x0], $0xffff  }
0x298: {  	[tilespmem:$0x1FDF0] =	vst v50;
	v50 =	vimm.s32 $0x0;
	vm3 =	vgt.s32 v20, $0xFFFFFFFF;
	v39 =	vshll.u32 v39, $0x1;
	v32 =	vld.idx.msk [tilespmem:v32+s4+$0x0], $0xffff  }
0x299: {  	v58 =	vsel vm7, $0x3F800000, v0;
	v59 =	vsel vm3, $0x3F800000, v0;
	v39 =	vadd.s32 v39, v33;
	v21 =	vld.idx.msk [tilespmem:v17+s4+$0x0], $0xffff  }
0x29a: {  	v63 =	vsel vm8, $0x3F800000, v0;
	v60 =	vsel vm4, $0x3F800000, v0;
	v1 =	vsel vm1, $0xFFFFFFFF, v62;
	v47 =	vld.idx.msk [tilespmem:v19+s4+$0x0], $0xffff  }
0x29b: {  	v62 =	vsel vm1, $0x3F800000, v0;
	v0 =	vsel vm0, $0x3F800000, v0;
	[tilespmem:$0x1FE30] =	vst v60;
	v40 =	vshll.u32 v40, $0x1;
	v23 =	vld.idx.msk [tilespmem:v23+s4+$0x0], $0xffff  }
0x29c: {  	[tilespmem:$0x1FD40] =	vst v1;
	v1 =	vsel vm0, $0xFFFFFFFF, v50;
	v60 =	vor.u32 $0x1, v38;
	v33 =	vadd.s32 v40, v33;
	v27 =	vld.idx.msk [tilespmem:v41+s4+$0x0], $0xffff  }
0x29d: {  	[tilespmem:$0x1FDC0] =	vst v57;
	v34 =	vmul.f32 $1.440000000e+03, v34;
	v38 =	vor.u32 $0x3, v38;
	v40 =	vor.u32 $0x1, v41;
	v46 =	vld.idx.msk [tilespmem:v9+s4+$0x0], $0xffff  }
0x29e: {  	[tilespmem:$0x1FD00] =	vst v63;
	v35 =	vmul.f32 $1.440000000e+03, v35;
	v63 =	vmul.f32 $1.440000000e+03, v29;
	v29 =	vor.u32 $0x3, v41;
	v57 =	vld.idx.msk [tilespmem:v39+s7+$0x0], $0xffff  }
0x29f: {  	s31 =	sadd.s32 $0xFFFFFFC0, s6;
	[tilespmem:$0x1FCB0] =	vst v62;
	v17 =	vor.u32 $0x3, v26;
	v62 =	vmul.f32 $1.440000000e+03, v24;
	v24 =	vor.u32 $0x2, v41;
	v44 =	vld.idx.msk [tilespmem:v42+s4+$0x0], $0xffff  }
0x2a0: {  	v2 =	vadd.s32 s31, v52;
	v7 =	vmul.f32 $2.560000000e+03, v25;
	v10 =	vmul.f32 $7.200000000e+02, v31;
	v45 =	vld.idx.msk [tilespmem:v15+s4+$0x0], $0xffff  }
0x2a1: {  	v3 =	vmul.f32 $7.200000000e+02, v28;
	v39 =	vor.u32 $0x2, v42;
	v15 =	vor.u32 $0x1, v26;
	v26 =	vld.idx.msk [tilespmem:v43+s4+$0x0], $0xffff  }
0x2a2: {  	v36 =	vmul.f32 $1.440000000e+03, v36;
	v6 =	vadd.s32 s31, v51;
	v43 =	vor.u32 $0x1, v30;
	v11 =	vld.idx.msk [tilespmem:v33+s7+$0x0], $0xffff  }
0x2a3: {  	v30 =	vor.u32 $0x3, v30;
	v37 =	vmul.f32 $1.440000000e+03, v22;
	v4 =	vld.idx.msk [tilespmem:v38+s4+$0x0], $0xffff;
	v48 =	vmul.f32 $7.200000000e+02, v48  }
0x2a4: {  	[tilespmem:$0x1FE00] =	vst v59;
	v33 =	vor.u32 $0x3, v42;
	v61 =	vmul.f32 $7.200000000e+02, v61;
	v32 =	vmul.f32 $1.280000000e+03, v32;
	v59 =	vld.idx.msk [tilespmem:v17+s4+$0x0], $0xffff  }
0x2a5: {  	[tilespmem:$0x1FD50] =	vst v1;
	v21 =	vmul.f32 $1.280000000e+03, v21;
	v9 =	vld.idx.msk [tilespmem:v24+s4+$0x0], $0xffff;
	v17 =	vadd.s32 s6, v56;
	v1 =	vmul.f32 $1.440000000e+03, v27  }
0x2a6: {  	[tilespmem:$0x1FC90] =	vst v0;
	v27 =	vor.u32 $0x1, v42;
	v42 =	vmul.f32 $2.560000000e+03, v47;
	v0 =	vld.idx.msk [tilespmem:v39+s4+$0x0], $0xffff;
	v41 =	vmul.f32 $2.560000000e+03, v45  }
0x2a7: {  	v12 =	vsub.f32 v36, v48;
	v6 =	vld.idx.msk [tilespmem:v6+s8+$0x0], $0xffff;
	v55 =	vmul.f32 $1.440000000e+03, v44;
	v44 =	vmul.f32 $7.200000000e+02, v46  }
0x2a8: {  	v47 =	vadd.s32 s31, v54;
	v39 =	vadd.s32 s6, v57;
	v49 =	vld.idx.msk [tilespmem:v15+s4+$0x0], $0xffff;
	v26 =	vmul.f32 $7.200000000e+02, v26  }
0x2a9: {  	v46 =	vld.idx.msk [tilespmem:v60+s4+$0x0], $0xffff;
	v60 =	vmul.f32 $1.280000000e+03, v23;
	v50 =	vsub.f32 v34, v44;
	v22 =	vsub.f32 v41, v21  }
0x2aa: {  	[tilespmem:$0x1FD90] =	vst v58;
	v43 =	vld.idx.msk [tilespmem:v43+s4+$0x0], $0xffff;
	v45 =	vadd.s32 s6, v53;
	v34 =	vadd.f32 v44, v34;
	v14 =	vadd.f32 v21, v41  }
0x2ab: {  	v30 =	vld.idx.msk [tilespmem:v30+s4+$0x0], $0xffff;
	v23 =	vmovc v5;
	v5 =	vadd.s32 s31, v5;
	v58 =	vsub.f32 v35, v26;
	v13 =	vsub.f32 v42, v60  }
0x2ac: {  	v15 =	vld.idx.msk [tilespmem:v29+s4+$0x0], $0xffff;
	v4 =	vmul.f32 $1.280000000e+03, v4;
	v38 =	vadd.f32 v26, v35;
	v25 =	vadd.f32 v60, v42  }
0x2ad: {  	v60 =	vld.idx.msk [tilespmem:v33+s4+$0x0], $0xffff;
	v33 =	vsub.f32 v62, v3;
	v41 =	vadd.f32 v3, v62;
	v9 =	vmul.f32 $7.200000000e+02, v9  }
0x2ae: {  	v40 =	vld.idx.msk [tilespmem:v40+s4+$0x0], $0xffff;
	v59 =	vmul.f32 $1.280000000e+03, v59;
	v3 =	vadd.f32 v48, v36;
	v48 =	vadd.f32 v10, v63  }
0x2af: {  	v42 =	vadd.s32 s6, v11;
	v26 =	vld.idx.msk [tilespmem:v47+s8+$0x0], $0xffff;
	v47 =	vadd.f32 v32, v7;
	v62 =	vsub.f32 v1, v9  }
0x2b0: {  	v16 =	vld.idx.msk [tilespmem:v27+s4+$0x0], $0xffff;
	vm11 =	vlt.s32 v6, $0x0;
	v49 =	vmul.f32 $2.560000000e+03, v49;
	v43 =	vmul.f32 $2.560000000e+03, v43  }
0x2b1: {  	v8 =	vmul.f32 $1.280000000e+03, v30;
	v21 =	vld.idx.msk [tilespmem:v45+s8+$0x0], $0xffff;
	v45 =	vmul.f32 $2.560000000e+03, v46;
	v46 =	vsub.f32 v7, v32  }
0x2b2: {  	v7 =	vld.idx.msk [tilespmem:v17+s8+$0x0], $0xffff;
	v15 =	vmul.f32 $1.280000000e+03, v15;
	v17 =	vadd.f32 v9, v1;
	v35 =	vsub.f32 v49, v59  }
0x2b3: {  	v5 =	vld.idx.msk [tilespmem:v5+s8+$0x0], $0xffff;
	v6 =	vsel vm11, v51, v6;
	v44 =	vadd.f32 v59, v49;
	v20 =	vsub.f32 v43, v8  }
0x2b4: {  	v6 =	vshll.u32 v6, $0x3;
	v59 =	vld.idx.msk [tilespmem:v2+s8+$0x0], $0xffff;
	v2 =	vadd.f32 v8, v43;
	v49 =	vsub.f32 v63, v10  }
0x2b5: {  	v8 =	vmul.f32 $2.560000000e+03, v40;
	v28 =	vsub.f32 v45, v4;
	v29 =	vadd.f32 v4, v45  }
0x2b6: {  	v10 =	vld.idx.msk [tilespmem:v39+s8+$0x0], $0xffff;
	v63 =	vmul.f32 $1.280000000e+03, v60;
	v6 =	vadd.s32 s28, v6;
	v16 =	vmul.f32 $2.560000000e+03, v16  }
0x2b7: {  	v24 =	vsub.f32 v8, v15;
	v18 =	vadd.f32 v15, v8;
	vm9 =	vlt.s32 v26, $0x0  }
0x2b8: {  	vm10 =	vlt.s32 v21, $0x0;
	vm13 =	vlt.s32 v5, $0x0;
	v9 =	vsel vm9, v54, v26  }
0x2b9: {  	v8 =	vsel vm10, v53, v21;
	vm10 =	vlt.s32 v7, $0x0;
	v9 =	vshll.u32 v9, $0x3  }
0x2ba: {  	v5 =	vsel vm13, v23, v5;
	v54 =	vadd.f32 v63, v16;
	vm12 =	vlt.s32 v59, $0x0  }
0x2bb: {  	vm14 =	vlt.s32 v10, $0x0;
	v8 =	vshll.u32 v8, $0x3;
	v9 =	vadd.s32 s28, v9  }
0x2bc: {  	v5 =	vshll.u32 v5, $0x3;
	v7 =	vsel vm10, v56, v7;
	v15 =	vsel vm12, v52, v59  }
0x2bd: {  	[tilespmem:$0x1FC10] =	vst v14;
	v4 =	vld.idx.msk [tilespmem:v42+s8+$0x0], $0xffff;
	v8 =	vadd.s32 s5, v8;
	v5 =	vadd.s32 s28, v5;
	v7 =	vshll.u32 v7, $0x3  }
0x2be: {  	v39 =	vmovc v50;
	v10 =	vsel vm14, v57, v10;
	v52 =	vsub.f32 v16, v63;
	v16 =	vsub.f32 v34, v50  }
0x2bf: {  	[tilespmem:$0x1FC40] =	vst v2;
	v43 =	vmovc v38;
	v50 =	vsub.f32 v14, v22;
	v57 =	vsub.f32 v38, v58;
	v60 =	vor.u32 $0x1, v9  }
0x2c0: {  	v63 =	vld.idx.msk [tilespmem:v6+s4+$0x0], $0xffff;
	v14 =	vsub.f32 v3, v12;
	v38 =	vmovc v12;
	v12 =	vsub.f32 v2, v20;
	v2 =	vor.u32 $0x3, v9  }
0x2c1: {  	v7 =	vadd.s32 s5, v7;
	v23 =	vld.idx.msk [tilespmem:v9+s4+$0x0], $0xffff  }
0x2c2: {  	v19 =	vsub.f32 v37, v61;
	v1 =	vor.u32 $0x1, v8;
	v32 =	vld.idx.msk [tilespmem:v8+s4+$0x0], $0xffff  }
0x2c3: {  	vm15 =	vlt.s32 v4, $0x0;
	v15 =	vshll.u32 v15, $0x3;
	v56 =	vor.u32 $0x2, v8;
	v21 =	vld.idx.msk [tilespmem:v5+s4+$0x0], $0xffff  }
0x2c4: {  	[tilespmem:$0x1FC50] =	vst v19;
	v4 =	vsel vm15, v11, v4;
	v10 =	vshll.u32 v10, $0x3;
	v15 =	vadd.s32 s28, v15;
	v60 =	vld.idx.msk [tilespmem:v60+s4+$0x0], $0xffff  }
0x2c5: {  	v0 =	vmul.f32 $7.200000000e+02, v0;
	[tilespmem:$0x1FC20] =	vst v20;
	v4 =	vshll.u32 v4, $0x3;
	v10 =	vadd.s32 s5, v10;
	v20 =	vld.idx.msk [tilespmem:v2+s4+$0x0], $0xffff  }
0x2c6: {  	[tilespmem:$0x1FC00] =	vst v34;
	v30 =	vadd.f32 v61, v37;
	v11 =	vadd.s32 s5, v4;
	v59 =	vld.idx.msk [tilespmem:v7+s4+$0x0], $0xffff  }
0x2c7: {  	[tilespmem:$0x1FC30] =	vst v3;
	v45 =	vsub.f32 v55, v0;
	v4 =	vor.u32 $0x2, v15;
	v27 =	vld.idx.msk [tilespmem:v1+s4+$0x0], $0xffff  }
0x2c8: {  	v37 =	vmovc v13;
	v51 =	vsub.f32 v48, v49;
	v3 =	vsub.f32 v30, v19;
	v8 =	vor.u32 $0x3, v8;
	v19 =	vld.idx.msk [tilespmem:v56+s4+$0x0], $0xffff  }
0x2c9: {  	v42 =	vmovc v25;
	v53 =	vadd.f32 v0, v55;
	v55 =	vsub.f32 v47, v46;
	v0 =	vor.u32 $0x2, v9;
	v26 =	vld.idx.msk [tilespmem:v15+s4+$0x0], $0xffff  }
0x2ca: {  	v34 =	vmovc v58;
	v58 =	vsub.f32 v25, v13;
	v2 =	vor.u32 $0x1, v11;
	v1 =	vsub.f32 v29, v28;
	v25 =	vld.idx.msk [tilespmem:v10+s4+$0x0], $0xffff  }
0x2cb: {  	v61 =	vsub.f32 v41, v33;
	[tilespmem:$0x1FC80] =	vst v29;
	v13 =	vsub.f32 v44, v35;
	v29 =	vor.u32 $0x2, v5;
	v31 =	vld.idx.msk [tilespmem:v11+s4+$0x0], $0xffff  }
0x2cc: {  	v51 =	vmul.f32 v55, v51;
	v55 =	vmul.f32 v1, v3;
	v1 =	vor.u32 $0x1, v6;
	v4 =	vld.idx.msk [tilespmem:v4+s4+$0x0], $0xffff  }
0x2cd: {  	[tilespmem:$0x1FCD0] =	vst v17;
	v56 =	vsub.f32 v17, v62;
	v3 =	vor.u32 $0x2, v6;
	v6 =	vor.u32 $0x3, v6;
	v17 =	vld.idx.msk [tilespmem:v8+s4+$0x0], $0xffff  }
0x2ce: {  	v8 =	vmul.f32 v50, v16;
	v16 =	vld.idx.msk [tilespmem:v0+s4+$0x0], $0xffff;
	v50 =	vmul.f32 v13, v61;
	v13 =	vor.u32 $0x1, v5  }
0x2cf: {  	v58 =	vmul.f32 v58, v57;
	v57 =	vmul.f32 v12, v14;
	v5 =	vor.u32 $0x3, v5;
	v2 =	vld.idx.msk [tilespmem:v2+s4+$0x0], $0xffff  }
0x2d0: {  	[tilespmem:$0x1FC70] =	vst v30;
	v12 =	vmul.f32 $1.440000000e+03, v32;
	v32 =	vor.u32 $0x2, v11;
	v11 =	vor.u32 $0x3, v11;
	v61 =	vld.idx.msk [tilespmem:v29+s4+$0x0], $0xffff  }
0x2d1: {  	v40 =	vmovc v22;
	[tilespmem:$0x1FCC0] =	vst v24;
	v22 =	vmul.f32 $1.440000000e+03, v23;
	v23 =	vmul.f32 $1.440000000e+03, v26;
	v26 =	vor.u32 $0x2, v7;
	v1 =	vld.idx.msk [tilespmem:v1+s4+$0x0], $0xffff  }
0x2d2: {  	v30 =	vsub.f32 v18, v24;
	v24 =	vor.u32 $0x2, v10;
	[tilespmem:$0x1FD20] =	vst v8;
	v8 =	vor.u32 $0x1, v10;
	v6 =	vld.idx.msk [tilespmem:v6+s4+$0x0], $0xffff  }
0x2d3: {  	v63 =	vmul.f32 $1.440000000e+03, v63;
	v21 =	vmul.f32 $1.440000000e+03, v21;
	v10 =	vor.u32 $0x3, v10;
	v13 =	vld.idx.msk [tilespmem:v13+s4+$0x0], $0xffff  }
0x2d4: {  	v14 =	vor.u32 $0x1, v7;
	v60 =	vmul.f32 $2.560000000e+03, v60;
	v20 =	vmul.f32 $1.280000000e+03, v20;
	v5 =	vld.idx.msk [tilespmem:v5+s4+$0x0], $0xffff  }
0x2d5: {  	v9 =	vor.u32 $0x1, v15;
	v59 =	vmul.f32 $1.440000000e+03, v59;
	v19 =	vmul.f32 $7.200000000e+02, v19;
	v11 =	vld.idx.msk [tilespmem:v11+s4+$0x0], $0xffff  }
0x2d6: {  	[tilespmem:$0x1FCE0] =	vst v18;
	v15 =	vor.u32 $0x3, v15;
	v18 =	vmul.f32 $2.560000000e+03, v27;
	v16 =	vmul.f32 $7.200000000e+02, v16;
	v26 =	vld.idx.msk [tilespmem:v26+s4+$0x0], $0xffff  }
0x2d7: {  	v7 =	vor.u32 $0x3, v7;
	v4 =	vmul.f32 $7.200000000e+02, v4;
	v29 =	vsub.f32 v12, v19;
	v8 =	vld.idx.msk [tilespmem:v8+s4+$0x0], $0xffff  }
0x2d8: {  	v12 =	vadd.f32 v19, v12;
	v2 =	vmul.f32 $2.560000000e+03, v2;
	v19 =	vsub.f32 v22, v16;
	v10 =	vld.idx.msk [tilespmem:v10+s4+$0x0], $0xffff  }
0x2d9: {  	v0 =	vld.idx.msk [tilespmem:v32+s4+$0x0], $0xffff;
	v16 =	vadd.f32 v16, v22;
	v1 =	vmul.f32 $2.560000000e+03, v1;
	v6 =	vmul.f32 $1.280000000e+03, v6  }
0x2da: {  	v22 =	vld.idx.msk [tilespmem:v24+s4+$0x0], $0xffff;
	v24 =	vsub.f32 v23, v4;
	v13 =	vmul.f32 $2.560000000e+03, v13;
	v5 =	vmul.f32 $1.280000000e+03, v5  }
0x2db: {  	v4 =	vadd.f32 v4, v23;
	v11 =	vmul.f32 $1.280000000e+03, v11;
	v23 =	vmul.f32 $7.200000000e+02, v26  }
0x2dc: {  	v26 =	vsub.f32 v13, v5;
	v5 =	vadd.f32 v5, v13;
	v8 =	vmul.f32 $2.560000000e+03, v8  }
0x2dd: {  	v9 =	vld.idx.msk [tilespmem:v9+s4+$0x0], $0xffff;
	v13 =	vsub.f32 v1, v6;
	v1 =	vadd.f32 v6, v1;
	v10 =	vmul.f32 $1.280000000e+03, v10  }
0x2de: {  	v15 =	vld.idx.msk [tilespmem:v15+s4+$0x0], $0xffff;
	v6 =	vsub.f32 v59, v23;
	v23 =	vadd.f32 v23, v59;
	v59 =	vmul.f32 $7.200000000e+02, v0  }
0x2df: {  	v3 =	vld.idx.msk [tilespmem:v3+s4+$0x0], $0xffff;
	v0 =	vsub.f32 v8, v10;
	v10 =	vadd.f32 v10, v8;
	v8 =	vmul.f32 v30, v56  }
0x2e0: {  	v30 =	vsub.f32 v2, v11;
	v2 =	vadd.f32 v11, v2;
	v11 =	vmax.f32 v34, v19;
	v19 =	vld [tilespmem:$0x1FC00]  }
0x2e1: {  	v14 =	vld.idx.msk [tilespmem:v14+s4+$0x0], $0xffff;
	v25 =	vmul.f32 $1.440000000e+03, v25;
	v17 =	vmul.f32 $1.280000000e+03, v17  }
0x2e2: {  	v27 =	vmul.f32 $1.440000000e+03, v31;
	v9 =	vmul.f32 $2.560000000e+03, v9  }
0x2e3: {  	[tilespmem:$0x1FC60] =	vst v28;
	v15 =	vmul.f32 $1.280000000e+03, v15;
	v28 =	vsub.f32 v18, v17;
	v17 =	vadd.f32 v17, v18  }
0x2e4: {  	v61 =	vmul.f32 $7.200000000e+02, v61;
	v7 =	vld.idx.msk [tilespmem:v7+s4+$0x0], $0xffff;
	v18 =	vsub.f32 v60, v20;
	v20 =	vadd.f32 v20, v60  }
0x2e5: {  	v3 =	vmul.f32 $7.200000000e+02, v3;
	v60 =	vsub.f32 v9, v15;
	v12 =	vmin.f32 v19, v12;
	v19 =	vld [tilespmem:$0x1FC10]  }
0x2e6: {  	v14 =	vmul.f32 $2.560000000e+03, v14;
	v9 =	vadd.f32 v15, v9;
	v15 =	vsub.f32 v21, v61  }
0x2e7: {  	v29 =	vmax.f32 v39, v29;
	v21 =	vadd.f32 v61, v21;
	v61 =	vsub.f32 v63, v3  }
0x2e8: {  	v28 =	vmax.f32 v40, v28;
	v18 =	vmax.f32 v37, v18;
	v16 =	vmin.f32 v43, v16;
	v40 =	vld [tilespmem:$0x1FC40]  }
0x2e9: {  	v4 =	vmin.f32 v41, v4;
	v3 =	vadd.f32 v3, v63;
	v31 =	vmax.f32 v49, v61;
	v61 =	vld [tilespmem:$0x1FC30]  }
0x2ea: {  	v15 =	vmax.f32 v38, v15;
	v7 =	vmul.f32 $1.280000000e+03, v7;
	v56 =	vld [tilespmem:$0x1FC20];
	v17 =	vmin.f32 v19, v17  }
0x2eb: {  	v3 =	vmin.f32 v48, v3;
	v38 =	vsub.f32 v17, v28;
	vm10 =	vge.f32 v17, v28;
	v17 =	vld [tilespmem:$0x1FC70]  }
0x2ec: {  	v9 =	vmin.f32 v44, v9;
	v22 =	vmul.f32 $7.200000000e+02, v22;
	vm1 =	vge.f32 v3, v31  }
0x2ed: {  	v63 =	vsub.f32 v14, v7;
	v34 =	vsub.f32 v12, v29;
	vm9 =	vge.f32 v12, v29;
	v12 =	vld [tilespmem:$0x1FC50]  }
0x2ee: {  	v7 =	vadd.f32 v7, v14;
	v14 =	vsub.f32 v25, v22;
	v13 =	vmax.f32 v46, v13  }
0x2ef: {  	v1 =	vmin.f32 v47, v1;
	v5 =	vmin.f32 v40, v5;
	vm11 =	vge.f32 v16, v11  }
0x2f0: {  	v21 =	vmin.f32 v61, v21;
	v26 =	vmax.f32 v56, v26;
	v17 =	vmin.f32 v17, v23;
	v23 =	vld [tilespmem:$0x1FC80]  }
0x2f1: {  	vm0 =	vge.f32 v1, v13;
	vm15 =	vge.f32 v21, v15;
	vm2 =	vge.f32 v5, v26  }
0x2f2: {  	v36 =	vmovc v33;
	vm0 =	vmand vm1, vm0;
	vm2 =	vmand vm15, vm2;
	v6 =	vmax.f32 v12, v6;
	v12 =	vld [tilespmem:$0x1FC60]  }
0x2f3: {  	v19 =	vmin.f32 v42, v20;
	v20 =	vmax.f32 v36, v24;
	v24 =	vmax.f32 v35, v60  }
0x2f4: {  	[tilespmem:$0x1FCA0] =	vst v62;
	v35 =	vsub.f32 v3, v31;
	v60 =	vsub.f32 v4, v20;
	vm12 =	vge.f32 v19, v18  }
0x2f5: {  	vm13 =	vge.f32 v4, v20;
	vm14 =	vge.f32 v9, v24;
	v7 =	vmin.f32 v23, v7;
	v23 =	vld [tilespmem:$0x1FCA0]  }
0x2f6: {  	vm10 =	vmand vm9, vm10;
	vm9 =	vmand vm11, vm12;
	vm1 =	vmand vm13, vm14  }
0x2f7: {  	vm9 =	vmand vm3, vm9;
	vm3 =	vmand vm4, vm1;
	v12 =	vmax.f32 v12, v63  }
0x2f8: {  	v3 =	vsub.f32 v17, v6;
	vm11 =	vge.f32 v17, v6;
	v6 =	vnsel vm9, $0x3F800000, v58  }
0x2f9: {  	vm4 =	vmand vm5, vm2;
	(erf) = vrcp.f32 v6;
	v4 =	vsub.f32 v7, v12  }
0x2fa: {  	vm12 =	vge.f32 v7, v12;
	v7 =	vnsel vm3, $0x3F800000, v50;
	v14 =	vmax.f32 v23, v14;
	v23 =	vld [tilespmem:$0x1FCC0]  }
0x2fb: {  	v6 =	vnsel vm4, $0x3F800000, v57;
	(erf) = vrcp.f32 v7  }
0x2fc: {  	(erf) = vrcp.f32 v6;
	v6 =	vld [tilespmem:$0x1FD20];
	_ =	sdelay $0x1  }
0x2fd: {  	vm0 =	vmand vm7, vm0;
	vm1 =	vcmask $0x3F04  }
0x2fe: {  	vm6 =	vmand vm6, vm10;
	vm7 =	vmand vm0, vm1;
	v0 =	vmax.f32 v23, v0;
	v23 =	vld [tilespmem:$0x1FCD0]  }
0x2ff: {  	vm5 =	vmand vm6, vm1;
	vm14 =	vmand vm11, vm12;
	v7 =	vnsel vm7, $0x3F800000, v51  }
0x300: {  	vm6 =	vmand vm8, vm14;
	(erf) = vrcp.f32 v7;
	v6 =	vnsel vm5, $0x3F800000, v6  }
0x301: {  	v22 =	vadd.f32 v22, v25;
	v7 =	vnsel vm6, $0x3F800000, v55;
	(erf) = vrcp.f32 v6  }
0x302: {  	(erf) = vrcp.f32 v7;
	v7 =	vld [tilespmem:$0x1FD40]  }
0x303: {  	v33 =	vsub.f32 v53, v45;
	v62 =	vsub.f32 v54, v52;
	v22 =	vmin.f32 v23, v22;
	v23 =	vld [tilespmem:$0x1FCE0]  }
0x304: {  	v41 =	vsub.f32 v1, v13;
	v44 =	vsub.f32 v16, v11  }
0x305: {  	v25 =	vsub.f32 v27, v59;
	v27 =	vadd.f32 v59, v27  }
0x306: {  	v59 =	vmul.f32 v62, v33;
	v2 =	vmin.f32 v54, v2;
	v43 =	vsub.f32 v5, v26  }
0x307: {  	v27 =	vmin.f32 v53, v27;
	v42 =	vsub.f32 v21, v15;
	v62 =	vsub.f32 v9, v24;
	v12 =	vld [tilespmem:$0x1FD50]  }
0x308: {  	vm2 =	vnez.u8 v7;
	vm0 =	vge.f32 v22, v14;
	v10 =	vmin.f32 v23, v10  }
0x309: {  	v23 =	vmax.f32 v45, v25;
	v25 =	vmax.f32 v52, v30;
	v45 =	vsub.f32 v22, v14  }
0x30a: {  	v5 =	vsub.f32 v10, v0;
	v11 =	vsub.f32 v2, v25;
	vm1 =	vge.f32 v10, v0  }
0x30b: {  	v39 =	vld [tilespmem:$0x1FCB0];
	vm15 =	vge.f32 v27, v23;
	vm0 =	vmand vm0, vm1;
	vm1 =	vge.f32 v2, v25  }
0x30c: {  	v56 =	vld [tilespmem:$0x1FDF0];
	vm2 =	vmand vm2, vm0;
	vm0 =	vmand vm15, vm1;
	vm1 =	vnez.u8 v12;
	v12 =	vpop (erf)  }
0x30d: {  	v36 =	vld [tilespmem:$0x1FC90];
	v51 =	vmul.f32 v38, v34;
	v52 =	vmul.f32 v41, v35;
	v9 =	vsub.f32 v27, v23;
	v13 =	vpop (erf)  }
0x30e: {  	v24 =	vld [tilespmem:$0x1FCF0];
	v10 =	vmul.f32 v43, v42;
	v1 =	vmul.f32 v5, v45;
	v5 =	vpop (erf)  }
0x30f: {  	v63 =	vld [tilespmem:$0x1FE20];
	v3 =	vmul.f32 v4, v3;
	v9 =	vmul.f32 v11, v9;
	v8 =	vnsel vm2, $0x3F800000, v8;
	v11 =	vpop (erf)  }
0x310: {  	vm1 =	vmand vm1, vm0;
	v23 =	vmul.f32 v5, v10;
	v10 =	vld [tilespmem:$0x1FD80];
	v2 =	vmul.f32 v11, v52;
	v11 =	vpop (erf)  }
0x311: {  	(erf) = vrcp.f32 v8;
	v4 =	vnsel vm1, $0x3F800000, v59;
	v5 =	vpop (erf);
	v0 =	vmul.f32 v11, v51;
	v11 =	vld [tilespmem:$0x1FD90]  }
0x312: {  	(erf) = vrcp.f32 v4;
	v3 =	vmul.f32 v5, v3;
	v5 =	vld [tilespmem:$0x1FD60]  }
0x313: {  	v58 =	vld [tilespmem:$0x1FD00]  }
0x314: {  	v15 =	vimm.f32 $0.0e+00;
	v46 =	vsub.f32 v19, v18;
	v7 =	vmul.f32 v62, v60;
	v62 =	vld [tilespmem:$0x1FE10]  }
0x315: {  	v21 =	vsel vm6, $0x3F800000, v15;
	v53 =	vnsel vm6, $0x0, v3;
	v3 =	vld [tilespmem:$0x1FDC0]  }
0x316: {  	v6 =	vmul.f32 v46, v44;
	v2 =	vnsel vm7, $0x0, v2;
	v10 =	vadd.f32 v11, v10;
	v11 =	vld [tilespmem:$0x1FDA0]  }
0x317: {  	v14 =	vsel vm3, $0x3F800000, v15;
	v7 =	vmul.f32 v13, v7;
	v13 =	vadd.f32 v2, v5;
	v5 =	vld [tilespmem:$0x1FD70]  }
0x318: {  	s9 =	sadd.s32 $0x2, s9;
	v55 =	vld [tilespmem:$0x1FDE0];
	v14 =	vadd.f32 v14, v63;
	v6 =	vmul.f32 v12, v6;
	v22 =	vsel vm2, $0x3F800000, v15  }
0x319: {  	p0 =	slt.u32 s9, $0xE;
	v12 =	vimm.f32 $0.0e+00;
	v8 =	vsel vm9, $0x3F800000, v15;
	v59 =	vld [tilespmem:$0x1FE00];
	v0 =	vnsel vm5, $0x0, v0  }
.Ltmp1:
0x31a: {  	v57 =	vld [tilespmem:$0x1FD10];
	v12 =	vsel vm7, $0x3F800000, v12;
	v6 =	vnsel vm9, $0x0, v6;
	v54 =	vpop (erf);
	v16 =	vadd.f32 v0, v13;
	(pc) =	sbr.rel @p0 .LBB2_3-.Ltmp1, $4  }
0x31b: {  	v25 =	vld [tilespmem:$0x1FD30];
	v60 =	vnsel vm3, $0x0, v7;
	v61 =	vpop (erf);
	v10 =	vadd.f32 v3, v10;
	v6 =	vadd.f32 v6, v11  }
0x31c: {  	v13 =	vadd.f32 v60, v62;
	v19 =	vmul.f32 v61, v9;
	v9 =	vld [tilespmem:$0x1FE30];
	v5 =	vadd.f32 v12, v5  }
0x31d: {  	v4 =	vsel vm5, $0x3F800000, v15;
	v11 =	vadd.f32 v8, v55;
	v17 =	vadd.f32 v53, v6;
	v6 =	vld [tilespmem:$0x1FDD0]  }
0x31e: {  	s10 =	sadd.s32 $0x80, s10;
	v20 =	vmul.f32 v54, v1;
	v12 =	vadd.f32 v59, v56;
	v15 =	vadd.f32 v4, v5;
	v4 =	vld [tilespmem:$0x1FDB0]  }
0x31f: {  	_ = 	snop  }
0x320: {  	v0 =	vadd.f32 v21, v11;
	v1 =	vnsel vm4, $0x0, v23  }
0x321: {  	v8 =	vimm.f32 $0.0e+00;
	v61 =	vadd.f32 v17, v16;
	v2 =	vadd.f32 v58, v12  }
0x322: {  	v3 =	vnsel vm2, $0x0, v20;
	v58 =	vadd.f32 v22, v14;
	v60 =	vadd.f32 v57, v25  }
0x323: {  	v7 =	vsel vm4, $0x3F800000, v8;
	v3 =	vadd.f32 v3, v13;
	v1 =	vadd.f32 v1, v4  }
0x324: {  	v5 =	vnsel vm1, $0x0, v19;
	v59 =	vadd.f32 v7, v24;
	v0 =	vadd.f32 v0, v15  }
0x325: {  	v8 =	vsel vm1, $0x3F800000, v8;
	v6 =	vadd.f32 v9, v6;
	v1 =	vadd.f32 v5, v1  }
0x326: {  	v63 =	vadd.f32 v36, v60;
	v5 =	vadd.f32 v8, v59  }
0x327: {  	v62 =	vadd.f32 v39, v6;
	v1 =	vadd.f32 v1, v3  }
0x328: {  	v2 =	vadd.f32 v2, v10;
	v4 =	vadd.f32 v5, v58  }
0x329: {  	v3 =	vadd.f32 v63, v62;
	v1 =	vadd.f32 v1, v61  }
0x32a: {  	s4 =	smul.u32 $0xC0, s3;
	v0 =	vadd.f32 v4, v0  }
0x32b: {  	v2 =	vadd.f32 v3, v2;
	[tilespmem:$0x4400] =	vst v1  }
0x32c: {  	s4 =	sshrl.u32 s4, $0x2;
	[tilespmem:$0x4410] =	vst v0  }
0x32d: {  	s5 =	simm.s32 $0x4400;
	s4 =	sadd.s32 s4, s2;
	[tilespmem:$0x4420] =	vst v2  }
0x32e: {  	[spmem:s4] =	stream.linear.scatter [tilespmem:s5], [sflag:$0x4], $0x30, $0x38;
	[tilespmem:$0x4830] =	vst v63  }
0x32f: {  	s4 =	simm.s32 $0x4  }
0x330: {  	_ =	swait.ge [sflag:s4], $0x30  }
0x331: {  	[sflag:s4] =	ssyncset.done $0x0  }
0x332: {  	[sflag:s4] =	ssyncadd.s32 $0xFFFFFFD0  }
0x333: {  	p0 =	sne.s32 s3, $0x0;
	[bflag:$0x0] =	sbarrier.arrive $0xFFFF  }
0x334: {  	_ =	sfence.sel @p0 $0x180000  }
0x335: {  	[bflag:$0x0] =	sbarrier.arrive @p0 $0xFFFF  }
0x336: {  	_ =	strace @p0 $0x90000047  }
0x337: {  	[bflag:$0x2] =	sbarrier.arrive @p0 $0xFFFF  }
0x338: {  	_ =	shalt @p0  }
.LBB2_5:
0x339: {  	s3 =	simm.s32 $0x44B0  }
0x33a: {  	[tilespmem:s3], [sflag:$0x4] =	stream.linear.gather [spmem:s2], $0x300, $0x38;
	[tilespmem:$0x4830] =	vst v63  }
0x33b: {  	_ =	swait.ge [sflag:s4], $0x300  }
0x33c: {  	[sflag:s4] =	ssyncset.done $0x0  }
0x33d: {  	[sflag:s4] =	ssyncadd.s32 $0xFFFFFD00  }
0x33e: {  	v0 =	vld [tilespmem:$0x44B0]  }
0x33f: {  	v1 =	vld [tilespmem:$0x44C0]  }
0x340: {  	v2 =	vld [tilespmem:$0x44D0]  }
0x341: {  	v3 =	vld [tilespmem:$0x44E0]  }
0x342: {  	v4 =	vld [tilespmem:$0x44F0]  }
0x343: {  	v5 =	vld [tilespmem:$0x4500]  }
0x344: {  	v6 =	vld [tilespmem:$0x4510]  }
0x345: {  	v7 =	vld [tilespmem:$0x4520]  }
0x346: {  	v8 =	vld [tilespmem:$0x4530]  }
0x347: {  	v9 =	vld [tilespmem:$0x4540]  }
0x348: {  	v10 =	vld [tilespmem:$0x4550]  }
0x349: {  	v11 =	vld [tilespmem:$0x4560]  }
0x34a: {  	v12 =	vld [tilespmem:$0x4570];
	v0 =	vadd.f32 $0.0e+00, v0  }
0x34b: {  	v13 =	vld [tilespmem:$0x4580];
	v1 =	vadd.f32 $0.0e+00, v1  }
0x34c: {  	v23 =	vld [tilespmem:$0x4590];
	v0 =	vadd.f32 v3, v0  }
0x34d: {  	v24 =	vld [tilespmem:$0x45A0];
	v1 =	vadd.f32 v4, v1  }
0x34e: {  	v25 =	vld [tilespmem:$0x45B0];
	v0 =	vadd.f32 v6, v0  }
0x34f: {  	v26 =	vld [tilespmem:$0x45C0];
	v1 =	vadd.f32 v7, v1  }
0x350: {  	v27 =	vld [tilespmem:$0x45D0];
	v0 =	vadd.f32 v9, v0  }
0x351: {  	v28 =	vld [tilespmem:$0x45E0];
	v1 =	vadd.f32 v10, v1  }
0x352: {  	v29 =	vld [tilespmem:$0x45F0];
	v0 =	vadd.f32 v12, v0  }
0x353: {  	v30 =	vld [tilespmem:$0x4600];
	v1 =	vadd.f32 v13, v1  }
0x354: {  	v31 =	vld [tilespmem:$0x4610];
	v0 =	vadd.f32 v24, v0  }
0x355: {  	v32 =	vld [tilespmem:$0x4630];
	v1 =	vadd.f32 v25, v1  }
0x356: {  	v33 =	vld [tilespmem:$0x4640];
	v0 =	vadd.f32 v27, v0  }
0x357: {  	v34 =	vld [tilespmem:$0x4660];
	v1 =	vadd.f32 v28, v1  }
0x358: {  	v35 =	vld [tilespmem:$0x4670];
	v0 =	vadd.f32 v30, v0  }
0x359: {  	v36 =	vld [tilespmem:$0x4690];
	v1 =	vadd.f32 v31, v1  }
0x35a: {  	v37 =	vld [tilespmem:$0x46A0];
	v0 =	vadd.f32 v32, v0  }
0x35b: {  	v38 =	vld [tilespmem:$0x46C0];
	v1 =	vadd.f32 v33, v1  }
0x35c: {  	v39 =	vld [tilespmem:$0x46D0];
	v2 =	vadd.f32 $0.0e+00, v2;
	v0 =	vadd.f32 v34, v0  }
0x35d: {  	v40 =	vld [tilespmem:$0x46F0];
	v1 =	vadd.f32 v35, v1  }
0x35e: {  	v41 =	vld [tilespmem:$0x4700];
	v2 =	vadd.f32 v5, v2;
	v0 =	vadd.f32 v36, v0  }
0x35f: {  	v42 =	vld [tilespmem:$0x4720];
	v1 =	vadd.f32 v37, v1  }
0x360: {  	v43 =	vld [tilespmem:$0x4730];
	v2 =	vadd.f32 v8, v2;
	v0 =	vadd.f32 v38, v0  }
0x361: {  	v44 =	vld [tilespmem:$0x4750];
	v1 =	vadd.f32 v39, v1  }
0x362: {  	v45 =	vld [tilespmem:$0x4760];
	v2 =	vadd.f32 v11, v2;
	v0 =	vadd.f32 v40, v0  }
0x363: {  	v46 =	vld [tilespmem:$0x4780];
	v1 =	vadd.f32 v41, v1  }
0x364: {  	v47 =	vld [tilespmem:$0x4790];
	v2 =	vadd.f32 v23, v2;
	v0 =	vadd.f32 v42, v0  }
0x365: {  	v48 =	vld [tilespmem:$0x4620];
	v1 =	vadd.f32 v43, v1  }
0x366: {  	v2 =	vadd.f32 v26, v2;
	v0 =	vadd.f32 v44, v0  }
0x367: {  	v49 =	vld [tilespmem:$0x4650];
	v1 =	vadd.f32 v45, v1  }
0x368: {  	v2 =	vadd.f32 v29, v2;
	v0 =	vadd.f32 v46, v0  }
0x369: {  	v50 =	vld [tilespmem:$0x4680];
	v1 =	vadd.f32 v47, v1  }
0x36a: {  	v2 =	vadd.f32 v48, v2;
	(xrf2) =	vadd.scan.msk.f32 $0xffff, v0  }
0x36b: {  	v51 =	vld [tilespmem:$0x46B0];
	(xrf2) =	vadd.scan.msk.f32 $0xffff, v1  }
0x36c: {  	v52 =	vadd.f32 v49, v2  }
0x36d: {  	v53 =	vld [tilespmem:$0x46E0]  }
0x36e: {  	v1 =	vadd.f32 v50, v52  }
0x36f: {  	v54 =	vld [tilespmem:$0x4710]  }
0x370: {  	v0 =	vadd.f32 v51, v1  }
0x371: {  	v55 =	vld [tilespmem:$0x4740]  }
0x372: {  	v0 =	vadd.f32 v53, v0  }
0x373: {  	v56 =	vld [tilespmem:$0x4770]  }
0x374: {  	v0 =	vadd.f32 v54, v0;
	v57, _, _ =	vpop (xrf2)  }
0x375: {  	v58 =	vld [tilespmem:$0x47A0];
	v59, _, _ =	vpop (xrf2)  }
0x376: {  	v0 =	vadd.f32 v55, v0;
	v60 =	vbroadcast v59, $0xF;
	_ =	sdelay $0x1  }
0x377: {  	v0 =	vadd.f32 v56, v0;
	v61 =	vmax.f32 v60, $1.000000000e+00  }
0x378: {  	(erf) = vrcp.f32 v61  }
0x379: {  	v0 =	vadd.f32 v58, v0;
	_ =	sdelay $0x1  }
0x37a: {  	(xrf2) =	vadd.scan.msk.f32 $0xffff, v0;
	_ =	sdelay $0x4  }
0x37b: {  	v62 =	vbroadcast v57, $0xF  }
0x37c: {  	v2 =	vpop (erf)  }
0x37d: {  	v2 =	vmul.f32 v2, v62;
	_ =	sdelay $0x1  }
0x37e: {  	vm0 =	vgt.f32 v60, $0.0e+00;
	vm1 =	vge.f32 v2, $0.0e+00  }
0x37f: {  	v63, _, _ =	vpop (xrf2);
	vm15 =	vle.f32 v2, $1.000000000e+00;
	vm0 =	vmand vm0, vm1  }
0x380: {  	v1 =	vbroadcast v63, $0xF;
	vm0 =	vmand vm15, vm0  }
0x381: {  	v0 =	vnsel vm0, $0x0, v62  }
0x382: {  	v0 =	vsub.f32 v1, v0;
	_ =	sdelay $0x1  }
0x383: {  	s30 =	simm.s32 $0x0;
	s31 =	simm.s32 $0x47B0;
	[tilespmem:$0x47B0] =	vst v0  }
0x384: {  	[hbm4b:s1+s30] =	stream.linear.scatter [tilespmem:s31], [sflag:$0x4], $0x80, $0x38;
	[tilespmem:$0x4830] =	vst v63  }
0x385: {  	_ =	swait.ge [sflag:s4], $0x80  }
0x386: {  	[sflag:s4] =	ssyncset.done $0x0  }
0x387: {  	[sflag:s4] =	ssyncadd.s32 $0xFFFFFF80  }
0x388: {  	_ =	sfence.sel $0x180000  }
0x389: {  	[bflag:$0x0] =	sbarrier.arrive $0xFFFF  }
0x38a: {  	_ =	strace $0x90000047  }
0x38b: {  	s0 =	sadd.s32 $0x100000, s0;
	[bflag:$0x2] =	sbarrier.arrive $0xFFFF  }
0x38c: {  	[sflag:s0] =	ssyncadd.tile.s32 $0x1;
	_ =	shalt  }
.Lfunc_end2:
_tile_overlayer_lowered:
.L_overlay_start_2:
0x38d: {  	(tag) =	ssettag $0x2  }
0x38e: {  	s0 =	rddreg [dreg:$0x0];
	s2 =	stileid.u32  }
0x38f: {  	s1 =	rddreg [dreg:$0x1];
	p0 =	sne.s32 s2, $0x0  }
0x390: {  	s3 =	rddreg [dreg:$0x2];
	[bflag:$0x3] =	sbarrier.arrive $0xFFFF;
	s2 =	simm.s32 @!p0 $0x1C04  }
0x391: {  	[timem:s3], [sflag:s2] =	dma.local @!p0 [hbm:s0], s1  }
0x392: {  	s0 =	simm.s32 @!p0 $0x4  }
0x393: {  	_ =	swait.ge @!p0 [sflag:s0], s1  }
0x394: {  	s1 =	ssub.s32 @!p0 $0x0, s1;
	[sflag:s0] =	ssyncset.done @!p0 $0x0  }
0x395: {  	[sflag:s0] =	ssyncadd.s32 @!p0 s1  }
0x396: {  	[bflag:$0x3] =	sbarrier.arrive $0xFFFF  }
0x397: {  	_ =	shalt  }

</sc_bundles>
